<compile_context>
chip_gen: v7x
topology: tpu7x:2x2x1
jax: 0.10.2.dev20260603
libtpu: 0.0.44.dev20260713+nightly
codegen_flags: <defaults>
</compile_context>

<pallas_src>
import functools

import jax
import jax.numpy as jnp
from jax import lax
from jax.experimental import pallas as pl
from jax.experimental.pallas import tpu as pltpu
from jax.experimental.pallas import tpu_sc as plsc

N = 10000
E = 320000
DF = 128
H = 64
T = 10
G = 64
HP = 128

NC = 2
NS = 16
NW = NC * NS
EPW = E // NW
CHUNK = 64
GPC = 3
NBUF = 2 * GPC
NFULL = EPW // CHUNK
NGRP = NFULL // GPC
TAILE = EPW - NFULL * CHUNK
RPT = 624
TAIL = N - NS * RPT


def _bn_relu(h, g, b):
    m = jnp.mean(h, axis=0, keepdims=True)
    m2 = jnp.mean(h * h, axis=0, keepdims=True)
    v = m2 - m * m
    return jax.nn.relu((h - m) / jnp.sqrt(v + 1e-5) * g + b)


def _mlp(h, w1, b1, g1, be1, w2, b2, g2, be2):
    h = jnp.dot(h, w1, preferred_element_type=jnp.float32) + b1
    h = _bn_relu(h, g1, be1)
    h = jnp.dot(h, w2, preferred_element_type=jnp.float32) + b2
    h = _bn_relu(h, g2, be2)
    return h


def _pool(h, batch_row):
    onehot = (lax.broadcasted_iota(jnp.int32, (G, N), 0) == batch_row)
    onehot = onehot.astype(jnp.float32)
    pool = jnp.dot(onehot, h, preferred_element_type=jnp.float32)
    cnt = jnp.sum(onehot, axis=1, keepdims=True)
    return pool, cnt


def _first_body(x_ref, w1_ref, b1_ref, g1_ref, be1_ref,
                w2_ref, b2_ref, g2_ref, be2_ref, h_ref):
    h = _mlp(x_ref[...], w1_ref[...], b1_ref[...], g1_ref[...], be1_ref[...],
             w2_ref[...], b2_ref[...], g2_ref[...], be2_ref[...])
    h_ref[...] = jnp.concatenate([h, jnp.zeros_like(h)], axis=1)


def _layer_body(agg_ref, w1_ref, b1_ref, g1_ref, be1_ref,
                w2_ref, b2_ref, g2_ref, be2_ref, h_ref):
    a = agg_ref[...][:, :H]
    xin = a[:N] + a[N:]
    h = _mlp(xin, w1_ref[...], b1_ref[...], g1_ref[...], be1_ref[...],
             w2_ref[...], b2_ref[...], g2_ref[...], be2_ref[...])
    h_ref[...] = jnp.concatenate([h, jnp.zeros_like(h)], axis=1)


def _last_body(agg_ref, b_ref, w1_ref, b1_ref, g1_ref, be1_ref,
               w2_ref, b2_ref, g2_ref, be2_ref, lw_ref, lb_ref, oin_ref,
               out_ref):
    a = agg_ref[...][:, :H]
    xin = a[:N] + a[N:]
    h = _mlp(xin, w1_ref[...], b1_ref[...], g1_ref[...], be1_ref[...],
             w2_ref[...], b2_ref[...], g2_ref[...], be2_ref[...])
    pool, _ = _pool(h, b_ref[...])
    out_ref[...] = (oin_ref[...]
                    + jnp.dot(pool, lw_ref[...], preferred_element_type=jnp.float32)
                    + lb_ref[...])


def _pool_first_body(h_ref, b_ref, lw_ref, lb_ref, out_ref):
    pool, cnt = _pool(h_ref[...][:, :H], b_ref[...])
    out_ref[...] = (jnp.dot(pool, lw_ref[...], preferred_element_type=jnp.float32)
                    + cnt * lb_ref[...])


def _pool_body(h_ref, b_ref, lw_ref, lb_ref, oin_ref, out_ref):
    pool, _ = _pool(h_ref[...][:, :H], b_ref[...])
    out_ref[...] = (oin_ref[...]
                    + jnp.dot(pool, lw_ref[...], preferred_element_type=jnp.float32)
                    + lb_ref[...])


def _zeros_body(z_ref):
    z_ref[...] = jnp.zeros((N, HP), jnp.float32)


_make_zeros = pl.pallas_call(
    _zeros_body,
    out_shape=jax.ShapeDtypeStruct((N, HP), jnp.float32),
)


def _full(*s):
    return pl.BlockSpec(s, lambda: (0,) * len(s))


_xhalf = _full(N, HP)
_agghalf = _full(NC * N, HP)
_w = _full(H, H)
_v = _full(1, H)
_lw = _full(H, T)
_lb = _full(1, T)
_bn = _full(1, N)
_ot = _full(G, T)

_mlp_first = pl.pallas_call(
    _first_body,
    in_specs=[_full(N, DF), _full(DF, H), _v, _v, _v, _w, _v, _v, _v],
    out_specs=_full(N, HP),
    out_shape=jax.ShapeDtypeStruct((N, HP), jnp.float32),
)

_mlp_layer = pl.pallas_call(
    _layer_body,
    in_specs=[_agghalf, _w, _v, _v, _v, _w, _v, _v, _v],
    out_specs=_full(N, HP),
    out_shape=jax.ShapeDtypeStruct((N, HP), jnp.float32),
)

_mlp_last = pl.pallas_call(
    _last_body,
    in_specs=[_agghalf, _bn, _w, _v, _v, _v, _w, _v, _v, _v,
              _lw, _lb, _ot],
    out_specs=_ot,
    out_shape=jax.ShapeDtypeStruct((G, T), jnp.float32),
)

_pool_first = pl.pallas_call(
    _pool_first_body,
    in_specs=[_xhalf, _bn, _lw, _lb],
    out_specs=_ot,
    out_shape=jax.ShapeDtypeStruct((G, T), jnp.float32),
)

_pool_next = pl.pallas_call(
    _pool_body,
    in_specs=[_xhalf, _bn, _lw, _lb, _ot],
    out_specs=_ot,
    out_shape=jax.ShapeDtypeStruct((G, T), jnp.float32),
)


def _edge_agg_body(x_hbm, edge_hbm, zero_hbm, out_hbm,
                   sidxs, didxs, tsidx, tdidx, rows, acc,
                   gsems, ssems, dsems, qsems, tsem):
    cid = lax.axis_index("c")
    sid = lax.axis_index("s")
    wid = sid * NC + cid
    ebase = wid * EPW
    BUF_A = list(range(GPC))
    BUF_B = list(range(GPC, NBUF))

    def wait_scatter(k):
        pltpu.make_async_copy(rows[k], acc.at[didxs[k]], ssems[k]).wait()

    def wait_gather(k):
        pltpu.make_async_copy(x_hbm.at[sidxs[k]], rows[k], gsems[k]).wait()

    def wait_idx(ref, sem):
        pltpu.make_async_copy(edge_hbm.at[pl.ds(0, CHUNK)], ref, sem).wait()

    def fire_scatters(bufs):
        for k in bufs:
            wait_idx(didxs[k], dsems[k])
            wait_gather(k)
            pltpu.make_async_copy(rows[k], acc.at[didxs[k]],
                                  ssems[k]).start(add=True)

    def phase(gi, cur, prv):
        @pl.when(gi > 1)
        def _():
            for k in cur:
                wait_scatter(k)

        base = ebase + gi * (GPC * CHUNK)
        for j, k in enumerate(cur):
            off = base + j * CHUNK
            pltpu.async_copy(edge_hbm.at[pl.ds(off, CHUNK)],
                             sidxs[k], qsems[k])
            pltpu.async_copy(edge_hbm.at[pl.ds(E + off, CHUNK)],
                             didxs[k], dsems[k])
        for k in cur:
            wait_idx(sidxs[k], qsems[k])
            pltpu.make_async_copy(x_hbm.at[sidxs[k]], rows[k],
                                  gsems[k]).start()
        @pl.when(gi > 0)
        def _():
            fire_scatters(prv)

    def body(i, carry):
        @pl.when(i % 2 == 0)
        def _():
            phase(i, BUF_A, BUF_B)

        @pl.when(i % 2 == 1)
        def _():
            phase(i, BUF_B, BUF_A)
        return carry

    for j, k in enumerate(BUF_A):
        off = ebase + j * CHUNK
        pltpu.async_copy(edge_hbm.at[pl.ds(off, CHUNK)], sidxs[k], qsems[k])
        pltpu.async_copy(edge_hbm.at[pl.ds(E + off, CHUNK)],
                         didxs[k], dsems[k])
    for k in BUF_A:
        wait_idx(sidxs[k], qsems[k])
        pltpu.make_async_copy(x_hbm.at[sidxs[k]], rows[k], gsems[k]).start()

    @pl.when(cid == 0)
    def _():
        pltpu.sync_copy(x_hbm.at[pl.ds(sid * RPT, RPT)],
                        acc.at[pl.ds(sid * RPT, RPT)])

        @pl.when(sid == NS - 1)
        def _():
            pltpu.sync_copy(x_hbm.at[pl.ds(NS * RPT, TAIL)],
                            acc.at[pl.ds(NS * RPT, TAIL)])

    @pl.when(cid == 1)
    def _():
        pltpu.sync_copy(zero_hbm.at[pl.ds(sid * RPT, RPT)],
                        acc.at[pl.ds(sid * RPT, RPT)])

        @pl.when(sid == NS - 1)
        def _():
            pltpu.sync_copy(zero_hbm.at[pl.ds(NS * RPT, TAIL)],
                            acc.at[pl.ds(NS * RPT, TAIL)])

    plsc.subcore_barrier()

    lax.fori_loop(1, NGRP, body, 0)
    fire_scatters(BUF_B)
    for k in range(NBUF):
        wait_scatter(k)
    toff = ebase + NFULL * CHUNK
    pltpu.sync_copy(edge_hbm.at[pl.ds(toff, TAILE)], tsidx)
    pltpu.sync_copy(edge_hbm.at[pl.ds(E + toff, TAILE)], tdidx)
    pltpu.async_copy(x_hbm.at[tsidx], rows[0].at[pl.ds(0, TAILE)],
                     tsem).wait()
    pltpu.sync_copy(rows[0].at[pl.ds(0, TAILE)], acc.at[tdidx], add=True)
    plsc.subcore_barrier()
    obase = cid * N + sid * RPT
    pltpu.sync_copy(acc.at[pl.ds(sid * RPT, RPT)],
                    out_hbm.at[pl.ds(obase, RPT)])

    @pl.when(sid == NS - 1)
    def _():
        pltpu.sync_copy(acc.at[pl.ds(NS * RPT, TAIL)],
                        out_hbm.at[pl.ds(cid * N + NS * RPT, TAIL)])


@functools.lru_cache(maxsize=None)
def _edge_agg_kernel():
    return pl.kernel(
        _edge_agg_body,
        out_type=jax.ShapeDtypeStruct((NC * N, HP), jnp.float32),
        mesh=plsc.VectorSubcoreMesh(core_axis_name="c", subcore_axis_name="s",
                                    num_cores=NC, num_subcores=NS),
        scratch_types=[
            [pltpu.VMEM((CHUNK,), jnp.int32) for _ in range(NBUF)],
            [pltpu.VMEM((CHUNK,), jnp.int32) for _ in range(NBUF)],
            pltpu.VMEM((TAILE,), jnp.int32),
            pltpu.VMEM((TAILE,), jnp.int32),
            [pltpu.VMEM((CHUNK, HP), jnp.float32) for _ in range(NBUF)],
            pltpu.VMEM_SHARED((N, HP), jnp.float32),
            [pltpu.SemaphoreType.DMA for _ in range(NBUF)],
            [pltpu.SemaphoreType.DMA for _ in range(NBUF)],
            [pltpu.SemaphoreType.DMA for _ in range(NBUF)],
            [pltpu.SemaphoreType.DMA for _ in range(NBUF)],
            pltpu.SemaphoreType.DMA,
        ],
    )


def _edge_agg(x0, eflat, zeros):
    return _edge_agg_kernel()(x0, eflat, zeros)


def kernel(x, edge_index, batch, fh_W1, fh_b1, fh_g1, fh_be1, fh_W2, fh_b2,
           fh_g2, fh_be2, c1_W1, c1_b1, c1_g1, c1_be1, c1_W2, c1_b2, c1_g2,
           c1_be2, c2_W1, c2_b1, c2_g1, c2_be1, c2_W2, c2_b2, c2_g2, c2_be2,
           lin_W0, lin_b0, lin_W1, lin_b1, lin_W2, lin_b2):
    eflat = edge_index.reshape(2 * E)
    brow = batch.reshape(1, N)
    zeros = _make_zeros()
    r = lambda a: a.reshape(1, -1)

    x0 = _mlp_first(x, fh_W1, r(fh_b1), r(fh_g1), r(fh_be1),
                    fh_W2, r(fh_b2), r(fh_g2), r(fh_be2))
    agg = _edge_agg(x0, eflat, zeros)
    out = _pool_first(x0, brow, lin_W0, r(lin_b0))
    x1 = _mlp_layer(agg, c1_W1, r(c1_b1), r(c1_g1), r(c1_be1),
                    c1_W2, r(c1_b2), r(c1_g2), r(c1_be2))
    agg = _edge_agg(x1, eflat, zeros)
    out = _pool_next(x1, brow, lin_W1, r(lin_b1), out)
    out = _mlp_last(agg, brow, c2_W1, r(c2_b1), r(c2_g1), r(c2_be1),
                    c2_W2, r(c2_b2), r(c2_g2), r(c2_be2),
                    lin_W2, r(lin_b2), out)
    return out

# --- scband reference (transcript-rebuilt; emitter-appended) ---
"""Pipeline reference for scband-gin-71408126263403 (READ-ONLY COPY).

The authoritative reference and input builder live on the scoring server;
editing this copy changes nothing except your own understanding.
"""

import jax, jax.numpy as jnp
import numpy as np

N = 10000
E = 320000
DF = 128
H = 64
T = 10
G = 64

def _p(key, shape, scale=0.05):
    return jax.random.normal(key, shape, dtype=jnp.float32) * scale

def setup_inputs(seed: int = 0):
    key = jax.random.key(seed)
    ks = jax.random.split(key, 64)
    inp = {}
    inp['x'] = jax.random.normal(ks[0], (N, DF), dtype=jnp.float32)
    inp['edge_index'] = jax.random.randint(ks[1], (2, E), 0, N, dtype=jnp.int32)
    inp['batch'] = jnp.sort(jax.random.randint(ks[2], (N,), 0, G, dtype=jnp.int32))
    i = 3
    for pre, din in [('fh', DF), ('c1', H), ('c2', H)]:
        inp[pre + '_W1'] = _p(ks[i], (din, H)); i += 1
        inp[pre + '_b1'] = jnp.zeros((H,), jnp.float32)
        inp[pre + '_g1'] = jnp.ones((H,), jnp.float32)
        inp[pre + '_be1'] = jnp.zeros((H,), jnp.float32)
        inp[pre + '_W2'] = _p(ks[i], (H, H)); i += 1
        inp[pre + '_b2'] = jnp.zeros((H,), jnp.float32)
        inp[pre + '_g2'] = jnp.ones((H,), jnp.float32)
        inp[pre + '_be2'] = jnp.zeros((H,), jnp.float32)
    for j in range(3):
        inp['lin_W%d' % j] = _p(ks[i], (H, T)); i += 1
        inp['lin_b%d' % j] = jnp.zeros((T,), jnp.float32)
    return inp

def _bn_relu(h, g, b):
    m = jnp.mean(h, axis=0)
    v = jnp.var(h, axis=0)
    return jax.nn.relu((h - m) / jnp.sqrt(v + 1e-5) * g + b)

def _mlp(h, W1, b1, g1, be1, W2, b2, g2, be2):
    h = _bn_relu(h @ W1 + b1, g1, be1)
    h = _bn_relu(h @ W2 + b2, g2, be2)
    return h

def reference(x, edge_index, batch, fh_W1, fh_b1, fh_g1, fh_be1, fh_W2, fh_b2, fh_g2, fh_be2, c1_W1, c1_b1, c1_g1, c1_be1, c1_W2, c1_b2, c1_g2, c1_be2, c2_W1, c2_b1, c2_g1, c2_be1, c2_W2, c2_b2, c2_g2, c2_be2, lin_W0, lin_b0, lin_W1, lin_b1, lin_W2, lin_b2):
    src, dst = edge_index[0], edge_index[1]
    # layer 0: first_h MLP, then per-layer readout (linear -> graph add-pool)
    x0 = _mlp(x, fh_W1, fh_b1, fh_g1, fh_be1, fh_W2, fh_b2, fh_g2, fh_be2)
    out = jax.ops.segment_sum(x0 @ lin_W0 + lin_b0, batch, num_segments=G)
    # layer 1: GINConv (eps=0): nn(x + sum_{j->i} x_j), readout (pool -> linear)
    agg = jax.ops.segment_sum(x0[src], dst, num_segments=N)
    x1 = _mlp(x0 + agg, c1_W1, c1_b1, c1_g1, c1_be1, c1_W2, c1_b2, c1_g2, c1_be2)
    out = out + (jax.ops.segment_sum(x1, batch, num_segments=G) @ lin_W1 + lin_b1)
    # layer 2
    agg = jax.ops.segment_sum(x1[src], dst, num_segments=N)
    x2 = _mlp(x1 + agg, c2_W1, c2_b1, c2_g1, c2_be1, c2_W2, c2_b2, c2_g2, c2_be2)
    out = out + (jax.ops.segment_sum(x2, batch, num_segments=G) @ lin_W2 + lin_b2)
    return out

if __name__ == "__main__":
    import jax
    _d = setup_inputs()
    print(jax.jit(kernel)(*tuple(_d.values())))

</pallas_src>

<mosaic_0001>
#map = affine_map<(d0, d1) -> (0, 0)>
#map1 = affine_map<(d0, d1) -> (0)>
module attributes {stable_mosaic.version = 14 : i64} {
  func.func @_edge_agg_body(%arg0: i32, %arg1: i32, %arg2: memref<10000x128xf32, #tpu.memory_space<hbm>>, %arg3: memref<640000xi32, #tpu.memory_space<hbm>>, %arg4: memref<10000x128xf32, #tpu.memory_space<hbm>>, %arg5: memref<20000x128xf32, #tpu.memory_space<hbm>>, %arg6: memref<64xi32, #tpu.memory_space<vmem>>, %arg7: memref<64xi32, #tpu.memory_space<vmem>>, %arg8: memref<64xi32, #tpu.memory_space<vmem>>, %arg9: memref<64xi32, #tpu.memory_space<vmem>>, %arg10: memref<64xi32, #tpu.memory_space<vmem>>, %arg11: memref<64xi32, #tpu.memory_space<vmem>>, %arg12: memref<64xi32, #tpu.memory_space<vmem>>, %arg13: memref<64xi32, #tpu.memory_space<vmem>>, %arg14: memref<64xi32, #tpu.memory_space<vmem>>, %arg15: memref<64xi32, #tpu.memory_space<vmem>>, %arg16: memref<64xi32, #tpu.memory_space<vmem>>, %arg17: memref<64xi32, #tpu.memory_space<vmem>>, %arg18: memref<16xi32, #tpu.memory_space<vmem>>, %arg19: memref<16xi32, #tpu.memory_space<vmem>>, %arg20: memref<64x128xf32, #tpu.memory_space<vmem>>, %arg21: memref<64x128xf32, #tpu.memory_space<vmem>>, %arg22: memref<64x128xf32, #tpu.memory_space<vmem>>, %arg23: memref<64x128xf32, #tpu.memory_space<vmem>>, %arg24: memref<64x128xf32, #tpu.memory_space<vmem>>, %arg25: memref<64x128xf32, #tpu.memory_space<vmem>>, %arg26: memref<10000x128xf32, #tpu.memory_space<vmem_shared>>, %arg27: memref<!tpu.dma_semaphore, #tpu.memory_space<semaphore_mem>>, %arg28: memref<!tpu.dma_semaphore, #tpu.memory_space<semaphore_mem>>, %arg29: memref<!tpu.dma_semaphore, #tpu.memory_space<semaphore_mem>>, %arg30: memref<!tpu.dma_semaphore, #tpu.memory_space<semaphore_mem>>, %arg31: memref<!tpu.dma_semaphore, #tpu.memory_space<semaphore_mem>>, %arg32: memref<!tpu.dma_semaphore, #tpu.memory_space<semaphore_mem>>, %arg33: memref<!tpu.dma_semaphore, #tpu.memory_space<semaphore_mem>>, %arg34: memref<!tpu.dma_semaphore, #tpu.memory_space<semaphore_mem>>, %arg35: memref<!tpu.dma_semaphore, #tpu.memory_space<semaphore_mem>>, %arg36: memref<!tpu.dma_semaphore, #tpu.memory_space<semaphore_mem>>, %arg37: memref<!tpu.dma_semaphore, #tpu.memory_space<semaphore_mem>>, %arg38: memref<!tpu.dma_semaphore, #tpu.memory_space<semaphore_mem>>, %arg39: memref<!tpu.dma_semaphore, #tpu.memory_space<semaphore_mem>>, %arg40: memref<!tpu.dma_semaphore, #tpu.memory_space<semaphore_mem>>, %arg41: memref<!tpu.dma_semaphore, #tpu.memory_space<semaphore_mem>>, %arg42: memref<!tpu.dma_semaphore, #tpu.memory_space<semaphore_mem>>, %arg43: memref<!tpu.dma_semaphore, #tpu.memory_space<semaphore_mem>>, %arg44: memref<!tpu.dma_semaphore, #tpu.memory_space<semaphore_mem>>, %arg45: memref<!tpu.dma_semaphore, #tpu.memory_space<semaphore_mem>>, %arg46: memref<!tpu.dma_semaphore, #tpu.memory_space<semaphore_mem>>, %arg47: memref<!tpu.dma_semaphore, #tpu.memory_space<semaphore_mem>>, %arg48: memref<!tpu.dma_semaphore, #tpu.memory_space<semaphore_mem>>, %arg49: memref<!tpu.dma_semaphore, #tpu.memory_space<semaphore_mem>>, %arg50: memref<!tpu.dma_semaphore, #tpu.memory_space<semaphore_mem>>, %arg51: memref<!tpu.dma_semaphore, #tpu.memory_space<semaphore_mem>>) attributes {dimension_semantics = [#tpu.dimension_semantics<core_parallel>, #tpu.dimension_semantics<subcore_parallel>], iteration_bounds = array<i64: 2, 16>, scalar_prefetch = 0 : i64, scratch_operands = 46 : i64, tpu.core_type = #tpu.core_type<sc_vector_subcore>, window_params = [{transform_indices = #map}, {transform_indices = #map1}, {transform_indices = #map}, {transform_indices = #map}]} {
    %mul3A = arith.constant 2 : i32
    %mul3A_0 = arith.muli %arg1, %mul3A : i32
    %add3A = arith.addi %mul3A_0, %arg0 : i32
    %mul3A_1 = arith.constant 10000 : i32
    %mul3A_2 = arith.muli %add3A, %mul3A_1 : i32
    %add3A_3 = arith.constant 0 : i32
    %add3A_4 = arith.addi %mul3A_2, %add3A_3 : i32
    %dma_start3A = tpu.memref_slice %arg3[%add3A_4] : memref<640000xi32, #tpu.memory_space<hbm>> -> memref<64xi32, #tpu.memory_space<hbm>>
    %dma_start3A_5 = tpu.memref_slice %arg3[%add3A_4] : memref<640000xi32, #tpu.memory_space<hbm>> -> memref<64xi32, #tpu.memory_space<hbm>>
    tpu.enqueue_dma source(%dma_start3A_5 : memref<64xi32, #tpu.memory_space<hbm>>) target(%arg6 : memref<64xi32, #tpu.memory_space<vmem>>) target_semaphore(%arg45 : memref<!tpu.dma_semaphore, #tpu.memory_space<semaphore_mem>>)
    %add3A_6 = arith.constant 320000 : i32
    %add3A_7 = arith.addi %add3A_6, %add3A_4 : i32
    %dma_start3A_8 = tpu.memref_slice %arg3[%add3A_7] : memref<640000xi32, #tpu.memory_space<hbm>> -> memref<64xi32, #tpu.memory_space<hbm>>
    %dma_start3A_9 = tpu.memref_slice %arg3[%add3A_7] : memref<640000xi32, #tpu.memory_space<hbm>> -> memref<64xi32, #tpu.memory_space<hbm>>
    tpu.enqueue_dma source(%dma_start3A_9 : memref<64xi32, #tpu.memory_space<hbm>>) target(%arg12 : memref<64xi32, #tpu.memory_space<vmem>>) target_semaphore(%arg39 : memref<!tpu.dma_semaphore, #tpu.memory_space<semaphore_mem>>)
    %add3A_10 = arith.constant 64 : i32
    %add3A_11 = arith.addi %mul3A_2, %add3A_10 : i32
    %dma_start3A_12 = tpu.memref_slice %arg3[%add3A_11] : memref<640000xi32, #tpu.memory_space<hbm>> -> memref<64xi32, #tpu.memory_space<hbm>>
    %dma_start3A_13 = tpu.memref_slice %arg3[%add3A_11] : memref<640000xi32, #tpu.memory_space<hbm>> -> memref<64xi32, #tpu.memory_space<hbm>>
    tpu.enqueue_dma source(%dma_start3A_13 : memref<64xi32, #tpu.memory_space<hbm>>) target(%arg7 : memref<64xi32, #tpu.memory_space<vmem>>) target_semaphore(%arg46 : memref<!tpu.dma_semaphore, #tpu.memory_space<semaphore_mem>>)
    %add3A_14 = arith.constant 320000 : i32
    %add3A_15 = arith.addi %add3A_14, %add3A_11 : i32
    %dma_start3A_16 = tpu.memref_slice %arg3[%add3A_15] : memref<640000xi32, #tpu.memory_space<hbm>> -> memref<64xi32, #tpu.memory_space<hbm>>
    %dma_start3A_17 = tpu.memref_slice %arg3[%add3A_15] : memref<640000xi32, #tpu.memory_space<hbm>> -> memref<64xi32, #tpu.memory_space<hbm>>
    tpu.enqueue_dma source(%dma_start3A_17 : memref<64xi32, #tpu.memory_space<hbm>>) target(%arg13 : memref<64xi32, #tpu.memory_space<vmem>>) target_semaphore(%arg40 : memref<!tpu.dma_semaphore, #tpu.memory_space<semaphore_mem>>)
    %add3A_18 = arith.constant 128 : i32
    %add3A_19 = arith.addi %mul3A_2, %add3A_18 : i32
    %dma_start3A_20 = tpu.memref_slice %arg3[%add3A_19] : memref<640000xi32, #tpu.memory_space<hbm>> -> memref<64xi32, #tpu.memory_space<hbm>>
    %dma_start3A_21 = tpu.memref_slice %arg3[%add3A_19] : memref<640000xi32, #tpu.memory_space<hbm>> -> memref<64xi32, #tpu.memory_space<hbm>>
    tpu.enqueue_dma source(%dma_start3A_21 : memref<64xi32, #tpu.memory_space<hbm>>) target(%arg8 : memref<64xi32, #tpu.memory_space<vmem>>) target_semaphore(%arg47 : memref<!tpu.dma_semaphore, #tpu.memory_space<semaphore_mem>>)
    %add3A_22 = arith.constant 320000 : i32
    %add3A_23 = arith.addi %add3A_22, %add3A_19 : i32
    %dma_start3A_24 = tpu.memref_slice %arg3[%add3A_23] : memref<640000xi32, #tpu.memory_space<hbm>> -> memref<64xi32, #tpu.memory_space<hbm>>
    %dma_start3A_25 = tpu.memref_slice %arg3[%add3A_23] : memref<640000xi32, #tpu.memory_space<hbm>> -> memref<64xi32, #tpu.memory_space<hbm>>
    tpu.enqueue_dma source(%dma_start3A_25 : memref<64xi32, #tpu.memory_space<hbm>>) target(%arg14 : memref<64xi32, #tpu.memory_space<vmem>>) target_semaphore(%arg41 : memref<!tpu.dma_semaphore, #tpu.memory_space<semaphore_mem>>)
    %dma_wait3A = arith.constant 0 : i32
    %dma_wait3A_26 = tpu.memref_slice %arg3[%dma_wait3A] : memref<640000xi32, #tpu.memory_space<hbm>> -> memref<64xi32, #tpu.memory_space<hbm>>
    %dma_wait3A_27 = arith.constant 0 : i32
    %dma_wait3A_28 = tpu.memref_slice %arg3[%dma_wait3A_27] : memref<640000xi32, #tpu.memory_space<hbm>> -> memref<64xi32, #tpu.memory_space<hbm>>
    tpu.wait_dma2 semaphore(%arg45 : memref<!tpu.dma_semaphore, #tpu.memory_space<semaphore_mem>>) src(%dma_wait3A_28 : memref<64xi32, #tpu.memory_space<hbm>>) dst(%arg6 : memref<64xi32, #tpu.memory_space<vmem>>)
    %dma_start3A_29 = arith.constant 0 : i32
    %dma_start3A_30 = arith.constant 0 : i32
    %dma_start3A_31 = tpu.memref_slice %arg2[%dma_start3A_29, %dma_start3A_30] : memref<10000x128xf32, #tpu.memory_space<hbm>> -> memref<10000x128xf32, #tpu.memory_space<hbm>>
    tpu.enqueue_indirect_dma source(%dma_start3A_31 : memref<10000x128xf32, #tpu.memory_space<hbm>>) target(%arg20 : memref<64x128xf32, #tpu.memory_space<vmem>>) offsets(%arg6 : memref<64xi32, #tpu.memory_space<vmem>>) semaphore(%arg27 : memref<!tpu.dma_semaphore, #tpu.memory_space<semaphore_mem>>)
    %dma_wait3A_32 = arith.constant 0 : i32
    %dma_wait3A_33 = tpu.memref_slice %arg3[%dma_wait3A_32] : memref<640000xi32, #tpu.memory_space<hbm>> -> memref<64xi32, #tpu.memory_space<hbm>>
    %dma_wait3A_34 = arith.constant 0 : i32
    %dma_wait3A_35 = tpu.memref_slice %arg3[%dma_wait3A_34] : memref<640000xi32, #tpu.memory_space<hbm>> -> memref<64xi32, #tpu.memory_space<hbm>>
    tpu.wait_dma2 semaphore(%arg46 : memref<!tpu.dma_semaphore, #tpu.memory_space<semaphore_mem>>) src(%dma_wait3A_35 : memref<64xi32, #tpu.memory_space<hbm>>) dst(%arg7 : memref<64xi32, #tpu.memory_space<vmem>>)
    %dma_start3A_36 = arith.constant 0 : i32
    %dma_start3A_37 = arith.constant 0 : i32
    %dma_start3A_38 = tpu.memref_slice %arg2[%dma_start3A_36, %dma_start3A_37] : memref<10000x128xf32, #tpu.memory_space<hbm>> -> memref<10000x128xf32, #tpu.memory_space<hbm>>
    tpu.enqueue_indirect_dma source(%dma_start3A_38 : memref<10000x128xf32, #tpu.memory_space<hbm>>) target(%arg21 : memref<64x128xf32, #tpu.memory_space<vmem>>) offsets(%arg7 : memref<64xi32, #tpu.memory_space<vmem>>) semaphore(%arg28 : memref<!tpu.dma_semaphore, #tpu.memory_space<semaphore_mem>>)
    %dma_wait3A_39 = arith.constant 0 : i32
    %dma_wait3A_40 = tpu.memref_slice %arg3[%dma_wait3A_39] : memref<640000xi32, #tpu.memory_space<hbm>> -> memref<64xi32, #tpu.memory_space<hbm>>
    %dma_wait3A_41 = arith.constant 0 : i32
    %dma_wait3A_42 = tpu.memref_slice %arg3[%dma_wait3A_41] : memref<640000xi32, #tpu.memory_space<hbm>> -> memref<64xi32, #tpu.memory_space<hbm>>
    tpu.wait_dma2 semaphore(%arg47 : memref<!tpu.dma_semaphore, #tpu.memory_space<semaphore_mem>>) src(%dma_wait3A_42 : memref<64xi32, #tpu.memory_space<hbm>>) dst(%arg8 : memref<64xi32, #tpu.memory_space<vmem>>)
    %dma_start3A_43 = arith.constant 0 : i32
    %dma_start3A_44 = arith.constant 0 : i32
    %dma_start3A_45 = tpu.memref_slice %arg2[%dma_start3A_43, %dma_start3A_44] : memref<10000x128xf32, #tpu.memory_space<hbm>> -> memref<10000x128xf32, #tpu.memory_space<hbm>>
    tpu.enqueue_indirect_dma source(%dma_start3A_45 : memref<10000x128xf32, #tpu.memory_space<hbm>>) target(%arg22 : memref<64x128xf32, #tpu.memory_space<vmem>>) offsets(%arg8 : memref<64xi32, #tpu.memory_space<vmem>>) semaphore(%arg29 : memref<!tpu.dma_semaphore, #tpu.memory_space<semaphore_mem>>)
    %eq3A = arith.constant 0 : i32
    %eq3A_46 = arith.cmpi eq, %arg0, %eq3A : i32
    %convert_element_type3A = arith.extui %eq3A_46 : i1 to i32
    %cond3A = arith.constant 0 : i32
    %cond3A_47 = arith.cmpi ne, %convert_element_type3A, %cond3A : i32
    scf.if %cond3A_47 {
      %mul3A_135 = arith.constant 624 : i32
      %mul3A_136 = arith.muli %arg1, %mul3A_135 : i32
      %mul3A_137 = arith.constant 624 : i32
      %mul3A_138 = arith.muli %arg1, %mul3A_137 : i32
      "tpu.region"() ({
        %run_scoped3A = tpu.sem_alloc : memref<!tpu.dma_semaphore, #tpu.memory_space<semaphore_mem>>
        %dma_start3A_144 = arith.constant 0 : i32
        %dma_start3A_145 = tpu.memref_slice %arg26[%mul3A_138, %dma_start3A_144] : memref<10000x128xf32, #tpu.memory_space<vmem_shared>> -> memref<624x128xf32, #tpu.memory_space<vmem_shared>>
        %dma_start3A_146 = arith.constant 0 : i32
        %dma_start3A_147 = tpu.memref_slice %arg2[%mul3A_136, %dma_start3A_146] : memref<10000x128xf32, #tpu.memory_space<hbm>> -> memref<624x128xf32, #tpu.memory_space<hbm>>
        tpu.enqueue_dma source(%dma_start3A_147 : memref<624x128xf32, #tpu.memory_space<hbm>>) target(%dma_start3A_145 : memref<624x128xf32, #tpu.memory_space<vmem_shared>>) target_semaphore(%run_scoped3A : memref<!tpu.dma_semaphore, #tpu.memory_space<semaphore_mem>>)
        %dma_wait3A_148 = arith.constant 0 : i32
        %dma_wait3A_149 = tpu.memref_slice %arg26[%mul3A_138, %dma_wait3A_148] : memref<10000x128xf32, #tpu.memory_space<vmem_shared>> -> memref<624x128xf32, #tpu.memory_space<vmem_shared>>
        %dma_wait3A_150 = arith.constant 0 : i32
        %dma_wait3A_151 = tpu.memref_slice %arg2[%mul3A_136, %dma_wait3A_150] : memref<10000x128xf32, #tpu.memory_space<hbm>> -> memref<624x128xf32, #tpu.memory_space<hbm>>
        tpu.wait_dma2 semaphore(%run_scoped3A : memref<!tpu.dma_semaphore, #tpu.memory_space<semaphore_mem>>) src(%dma_wait3A_151 : memref<624x128xf32, #tpu.memory_space<hbm>>) dst(%dma_wait3A_149 : memref<624x128xf32, #tpu.memory_space<vmem_shared>>)
        tpu.yield
      }) : () -> ()
      %eq3A_139 = arith.constant 15 : i32
      %eq3A_140 = arith.cmpi eq, %arg1, %eq3A_139 : i32
      %convert_element_type3A_141 = arith.extui %eq3A_140 : i1 to i32
      %cond3A_142 = arith.constant 0 : i32
      %cond3A_143 = arith.cmpi ne, %convert_element_type3A_141, %cond3A_142 : i32
      scf.if %cond3A_143 {
        "tpu.region"() ({
          %run_scoped3A = tpu.sem_alloc : memref<!tpu.dma_semaphore, #tpu.memory_space<semaphore_mem>>
          %dma_start3A_144 = arith.constant 9984 : i32
          %dma_start3A_145 = arith.constant 0 : i32
          %dma_start3A_146 = tpu.memref_slice %arg26[%dma_start3A_144, %dma_start3A_145] : memref<10000x128xf32, #tpu.memory_space<vmem_shared>> -> memref<16x128xf32, #tpu.memory_space<vmem_shared>>
          %dma_start3A_147 = arith.constant 9984 : i32
          %dma_start3A_148 = arith.constant 0 : i32
          %dma_start3A_149 = tpu.memref_slice %arg2[%dma_start3A_147, %dma_start3A_148] : memref<10000x128xf32, #tpu.memory_space<hbm>> -> memref<16x128xf32, #tpu.memory_space<hbm>>
          tpu.enqueue_dma source(%dma_start3A_149 : memref<16x128xf32, #tpu.memory_space<hbm>>) target(%dma_start3A_146 : memref<16x128xf32, #tpu.memory_space<vmem_shared>>) target_semaphore(%run_scoped3A : memref<!tpu.dma_semaphore, #tpu.memory_space<semaphore_mem>>)
          %dma_wait3A_150 = arith.constant 9984 : i32
          %dma_wait3A_151 = arith.constant 0 : i32
          %dma_wait3A_152 = tpu.memref_slice %arg26[%dma_wait3A_150, %dma_wait3A_151] : memref<10000x128xf32, #tpu.memory_space<vmem_shared>> -> memref<16x128xf32, #tpu.memory_space<vmem_shared>>
          %dma_wait3A_153 = arith.constant 9984 : i32
          %dma_wait3A_154 = arith.constant 0 : i32
          %dma_wait3A_155 = tpu.memref_slice %arg2[%dma_wait3A_153, %dma_wait3A_154] : memref<10000x128xf32, #tpu.memory_space<hbm>> -> memref<16x128xf32, #tpu.memory_space<hbm>>
          tpu.wait_dma2 semaphore(%run_scoped3A : memref<!tpu.dma_semaphore, #tpu.memory_space<semaphore_mem>>) src(%dma_wait3A_155 : memref<16x128xf32, #tpu.memory_space<hbm>>) dst(%dma_wait3A_152 : memref<16x128xf32, #tpu.memory_space<vmem_shared>>)
          tpu.yield
        }) : () -> ()
      } else {
      }
    } else {
    }
    %eq3A_48 = arith.constant 1 : i32
    %eq3A_49 = arith.cmpi eq, %arg0, %eq3A_48 : i32
    %convert_element_type3A_50 = arith.extui %eq3A_49 : i1 to i32
    %cond3A_51 = arith.constant 0 : i32
    %cond3A_52 = arith.cmpi ne, %convert_element_type3A_50, %cond3A_51 : i32
    scf.if %cond3A_52 {
      %mul3A_135 = arith.constant 624 : i32
      %mul3A_136 = arith.muli %arg1, %mul3A_135 : i32
      %mul3A_137 = arith.constant 624 : i32
      %mul3A_138 = arith.muli %arg1, %mul3A_137 : i32
      "tpu.region"() ({
        %run_scoped3A = tpu.sem_alloc : memref<!tpu.dma_semaphore, #tpu.memory_space<semaphore_mem>>
        %dma_start3A_144 = arith.constant 0 : i32
        %dma_start3A_145 = tpu.memref_slice %arg26[%mul3A_138, %dma_start3A_144] : memref<10000x128xf32, #tpu.memory_space<vmem_shared>> -> memref<624x128xf32, #tpu.memory_space<vmem_shared>>
        %dma_start3A_146 = arith.constant 0 : i32
        %dma_start3A_147 = tpu.memref_slice %arg4[%mul3A_136, %dma_start3A_146] : memref<10000x128xf32, #tpu.memory_space<hbm>> -> memref<624x128xf32, #tpu.memory_space<hbm>>
        tpu.enqueue_dma source(%dma_start3A_147 : memref<624x128xf32, #tpu.memory_space<hbm>>) target(%dma_start3A_145 : memref<624x128xf32, #tpu.memory_space<vmem_shared>>) target_semaphore(%run_scoped3A : memref<!tpu.dma_semaphore, #tpu.memory_space<semaphore_mem>>)
        %dma_wait3A_148 = arith.constant 0 : i32
        %dma_wait3A_149 = tpu.memref_slice %arg26[%mul3A_138, %dma_wait3A_148] : memref<10000x128xf32, #tpu.memory_space<vmem_shared>> -> memref<624x128xf32, #tpu.memory_space<vmem_shared>>
        %dma_wait3A_150 = arith.constant 0 : i32
        %dma_wait3A_151 = tpu.memref_slice %arg4[%mul3A_136, %dma_wait3A_150] : memref<10000x128xf32, #tpu.memory_space<hbm>> -> memref<624x128xf32, #tpu.memory_space<hbm>>
        tpu.wait_dma2 semaphore(%run_scoped3A : memref<!tpu.dma_semaphore, #tpu.memory_space<semaphore_mem>>) src(%dma_wait3A_151 : memref<624x128xf32, #tpu.memory_space<hbm>>) dst(%dma_wait3A_149 : memref<624x128xf32, #tpu.memory_space<vmem_shared>>)
        tpu.yield
      }) : () -> ()
      %eq3A_139 = arith.constant 15 : i32
      %eq3A_140 = arith.cmpi eq, %arg1, %eq3A_139 : i32
      %convert_element_type3A_141 = arith.extui %eq3A_140 : i1 to i32
      %cond3A_142 = arith.constant 0 : i32
      %cond3A_143 = arith.cmpi ne, %convert_element_type3A_141, %cond3A_142 : i32
      scf.if %cond3A_143 {
        "tpu.region"() ({
          %run_scoped3A = tpu.sem_alloc : memref<!tpu.dma_semaphore, #tpu.memory_space<semaphore_mem>>
          %dma_start3A_144 = arith.constant 9984 : i32
          %dma_start3A_145 = arith.constant 0 : i32
          %dma_start3A_146 = tpu.memref_slice %arg26[%dma_start3A_144, %dma_start3A_145] : memref<10000x128xf32, #tpu.memory_space<vmem_shared>> -> memref<16x128xf32, #tpu.memory_space<vmem_shared>>
          %dma_start3A_147 = arith.constant 9984 : i32
          %dma_start3A_148 = arith.constant 0 : i32
          %dma_start3A_149 = tpu.memref_slice %arg4[%dma_start3A_147, %dma_start3A_148] : memref<10000x128xf32, #tpu.memory_space<hbm>> -> memref<16x128xf32, #tpu.memory_space<hbm>>
          tpu.enqueue_dma source(%dma_start3A_149 : memref<16x128xf32, #tpu.memory_space<hbm>>) target(%dma_start3A_146 : memref<16x128xf32, #tpu.memory_space<vmem_shared>>) target_semaphore(%run_scoped3A : memref<!tpu.dma_semaphore, #tpu.memory_space<semaphore_mem>>)
          %dma_wait3A_150 = arith.constant 9984 : i32
          %dma_wait3A_151 = arith.constant 0 : i32
          %dma_wait3A_152 = tpu.memref_slice %arg26[%dma_wait3A_150, %dma_wait3A_151] : memref<10000x128xf32, #tpu.memory_space<vmem_shared>> -> memref<16x128xf32, #tpu.memory_space<vmem_shared>>
          %dma_wait3A_153 = arith.constant 9984 : i32
          %dma_wait3A_154 = arith.constant 0 : i32
          %dma_wait3A_155 = tpu.memref_slice %arg4[%dma_wait3A_153, %dma_wait3A_154] : memref<10000x128xf32, #tpu.memory_space<hbm>> -> memref<16x128xf32, #tpu.memory_space<hbm>>
          tpu.wait_dma2 semaphore(%run_scoped3A : memref<!tpu.dma_semaphore, #tpu.memory_space<semaphore_mem>>) src(%dma_wait3A_155 : memref<16x128xf32, #tpu.memory_space<hbm>>) dst(%dma_wait3A_152 : memref<16x128xf32, #tpu.memory_space<vmem_shared>>)
          tpu.yield
        }) : () -> ()
      } else {
      }
    } else {
    }
    %barrier3A = arith.constant 0 : index
    tpu.barrier barrier_id(%barrier3A)
    %scan3A = arith.constant 0 : i32
    %scan3A_53 = arith.constant 1 : i32
    %scan3A_54 = arith.constant 51 : i32
    %scan3A_55 = arith.addi %scan3A_53, %scan3A_54 : i32
    %scan3A_56 = arith.constant 1 : i32
    scf.for %scan3A_135 = %scan3A_53 to %scan3A_55 step %scan3A_56  : i32 {
      %jit3A = arith.constant 2 : i32
      %eq3A_136 = arith.constant 0 : i32
      %eq3A_137 = arith.cmpi eq, %jit3A, %eq3A_136 : i32
      %jit3A_138 = arith.constant 1 : i32
      %select_n3A = arith.select %eq3A_137, %jit3A_138, %jit3A : i32
      %rem3A = arith.remsi %scan3A_135, %select_n3A : i32
      %ne3A = arith.constant 0 : i32
      %ne3A_139 = arith.cmpi ne, %rem3A, %ne3A : i32
      %lt3A = arith.constant 0 : i32
      %lt3A_140 = arith.cmpi slt, %rem3A, %lt3A : i32
      %lt3A_141 = arith.constant 0 : i32
      %lt3A_142 = arith.cmpi slt, %select_n3A, %lt3A_141 : i32
      %ne3A_143 = arith.xori %lt3A_140, %lt3A_142 : i1
      %and3A = arith.andi %ne3A_143, %ne3A_139 : i1
      %add3A_144 = arith.addi %rem3A, %select_n3A : i32
      %select_n3A_145 = arith.select %and3A, %add3A_144, %rem3A : i32
      %eq3A_146 = arith.constant 0 : i32
      %eq3A_147 = arith.cmpi eq, %select_n3A_145, %eq3A_146 : i32
      %convert_element_type3A_148 = arith.extui %eq3A_147 : i1 to i32
      %cond3A_149 = arith.constant 0 : i32
      %cond3A_150 = arith.cmpi ne, %convert_element_type3A_148, %cond3A_149 : i32
      scf.if %cond3A_150 {
        %gt3A = arith.constant 1 : i32
        %gt3A_172 = arith.cmpi sgt, %scan3A_135, %gt3A : i32
        %convert_element_type3A_173 = arith.extui %gt3A_172 : i1 to i32
        %cond3A_174 = arith.constant 0 : i32
        %cond3A_175 = arith.cmpi ne, %convert_element_type3A_173, %cond3A_174 : i32
        scf.if %cond3A_175 {
          %dma_wait3A_229 = arith.constant 0 : i32
          %dma_wait3A_230 = arith.constant 0 : i32
          %dma_wait3A_231 = tpu.memref_slice %arg26[%dma_wait3A_229, %dma_wait3A_230] : memref<10000x128xf32, #tpu.memory_space<vmem_shared>> -> memref<10000x128xf32, #tpu.memory_space<vmem_shared>>
          tpu.wait_indirect_dma semaphore(%arg33 : memref<!tpu.dma_semaphore, #tpu.memory_space<semaphore_mem>>) src(%arg20 : memref<64x128xf32, #tpu.memory_space<vmem>>) dst(%dma_wait3A_231 : memref<10000x128xf32, #tpu.memory_space<vmem_shared>>)
          %dma_wait3A_232 = arith.constant 0 : i32
          %dma_wait3A_233 = arith.constant 0 : i32
          %dma_wait3A_234 = tpu.memref_slice %arg26[%dma_wait3A_232, %dma_wait3A_233] : memref<10000x128xf32, #tpu.memory_space<vmem_shared>> -> memref<10000x128xf32, #tpu.memory_space<vmem_shared>>
          tpu.wait_indirect_dma semaphore(%arg34 : memref<!tpu.dma_semaphore, #tpu.memory_space<semaphore_mem>>) src(%arg21 : memref<64x128xf32, #tpu.memory_space<vmem>>) dst(%dma_wait3A_234 : memref<10000x128xf32, #tpu.memory_space<vmem_shared>>)
          %dma_wait3A_235 = arith.constant 0 : i32
          %dma_wait3A_236 = arith.constant 0 : i32
          %dma_wait3A_237 = tpu.memref_slice %arg26[%dma_wait3A_235, %dma_wait3A_236] : memref<10000x128xf32, #tpu.memory_space<vmem_shared>> -> memref<10000x128xf32, #tpu.memory_space<vmem_shared>>
          tpu.wait_indirect_dma semaphore(%arg35 : memref<!tpu.dma_semaphore, #tpu.memory_space<semaphore_mem>>) src(%arg22 : memref<64x128xf32, #tpu.memory_space<vmem>>) dst(%dma_wait3A_237 : memref<10000x128xf32, #tpu.memory_space<vmem_shared>>)
        } else {
        }
        %mul3A_176 = arith.constant 192 : i32
        %mul3A_177 = arith.muli %scan3A_135, %mul3A_176 : i32
        %add3A_178 = arith.addi %mul3A_2, %mul3A_177 : i32
        %add3A_179 = arith.constant 0 : i32
        %add3A_180 = arith.addi %add3A_178, %add3A_179 : i32
        %dma_start3A_181 = tpu.memref_slice %arg3[%add3A_180] : memref<640000xi32, #tpu.memory_space<hbm>> -> memref<64xi32, #tpu.memory_space<hbm>>
        %dma_start3A_182 = tpu.memref_slice %arg3[%add3A_180] : memref<640000xi32, #tpu.memory_space<hbm>> -> memref<64xi32, #tpu.memory_space<hbm>>
        tpu.enqueue_dma source(%dma_start3A_182 : memref<64xi32, #tpu.memory_space<hbm>>) target(%arg6 : memref<64xi32, #tpu.memory_space<vmem>>) target_semaphore(%arg45 : memref<!tpu.dma_semaphore, #tpu.memory_space<semaphore_mem>>)
        %add3A_183 = arith.constant 320000 : i32
        %add3A_184 = arith.addi %add3A_183, %add3A_180 : i32
        %dma_start3A_185 = tpu.memref_slice %arg3[%add3A_184] : memref<640000xi32, #tpu.memory_space<hbm>> -> memref<64xi32, #tpu.memory_space<hbm>>
        %dma_start3A_186 = tpu.memref_slice %arg3[%add3A_184] : memref<640000xi32, #tpu.memory_space<hbm>> -> memref<64xi32, #tpu.memory_space<hbm>>
        tpu.enqueue_dma source(%dma_start3A_186 : memref<64xi32, #tpu.memory_space<hbm>>) target(%arg12 : memref<64xi32, #tpu.memory_space<vmem>>) target_semaphore(%arg39 : memref<!tpu.dma_semaphore, #tpu.memory_space<semaphore_mem>>)
        %add3A_187 = arith.constant 64 : i32
        %add3A_188 = arith.addi %add3A_178, %add3A_187 : i32
        %dma_start3A_189 = tpu.memref_slice %arg3[%add3A_188] : memref<640000xi32, #tpu.memory_space<hbm>> -> memref<64xi32, #tpu.memory_space<hbm>>
        %dma_start3A_190 = tpu.memref_slice %arg3[%add3A_188] : memref<640000xi32, #tpu.memory_space<hbm>> -> memref<64xi32, #tpu.memory_space<hbm>>
        tpu.enqueue_dma source(%dma_start3A_190 : memref<64xi32, #tpu.memory_space<hbm>>) target(%arg7 : memref<64xi32, #tpu.memory_space<vmem>>) target_semaphore(%arg46 : memref<!tpu.dma_semaphore, #tpu.memory_space<semaphore_mem>>)
        %add3A_191 = arith.constant 320000 : i32
        %add3A_192 = arith.addi %add3A_191, %add3A_188 : i32
        %dma_start3A_193 = tpu.memref_slice %arg3[%add3A_192] : memref<640000xi32, #tpu.memory_space<hbm>> -> memref<64xi32, #tpu.memory_space<hbm>>
        %dma_start3A_194 = tpu.memref_slice %arg3[%add3A_192] : memref<640000xi32, #tpu.memory_space<hbm>> -> memref<64xi32, #tpu.memory_space<hbm>>
        tpu.enqueue_dma source(%dma_start3A_194 : memref<64xi32, #tpu.memory_space<hbm>>) target(%arg13 : memref<64xi32, #tpu.memory_space<vmem>>) target_semaphore(%arg40 : memref<!tpu.dma_semaphore, #tpu.memory_space<semaphore_mem>>)
        %add3A_195 = arith.constant 128 : i32
        %add3A_196 = arith.addi %add3A_178, %add3A_195 : i32
        %dma_start3A_197 = tpu.memref_slice %arg3[%add3A_196] : memref<640000xi32, #tpu.memory_space<hbm>> -> memref<64xi32, #tpu.memory_space<hbm>>
        %dma_start3A_198 = tpu.memref_slice %arg3[%add3A_196] : memref<640000xi32, #tpu.memory_space<hbm>> -> memref<64xi32, #tpu.memory_space<hbm>>
        tpu.enqueue_dma source(%dma_start3A_198 : memref<64xi32, #tpu.memory_space<hbm>>) target(%arg8 : memref<64xi32, #tpu.memory_space<vmem>>) target_semaphore(%arg47 : memref<!tpu.dma_semaphore, #tpu.memory_space<semaphore_mem>>)
        %add3A_199 = arith.constant 320000 : i32
        %add3A_200 = arith.addi %add3A_199, %add3A_196 : i32
        %dma_start3A_201 = tpu.memref_slice %arg3[%add3A_200] : memref<640000xi32, #tpu.memory_space<hbm>> -> memref<64xi32, #tpu.memory_space<hbm>>
        %dma_start3A_202 = tpu.memref_slice %arg3[%add3A_200] : memref<640000xi32, #tpu.memory_space<hbm>> -> memref<64xi32, #tpu.memory_space<hbm>>
        tpu.enqueue_dma source(%dma_start3A_202 : memref<64xi32, #tpu.memory_space<hbm>>) target(%arg14 : memref<64xi32, #tpu.memory_space<vmem>>) target_semaphore(%arg41 : memref<!tpu.dma_semaphore, #tpu.memory_space<semaphore_mem>>)
        %dma_wait3A_203 = arith.constant 0 : i32
        %dma_wait3A_204 = tpu.memref_slice %arg3[%dma_wait3A_203] : memref<640000xi32, #tpu.memory_space<hbm>> -> memref<64xi32, #tpu.memory_space<hbm>>
        %dma_wait3A_205 = arith.constant 0 : i32
        %dma_wait3A_206 = tpu.memref_slice %arg3[%dma_wait3A_205] : memref<640000xi32, #tpu.memory_space<hbm>> -> memref<64xi32, #tpu.memory_space<hbm>>
        tpu.wait_dma2 semaphore(%arg45 : memref<!tpu.dma_semaphore, #tpu.memory_space<semaphore_mem>>) src(%dma_wait3A_206 : memref<64xi32, #tpu.memory_space<hbm>>) dst(%arg6 : memref<64xi32, #tpu.memory_space<vmem>>)
        %dma_start3A_207 = arith.constant 0 : i32
        %dma_start3A_208 = arith.constant 0 : i32
        %dma_start3A_209 = tpu.memref_slice %arg2[%dma_start3A_207, %dma_start3A_208] : memref<10000x128xf32, #tpu.memory_space<hbm>> -> memref<10000x128xf32, #tpu.memory_space<hbm>>
        tpu.enqueue_indirect_dma source(%dma_start3A_209 : memref<10000x128xf32, #tpu.memory_space<hbm>>) target(%arg20 : memref<64x128xf32, #tpu.memory_space<vmem>>) offsets(%arg6 : memref<64xi32, #tpu.memory_space<vmem>>) semaphore(%arg27 : memref<!tpu.dma_semaphore, #tpu.memory_space<semaphore_mem>>)
        %dma_wait3A_210 = arith.constant 0 : i32
        %dma_wait3A_211 = tpu.memref_slice %arg3[%dma_wait3A_210] : memref<640000xi32, #tpu.memory_space<hbm>> -> memref<64xi32, #tpu.memory_space<hbm>>
        %dma_wait3A_212 = arith.constant 0 : i32
        %dma_wait3A_213 = tpu.memref_slice %arg3[%dma_wait3A_212] : memref<640000xi32, #tpu.memory_space<hbm>> -> memref<64xi32, #tpu.memory_space<hbm>>
        tpu.wait_dma2 semaphore(%arg46 : memref<!tpu.dma_semaphore, #tpu.memory_space<semaphore_mem>>) src(%dma_wait3A_213 : memref<64xi32, #tpu.memory_space<hbm>>) dst(%arg7 : memref<64xi32, #tpu.memory_space<vmem>>)
        %dma_start3A_214 = arith.constant 0 : i32
        %dma_start3A_215 = arith.constant 0 : i32
        %dma_start3A_216 = tpu.memref_slice %arg2[%dma_start3A_214, %dma_start3A_215] : memref<10000x128xf32, #tpu.memory_space<hbm>> -> memref<10000x128xf32, #tpu.memory_space<hbm>>
        tpu.enqueue_indirect_dma source(%dma_start3A_216 : memref<10000x128xf32, #tpu.memory_space<hbm>>) target(%arg21 : memref<64x128xf32, #tpu.memory_space<vmem>>) offsets(%arg7 : memref<64xi32, #tpu.memory_space<vmem>>) semaphore(%arg28 : memref<!tpu.dma_semaphore, #tpu.memory_space<semaphore_mem>>)
        %dma_wait3A_217 = arith.constant 0 : i32
        %dma_wait3A_218 = tpu.memref_slice %arg3[%dma_wait3A_217] : memref<640000xi32, #tpu.memory_space<hbm>> -> memref<64xi32, #tpu.memory_space<hbm>>
        %dma_wait3A_219 = arith.constant 0 : i32
        %dma_wait3A_220 = tpu.memref_slice %arg3[%dma_wait3A_219] : memref<640000xi32, #tpu.memory_space<hbm>> -> memref<64xi32, #tpu.memory_space<hbm>>
        tpu.wait_dma2 semaphore(%arg47 : memref<!tpu.dma_semaphore, #tpu.memory_space<semaphore_mem>>) src(%dma_wait3A_220 : memref<64xi32, #tpu.memory_space<hbm>>) dst(%arg8 : memref<64xi32, #tpu.memory_space<vmem>>)
        %dma_start3A_221 = arith.constant 0 : i32
        %dma_start3A_222 = arith.constant 0 : i32
        %dma_start3A_223 = tpu.memref_slice %arg2[%dma_start3A_221, %dma_start3A_222] : memref<10000x128xf32, #tpu.memory_space<hbm>> -> memref<10000x128xf32, #tpu.memory_space<hbm>>
        tpu.enqueue_indirect_dma source(%dma_start3A_223 : memref<10000x128xf32, #tpu.memory_space<hbm>>) target(%arg22 : memref<64x128xf32, #tpu.memory_space<vmem>>) offsets(%arg8 : memref<64xi32, #tpu.memory_space<vmem>>) semaphore(%arg29 : memref<!tpu.dma_semaphore, #tpu.memory_space<semaphore_mem>>)
        %gt3A_224 = arith.constant 0 : i32
        %gt3A_225 = arith.cmpi sgt, %scan3A_135, %gt3A_224 : i32
        %convert_element_type3A_226 = arith.extui %gt3A_225 : i1 to i32
        %cond3A_227 = arith.constant 0 : i32
        %cond3A_228 = arith.cmpi ne, %convert_element_type3A_226, %cond3A_227 : i32
        scf.if %cond3A_228 {
          %dma_wait3A_229 = arith.constant 0 : i32
          %dma_wait3A_230 = tpu.memref_slice %arg3[%dma_wait3A_229] : memref<640000xi32, #tpu.memory_space<hbm>> -> memref<64xi32, #tpu.memory_space<hbm>>
          %dma_wait3A_231 = arith.constant 0 : i32
          %dma_wait3A_232 = tpu.memref_slice %arg3[%dma_wait3A_231] : memref<640000xi32, #tpu.memory_space<hbm>> -> memref<64xi32, #tpu.memory_space<hbm>>
          tpu.wait_dma2 semaphore(%arg42 : memref<!tpu.dma_semaphore, #tpu.memory_space<semaphore_mem>>) src(%dma_wait3A_232 : memref<64xi32, #tpu.memory_space<hbm>>) dst(%arg15 : memref<64xi32, #tpu.memory_space<vmem>>)
          %dma_wait3A_233 = arith.constant 0 : i32
          %dma_wait3A_234 = arith.constant 0 : i32
          %dma_wait3A_235 = tpu.memref_slice %arg2[%dma_wait3A_233, %dma_wait3A_234] : memref<10000x128xf32, #tpu.memory_space<hbm>> -> memref<10000x128xf32, #tpu.memory_space<hbm>>
          tpu.wait_indirect_dma semaphore(%arg30 : memref<!tpu.dma_semaphore, #tpu.memory_space<semaphore_mem>>) src(%dma_wait3A_235 : memref<10000x128xf32, #tpu.memory_space<hbm>>) dst(%arg23 : memref<64x128xf32, #tpu.memory_space<vmem>>)
          %dma_start3A_236 = arith.constant 0 : i32
          %dma_start3A_237 = arith.constant 0 : i32
          %dma_start3A_238 = tpu.memref_slice %arg26[%dma_start3A_236, %dma_start3A_237] : memref<10000x128xf32, #tpu.memory_space<vmem_shared>> -> memref<10000x128xf32, #tpu.memory_space<vmem_shared>>
          tpu.enqueue_indirect_dma source(%arg23 : memref<64x128xf32, #tpu.memory_space<vmem>>) target(%dma_start3A_238 : memref<10000x128xf32, #tpu.memory_space<vmem_shared>>) offsets(%arg15 : memref<64xi32, #tpu.memory_space<vmem>>) semaphore(%arg36 : memref<!tpu.dma_semaphore, #tpu.memory_space<semaphore_mem>>) {add = true}
          %dma_wait3A_239 = arith.constant 0 : i32
          %dma_wait3A_240 = tpu.memref_slice %arg3[%dma_wait3A_239] : memref<640000xi32, #tpu.memory_space<hbm>> -> memref<64xi32, #tpu.memory_space<hbm>>
          %dma_wait3A_241 = arith.constant 0 : i32
          %dma_wait3A_242 = tpu.memref_slice %arg3[%dma_wait3A_241] : memref<640000xi32, #tpu.memory_space<hbm>> -> memref<64xi32, #tpu.memory_space<hbm>>
          tpu.wait_dma2 semaphore(%arg43 : memref<!tpu.dma_semaphore, #tpu.memory_space<semaphore_mem>>) src(%dma_wait3A_242 : memref<64xi32, #tpu.memory_space<hbm>>) dst(%arg16 : memref<64xi32, #tpu.memory_space<vmem>>)
          %dma_wait3A_243 = arith.constant 0 : i32
          %dma_wait3A_244 = arith.constant 0 : i32
          %dma_wait3A_245 = tpu.memref_slice %arg2[%dma_wait3A_243, %dma_wait3A_244] : memref<10000x128xf32, #tpu.memory_space<hbm>> -> memref<10000x128xf32, #tpu.memory_space<hbm>>
          tpu.wait_indirect_dma semaphore(%arg31 : memref<!tpu.dma_semaphore, #tpu.memory_space<semaphore_mem>>) src(%dma_wait3A_245 : memref<10000x128xf32, #tpu.memory_space<hbm>>) dst(%arg24 : memref<64x128xf32, #tpu.memory_space<vmem>>)
          %dma_start3A_246 = arith.constant 0 : i32
          %dma_start3A_247 = arith.constant 0 : i32
          %dma_start3A_248 = tpu.memref_slice %arg26[%dma_start3A_246, %dma_start3A_247] : memref<10000x128xf32, #tpu.memory_space<vmem_shared>> -> memref<10000x128xf32, #tpu.memory_space<vmem_shared>>
          tpu.enqueue_indirect_dma source(%arg24 : memref<64x128xf32, #tpu.memory_space<vmem>>) target(%dma_start3A_248 : memref<10000x128xf32, #tpu.memory_space<vmem_shared>>) offsets(%arg16 : memref<64xi32, #tpu.memory_space<vmem>>) semaphore(%arg37 : memref<!tpu.dma_semaphore, #tpu.memory_space<semaphore_mem>>) {add = true}
          %dma_wait3A_249 = arith.constant 0 : i32
          %dma_wait3A_250 = tpu.memref_slice %arg3[%dma_wait3A_249] : memref<640000xi32, #tpu.memory_space<hbm>> -> memref<64xi32, #tpu.memory_space<hbm>>
          %dma_wait3A_251 = arith.constant 0 : i32
          %dma_wait3A_252 = tpu.memref_slice %arg3[%dma_wait3A_251] : memref<640000xi32, #tpu.memory_space<hbm>> -> memref<64xi32, #tpu.memory_space<hbm>>
          tpu.wait_dma2 semaphore(%arg44 : memref<!tpu.dma_semaphore, #tpu.memory_space<semaphore_mem>>) src(%dma_wait3A_252 : memref<64xi32, #tpu.memory_space<hbm>>) dst(%arg17 : memref<64xi32, #tpu.memory_space<vmem>>)
          %dma_wait3A_253 = arith.constant 0 : i32
          %dma_wait3A_254 = arith.constant 0 : i32
          %dma_wait3A_255 = tpu.memref_slice %arg2[%dma_wait3A_253, %dma_wait3A_254] : memref<10000x128xf32, #tpu.memory_space<hbm>> -> memref<10000x128xf32, #tpu.memory_space<hbm>>
          tpu.wait_indirect_dma semaphore(%arg32 : memref<!tpu.dma_semaphore, #tpu.memory_space<semaphore_mem>>) src(%dma_wait3A_255 : memref<10000x128xf32, #tpu.memory_space<hbm>>) dst(%arg25 : memref<64x128xf32, #tpu.memory_space<vmem>>)
          %dma_start3A_256 = arith.constant 0 : i32
          %dma_start3A_257 = arith.constant 0 : i32
          %dma_start3A_258 = tpu.memref_slice %arg26[%dma_start3A_256, %dma_start3A_257] : memref<10000x128xf32, #tpu.memory_space<vmem_shared>> -> memref<10000x128xf32, #tpu.memory_space<vmem_shared>>
          tpu.enqueue_indirect_dma source(%arg25 : memref<64x128xf32, #tpu.memory_space<vmem>>) target(%dma_start3A_258 : memref<10000x128xf32, #tpu.memory_space<vmem_shared>>) offsets(%arg17 : memref<64xi32, #tpu.memory_space<vmem>>) semaphore(%arg38 : memref<!tpu.dma_semaphore, #tpu.memory_space<semaphore_mem>>) {add = true}
        } else {
        }
      } else {
      }
      %jit3A_151 = arith.constant 2 : i32
      %eq3A_152 = arith.constant 0 : i32
      %eq3A_153 = arith.cmpi eq, %jit3A_151, %eq3A_152 : i32
      %jit3A_154 = arith.constant 1 : i32
      %select_n3A_155 = arith.select %eq3A_153, %jit3A_154, %jit3A_151 : i32
      %rem3A_156 = arith.remsi %scan3A_135, %select_n3A_155 : i32
      %ne3A_157 = arith.constant 0 : i32
      %ne3A_158 = arith.cmpi ne, %rem3A_156, %ne3A_157 : i32
      %lt3A_159 = arith.constant 0 : i32
      %lt3A_160 = arith.cmpi slt, %rem3A_156, %lt3A_159 : i32
      %lt3A_161 = arith.constant 0 : i32
      %lt3A_162 = arith.cmpi slt, %select_n3A_155, %lt3A_161 : i32
      %ne3A_163 = arith.xori %lt3A_160, %lt3A_162 : i1
      %and3A_164 = arith.andi %ne3A_163, %ne3A_158 : i1
      %add3A_165 = arith.addi %rem3A_156, %select_n3A_155 : i32
      %select_n3A_166 = arith.select %and3A_164, %add3A_165, %rem3A_156 : i32
      %eq3A_167 = arith.constant 1 : i32
      %eq3A_168 = arith.cmpi eq, %select_n3A_166, %eq3A_167 : i32
      %convert_element_type3A_169 = arith.extui %eq3A_168 : i1 to i32
      %cond3A_170 = arith.constant 0 : i32
      %cond3A_171 = arith.cmpi ne, %convert_element_type3A_169, %cond3A_170 : i32
      scf.if %cond3A_171 {
        %gt3A = arith.constant 1 : i32
        %gt3A_172 = arith.cmpi sgt, %scan3A_135, %gt3A : i32
        %convert_element_type3A_173 = arith.extui %gt3A_172 : i1 to i32
        %cond3A_174 = arith.constant 0 : i32
        %cond3A_175 = arith.cmpi ne, %convert_element_type3A_173, %cond3A_174 : i32
        scf.if %cond3A_175 {
          %dma_wait3A_229 = arith.constant 0 : i32
          %dma_wait3A_230 = arith.constant 0 : i32
          %dma_wait3A_231 = tpu.memref_slice %arg26[%dma_wait3A_229, %dma_wait3A_230] : memref<10000x128xf32, #tpu.memory_space<vmem_shared>> -> memref<10000x128xf32, #tpu.memory_space<vmem_shared>>
          tpu.wait_indirect_dma semaphore(%arg36 : memref<!tpu.dma_semaphore, #tpu.memory_space<semaphore_mem>>) src(%arg23 : memref<64x128xf32, #tpu.memory_space<vmem>>) dst(%dma_wait3A_231 : memref<10000x128xf32, #tpu.memory_space<vmem_shared>>)
          %dma_wait3A_232 = arith.constant 0 : i32
          %dma_wait3A_233 = arith.constant 0 : i32
          %dma_wait3A_234 = tpu.memref_slice %arg26[%dma_wait3A_232, %dma_wait3A_233] : memref<10000x128xf32, #tpu.memory_space<vmem_shared>> -> memref<10000x128xf32, #tpu.memory_space<vmem_shared>>
          tpu.wait_indirect_dma semaphore(%arg37 : memref<!tpu.dma_semaphore, #tpu.memory_space<semaphore_mem>>) src(%arg24 : memref<64x128xf32, #tpu.memory_space<vmem>>) dst(%dma_wait3A_234 : memref<10000x128xf32, #tpu.memory_space<vmem_shared>>)
          %dma_wait3A_235 = arith.constant 0 : i32
          %dma_wait3A_236 = arith.constant 0 : i32
          %dma_wait3A_237 = tpu.memref_slice %arg26[%dma_wait3A_235, %dma_wait3A_236] : memref<10000x128xf32, #tpu.memory_space<vmem_shared>> -> memref<10000x128xf32, #tpu.memory_space<vmem_shared>>
          tpu.wait_indirect_dma semaphore(%arg38 : memref<!tpu.dma_semaphore, #tpu.memory_space<semaphore_mem>>) src(%arg25 : memref<64x128xf32, #tpu.memory_space<vmem>>) dst(%dma_wait3A_237 : memref<10000x128xf32, #tpu.memory_space<vmem_shared>>)
        } else {
        }
        %mul3A_176 = arith.constant 192 : i32
        %mul3A_177 = arith.muli %scan3A_135, %mul3A_176 : i32
        %add3A_178 = arith.addi %mul3A_2, %mul3A_177 : i32
        %add3A_179 = arith.constant 0 : i32
        %add3A_180 = arith.addi %add3A_178, %add3A_179 : i32
        %dma_start3A_181 = tpu.memref_slice %arg3[%add3A_180] : memref<640000xi32, #tpu.memory_space<hbm>> -> memref<64xi32, #tpu.memory_space<hbm>>
        %dma_start3A_182 = tpu.memref_slice %arg3[%add3A_180] : memref<640000xi32, #tpu.memory_space<hbm>> -> memref<64xi32, #tpu.memory_space<hbm>>
        tpu.enqueue_dma source(%dma_start3A_182 : memref<64xi32, #tpu.memory_space<hbm>>) target(%arg9 : memref<64xi32, #tpu.memory_space<vmem>>) target_semaphore(%arg48 : memref<!tpu.dma_semaphore, #tpu.memory_space<semaphore_mem>>)
        %add3A_183 = arith.constant 320000 : i32
        %add3A_184 = arith.addi %add3A_183, %add3A_180 : i32
        %dma_start3A_185 = tpu.memref_slice %arg3[%add3A_184] : memref<640000xi32, #tpu.memory_space<hbm>> -> memref<64xi32, #tpu.memory_space<hbm>>
        %dma_start3A_186 = tpu.memref_slice %arg3[%add3A_184] : memref<640000xi32, #tpu.memory_space<hbm>> -> memref<64xi32, #tpu.memory_space<hbm>>
        tpu.enqueue_dma source(%dma_start3A_186 : memref<64xi32, #tpu.memory_space<hbm>>) target(%arg15 : memref<64xi32, #tpu.memory_space<vmem>>) target_semaphore(%arg42 : memref<!tpu.dma_semaphore, #tpu.memory_space<semaphore_mem>>)
        %add3A_187 = arith.constant 64 : i32
        %add3A_188 = arith.addi %add3A_178, %add3A_187 : i32
        %dma_start3A_189 = tpu.memref_slice %arg3[%add3A_188] : memref<640000xi32, #tpu.memory_space<hbm>> -> memref<64xi32, #tpu.memory_space<hbm>>
        %dma_start3A_190 = tpu.memref_slice %arg3[%add3A_188] : memref<640000xi32, #tpu.memory_space<hbm>> -> memref<64xi32, #tpu.memory_space<hbm>>
        tpu.enqueue_dma source(%dma_start3A_190 : memref<64xi32, #tpu.memory_space<hbm>>) target(%arg10 : memref<64xi32, #tpu.memory_space<vmem>>) target_semaphore(%arg49 : memref<!tpu.dma_semaphore, #tpu.memory_space<semaphore_mem>>)
        %add3A_191 = arith.constant 320000 : i32
        %add3A_192 = arith.addi %add3A_191, %add3A_188 : i32
        %dma_start3A_193 = tpu.memref_slice %arg3[%add3A_192] : memref<640000xi32, #tpu.memory_space<hbm>> -> memref<64xi32, #tpu.memory_space<hbm>>
        %dma_start3A_194 = tpu.memref_slice %arg3[%add3A_192] : memref<640000xi32, #tpu.memory_space<hbm>> -> memref<64xi32, #tpu.memory_space<hbm>>
        tpu.enqueue_dma source(%dma_start3A_194 : memref<64xi32, #tpu.memory_space<hbm>>) target(%arg16 : memref<64xi32, #tpu.memory_space<vmem>>) target_semaphore(%arg43 : memref<!tpu.dma_semaphore, #tpu.memory_space<semaphore_mem>>)
        %add3A_195 = arith.constant 128 : i32
        %add3A_196 = arith.addi %add3A_178, %add3A_195 : i32
        %dma_start3A_197 = tpu.memref_slice %arg3[%add3A_196] : memref<640000xi32, #tpu.memory_space<hbm>> -> memref<64xi32, #tpu.memory_space<hbm>>
        %dma_start3A_198 = tpu.memref_slice %arg3[%add3A_196] : memref<640000xi32, #tpu.memory_space<hbm>> -> memref<64xi32, #tpu.memory_space<hbm>>
        tpu.enqueue_dma source(%dma_start3A_198 : memref<64xi32, #tpu.memory_space<hbm>>) target(%arg11 : memref<64xi32, #tpu.memory_space<vmem>>) target_semaphore(%arg50 : memref<!tpu.dma_semaphore, #tpu.memory_space<semaphore_mem>>)
        %add3A_199 = arith.constant 320000 : i32
        %add3A_200 = arith.addi %add3A_199, %add3A_196 : i32
        %dma_start3A_201 = tpu.memref_slice %arg3[%add3A_200] : memref<640000xi32, #tpu.memory_space<hbm>> -> memref<64xi32, #tpu.memory_space<hbm>>
        %dma_start3A_202 = tpu.memref_slice %arg3[%add3A_200] : memref<640000xi32, #tpu.memory_space<hbm>> -> memref<64xi32, #tpu.memory_space<hbm>>
        tpu.enqueue_dma source(%dma_start3A_202 : memref<64xi32, #tpu.memory_space<hbm>>) target(%arg17 : memref<64xi32, #tpu.memory_space<vmem>>) target_semaphore(%arg44 : memref<!tpu.dma_semaphore, #tpu.memory_space<semaphore_mem>>)
        %dma_wait3A_203 = arith.constant 0 : i32
        %dma_wait3A_204 = tpu.memref_slice %arg3[%dma_wait3A_203] : memref<640000xi32, #tpu.memory_space<hbm>> -> memref<64xi32, #tpu.memory_space<hbm>>
        %dma_wait3A_205 = arith.constant 0 : i32
        %dma_wait3A_206 = tpu.memref_slice %arg3[%dma_wait3A_205] : memref<640000xi32, #tpu.memory_space<hbm>> -> memref<64xi32, #tpu.memory_space<hbm>>
        tpu.wait_dma2 semaphore(%arg48 : memref<!tpu.dma_semaphore, #tpu.memory_space<semaphore_mem>>) src(%dma_wait3A_206 : memref<64xi32, #tpu.memory_space<hbm>>) dst(%arg9 : memref<64xi32, #tpu.memory_space<vmem>>)
        %dma_start3A_207 = arith.constant 0 : i32
        %dma_start3A_208 = arith.constant 0 : i32
        %dma_start3A_209 = tpu.memref_slice %arg2[%dma_start3A_207, %dma_start3A_208] : memref<10000x128xf32, #tpu.memory_space<hbm>> -> memref<10000x128xf32, #tpu.memory_space<hbm>>
        tpu.enqueue_indirect_dma source(%dma_start3A_209 : memref<10000x128xf32, #tpu.memory_space<hbm>>) target(%arg23 : memref<64x128xf32, #tpu.memory_space<vmem>>) offsets(%arg9 : memref<64xi32, #tpu.memory_space<vmem>>) semaphore(%arg30 : memref<!tpu.dma_semaphore, #tpu.memory_space<semaphore_mem>>)
        %dma_wait3A_210 = arith.constant 0 : i32
        %dma_wait3A_211 = tpu.memref_slice %arg3[%dma_wait3A_210] : memref<640000xi32, #tpu.memory_space<hbm>> -> memref<64xi32, #tpu.memory_space<hbm>>
        %dma_wait3A_212 = arith.constant 0 : i32
        %dma_wait3A_213 = tpu.memref_slice %arg3[%dma_wait3A_212] : memref<640000xi32, #tpu.memory_space<hbm>> -> memref<64xi32, #tpu.memory_space<hbm>>
        tpu.wait_dma2 semaphore(%arg49 : memref<!tpu.dma_semaphore, #tpu.memory_space<semaphore_mem>>) src(%dma_wait3A_213 : memref<64xi32, #tpu.memory_space<hbm>>) dst(%arg10 : memref<64xi32, #tpu.memory_space<vmem>>)
        %dma_start3A_214 = arith.constant 0 : i32
        %dma_start3A_215 = arith.constant 0 : i32
        %dma_start3A_216 = tpu.memref_slice %arg2[%dma_start3A_214, %dma_start3A_215] : memref<10000x128xf32, #tpu.memory_space<hbm>> -> memref<10000x128xf32, #tpu.memory_space<hbm>>
        tpu.enqueue_indirect_dma source(%dma_start3A_216 : memref<10000x128xf32, #tpu.memory_space<hbm>>) target(%arg24 : memref<64x128xf32, #tpu.memory_space<vmem>>) offsets(%arg10 : memref<64xi32, #tpu.memory_space<vmem>>) semaphore(%arg31 : memref<!tpu.dma_semaphore, #tpu.memory_space<semaphore_mem>>)
        %dma_wait3A_217 = arith.constant 0 : i32
        %dma_wait3A_218 = tpu.memref_slice %arg3[%dma_wait3A_217] : memref<640000xi32, #tpu.memory_space<hbm>> -> memref<64xi32, #tpu.memory_space<hbm>>
        %dma_wait3A_219 = arith.constant 0 : i32
        %dma_wait3A_220 = tpu.memref_slice %arg3[%dma_wait3A_219] : memref<640000xi32, #tpu.memory_space<hbm>> -> memref<64xi32, #tpu.memory_space<hbm>>
        tpu.wait_dma2 semaphore(%arg50 : memref<!tpu.dma_semaphore, #tpu.memory_space<semaphore_mem>>) src(%dma_wait3A_220 : memref<64xi32, #tpu.memory_space<hbm>>) dst(%arg11 : memref<64xi32, #tpu.memory_space<vmem>>)
        %dma_start3A_221 = arith.constant 0 : i32
        %dma_start3A_222 = arith.constant 0 : i32
        %dma_start3A_223 = tpu.memref_slice %arg2[%dma_start3A_221, %dma_start3A_222] : memref<10000x128xf32, #tpu.memory_space<hbm>> -> memref<10000x128xf32, #tpu.memory_space<hbm>>
        tpu.enqueue_indirect_dma source(%dma_start3A_223 : memref<10000x128xf32, #tpu.memory_space<hbm>>) target(%arg25 : memref<64x128xf32, #tpu.memory_space<vmem>>) offsets(%arg11 : memref<64xi32, #tpu.memory_space<vmem>>) semaphore(%arg32 : memref<!tpu.dma_semaphore, #tpu.memory_space<semaphore_mem>>)
        %gt3A_224 = arith.constant 0 : i32
        %gt3A_225 = arith.cmpi sgt, %scan3A_135, %gt3A_224 : i32
        %convert_element_type3A_226 = arith.extui %gt3A_225 : i1 to i32
        %cond3A_227 = arith.constant 0 : i32
        %cond3A_228 = arith.cmpi ne, %convert_element_type3A_226, %cond3A_227 : i32
        scf.if %cond3A_228 {
          %dma_wait3A_229 = arith.constant 0 : i32
          %dma_wait3A_230 = tpu.memref_slice %arg3[%dma_wait3A_229] : memref<640000xi32, #tpu.memory_space<hbm>> -> memref<64xi32, #tpu.memory_space<hbm>>
          %dma_wait3A_231 = arith.constant 0 : i32
          %dma_wait3A_232 = tpu.memref_slice %arg3[%dma_wait3A_231] : memref<640000xi32, #tpu.memory_space<hbm>> -> memref<64xi32, #tpu.memory_space<hbm>>
          tpu.wait_dma2 semaphore(%arg39 : memref<!tpu.dma_semaphore, #tpu.memory_space<semaphore_mem>>) src(%dma_wait3A_232 : memref<64xi32, #tpu.memory_space<hbm>>) dst(%arg12 : memref<64xi32, #tpu.memory_space<vmem>>)
          %dma_wait3A_233 = arith.constant 0 : i32
          %dma_wait3A_234 = arith.constant 0 : i32
          %dma_wait3A_235 = tpu.memref_slice %arg2[%dma_wait3A_233, %dma_wait3A_234] : memref<10000x128xf32, #tpu.memory_space<hbm>> -> memref<10000x128xf32, #tpu.memory_space<hbm>>
          tpu.wait_indirect_dma semaphore(%arg27 : memref<!tpu.dma_semaphore, #tpu.memory_space<semaphore_mem>>) src(%dma_wait3A_235 : memref<10000x128xf32, #tpu.memory_space<hbm>>) dst(%arg20 : memref<64x128xf32, #tpu.memory_space<vmem>>)
          %dma_start3A_236 = arith.constant 0 : i32
          %dma_start3A_237 = arith.constant 0 : i32
          %dma_start3A_238 = tpu.memref_slice %arg26[%dma_start3A_236, %dma_start3A_237] : memref<10000x128xf32, #tpu.memory_space<vmem_shared>> -> memref<10000x128xf32, #tpu.memory_space<vmem_shared>>
          tpu.enqueue_indirect_dma source(%arg20 : memref<64x128xf32, #tpu.memory_space<vmem>>) target(%dma_start3A_238 : memref<10000x128xf32, #tpu.memory_space<vmem_shared>>) offsets(%arg12 : memref<64xi32, #tpu.memory_space<vmem>>) semaphore(%arg33 : memref<!tpu.dma_semaphore, #tpu.memory_space<semaphore_mem>>) {add = true}
          %dma_wait3A_239 = arith.constant 0 : i32
          %dma_wait3A_240 = tpu.memref_slice %arg3[%dma_wait3A_239] : memref<640000xi32, #tpu.memory_space<hbm>> -> memref<64xi32, #tpu.memory_space<hbm>>
          %dma_wait3A_241 = arith.constant 0 : i32
          %dma_wait3A_242 = tpu.memref_slice %arg3[%dma_wait3A_241] : memref<640000xi32, #tpu.memory_space<hbm>> -> memref<64xi32, #tpu.memory_space<hbm>>
          tpu.wait_dma2 semaphore(%arg40 : memref<!tpu.dma_semaphore, #tpu.memory_space<semaphore_mem>>) src(%dma_wait3A_242 : memref<64xi32, #tpu.memory_space<hbm>>) dst(%arg13 : memref<64xi32, #tpu.memory_space<vmem>>)
          %dma_wait3A_243 = arith.constant 0 : i32
          %dma_wait3A_244 = arith.constant 0 : i32
          %dma_wait3A_245 = tpu.memref_slice %arg2[%dma_wait3A_243, %dma_wait3A_244] : memref<10000x128xf32, #tpu.memory_space<hbm>> -> memref<10000x128xf32, #tpu.memory_space<hbm>>
          tpu.wait_indirect_dma semaphore(%arg28 : memref<!tpu.dma_semaphore, #tpu.memory_space<semaphore_mem>>) src(%dma_wait3A_245 : memref<10000x128xf32, #tpu.memory_space<hbm>>) dst(%arg21 : memref<64x128xf32, #tpu.memory_space<vmem>>)
          %dma_start3A_246 = arith.constant 0 : i32
          %dma_start3A_247 = arith.constant 0 : i32
          %dma_start3A_248 = tpu.memref_slice %arg26[%dma_start3A_246, %dma_start3A_247] : memref<10000x128xf32, #tpu.memory_space<vmem_shared>> -> memref<10000x128xf32, #tpu.memory_space<vmem_shared>>
          tpu.enqueue_indirect_dma source(%arg21 : memref<64x128xf32, #tpu.memory_space<vmem>>) target(%dma_start3A_248 : memref<10000x128xf32, #tpu.memory_space<vmem_shared>>) offsets(%arg13 : memref<64xi32, #tpu.memory_space<vmem>>) semaphore(%arg34 : memref<!tpu.dma_semaphore, #tpu.memory_space<semaphore_mem>>) {add = true}
          %dma_wait3A_249 = arith.constant 0 : i32
          %dma_wait3A_250 = tpu.memref_slice %arg3[%dma_wait3A_249] : memref<640000xi32, #tpu.memory_space<hbm>> -> memref<64xi32, #tpu.memory_space<hbm>>
          %dma_wait3A_251 = arith.constant 0 : i32
          %dma_wait3A_252 = tpu.memref_slice %arg3[%dma_wait3A_251] : memref<640000xi32, #tpu.memory_space<hbm>> -> memref<64xi32, #tpu.memory_space<hbm>>
          tpu.wait_dma2 semaphore(%arg41 : memref<!tpu.dma_semaphore, #tpu.memory_space<semaphore_mem>>) src(%dma_wait3A_252 : memref<64xi32, #tpu.memory_space<hbm>>) dst(%arg14 : memref<64xi32, #tpu.memory_space<vmem>>)
          %dma_wait3A_253 = arith.constant 0 : i32
          %dma_wait3A_254 = arith.constant 0 : i32
          %dma_wait3A_255 = tpu.memref_slice %arg2[%dma_wait3A_253, %dma_wait3A_254] : memref<10000x128xf32, #tpu.memory_space<hbm>> -> memref<10000x128xf32, #tpu.memory_space<hbm>>
          tpu.wait_indirect_dma semaphore(%arg29 : memref<!tpu.dma_semaphore, #tpu.memory_space<semaphore_mem>>) src(%dma_wait3A_255 : memref<10000x128xf32, #tpu.memory_space<hbm>>) dst(%arg22 : memref<64x128xf32, #tpu.memory_space<vmem>>)
          %dma_start3A_256 = arith.constant 0 : i32
          %dma_start3A_257 = arith.constant 0 : i32
          %dma_start3A_258 = tpu.memref_slice %arg26[%dma_start3A_256, %dma_start3A_257] : memref<10000x128xf32, #tpu.memory_space<vmem_shared>> -> memref<10000x128xf32, #tpu.memory_space<vmem_shared>>
          tpu.enqueue_indirect_dma source(%arg22 : memref<64x128xf32, #tpu.memory_space<vmem>>) target(%dma_start3A_258 : memref<10000x128xf32, #tpu.memory_space<vmem_shared>>) offsets(%arg14 : memref<64xi32, #tpu.memory_space<vmem>>) semaphore(%arg35 : memref<!tpu.dma_semaphore, #tpu.memory_space<semaphore_mem>>) {add = true}
        } else {
        }
      } else {
      }
    }
    %scan3A_57 = arith.constant 51 : i32
    %dma_wait3A_58 = arith.constant 0 : i32
    %dma_wait3A_59 = tpu.memref_slice %arg3[%dma_wait3A_58] : memref<640000xi32, #tpu.memory_space<hbm>> -> memref<64xi32, #tpu.memory_space<hbm>>
    %dma_wait3A_60 = arith.constant 0 : i32
    %dma_wait3A_61 = tpu.memref_slice %arg3[%dma_wait3A_60] : memref<640000xi32, #tpu.memory_space<hbm>> -> memref<64xi32, #tpu.memory_space<hbm>>
    tpu.wait_dma2 semaphore(%arg42 : memref<!tpu.dma_semaphore, #tpu.memory_space<semaphore_mem>>) src(%dma_wait3A_61 : memref<64xi32, #tpu.memory_space<hbm>>) dst(%arg15 : memref<64xi32, #tpu.memory_space<vmem>>)
    %dma_wait3A_62 = arith.constant 0 : i32
    %dma_wait3A_63 = arith.constant 0 : i32
    %dma_wait3A_64 = tpu.memref_slice %arg2[%dma_wait3A_62, %dma_wait3A_63] : memref<10000x128xf32, #tpu.memory_space<hbm>> -> memref<10000x128xf32, #tpu.memory_space<hbm>>
    tpu.wait_indirect_dma semaphore(%arg30 : memref<!tpu.dma_semaphore, #tpu.memory_space<semaphore_mem>>) src(%dma_wait3A_64 : memref<10000x128xf32, #tpu.memory_space<hbm>>) dst(%arg23 : memref<64x128xf32, #tpu.memory_space<vmem>>)
    %dma_start3A_65 = arith.constant 0 : i32
    %dma_start3A_66 = arith.constant 0 : i32
    %dma_start3A_67 = tpu.memref_slice %arg26[%dma_start3A_65, %dma_start3A_66] : memref<10000x128xf32, #tpu.memory_space<vmem_shared>> -> memref<10000x128xf32, #tpu.memory_space<vmem_shared>>
    tpu.enqueue_indirect_dma source(%arg23 : memref<64x128xf32, #tpu.memory_space<vmem>>) target(%dma_start3A_67 : memref<10000x128xf32, #tpu.memory_space<vmem_shared>>) offsets(%arg15 : memref<64xi32, #tpu.memory_space<vmem>>) semaphore(%arg36 : memref<!tpu.dma_semaphore, #tpu.memory_space<semaphore_mem>>) {add = true}
    %dma_wait3A_68 = arith.constant 0 : i32
    %dma_wait3A_69 = tpu.memref_slice %arg3[%dma_wait3A_68] : memref<640000xi32, #tpu.memory_space<hbm>> -> memref<64xi32, #tpu.memory_space<hbm>>
    %dma_wait3A_70 = arith.constant 0 : i32
    %dma_wait3A_71 = tpu.memref_slice %arg3[%dma_wait3A_70] : memref<640000xi32, #tpu.memory_space<hbm>> -> memref<64xi32, #tpu.memory_space<hbm>>
    tpu.wait_dma2 semaphore(%arg43 : memref<!tpu.dma_semaphore, #tpu.memory_space<semaphore_mem>>) src(%dma_wait3A_71 : memref<64xi32, #tpu.memory_space<hbm>>) dst(%arg16 : memref<64xi32, #tpu.memory_space<vmem>>)
    %dma_wait3A_72 = arith.constant 0 : i32
    %dma_wait3A_73 = arith.constant 0 : i32
    %dma_wait3A_74 = tpu.memref_slice %arg2[%dma_wait3A_72, %dma_wait3A_73] : memref<10000x128xf32, #tpu.memory_space<hbm>> -> memref<10000x128xf32, #tpu.memory_space<hbm>>
    tpu.wait_indirect_dma semaphore(%arg31 : memref<!tpu.dma_semaphore, #tpu.memory_space<semaphore_mem>>) src(%dma_wait3A_74 : memref<10000x128xf32, #tpu.memory_space<hbm>>) dst(%arg24 : memref<64x128xf32, #tpu.memory_space<vmem>>)
    %dma_start3A_75 = arith.constant 0 : i32
    %dma_start3A_76 = arith.constant 0 : i32
    %dma_start3A_77 = tpu.memref_slice %arg26[%dma_start3A_75, %dma_start3A_76] : memref<10000x128xf32, #tpu.memory_space<vmem_shared>> -> memref<10000x128xf32, #tpu.memory_space<vmem_shared>>
    tpu.enqueue_indirect_dma source(%arg24 : memref<64x128xf32, #tpu.memory_space<vmem>>) target(%dma_start3A_77 : memref<10000x128xf32, #tpu.memory_space<vmem_shared>>) offsets(%arg16 : memref<64xi32, #tpu.memory_space<vmem>>) semaphore(%arg37 : memref<!tpu.dma_semaphore, #tpu.memory_space<semaphore_mem>>) {add = true}
    %dma_wait3A_78 = arith.constant 0 : i32
    %dma_wait3A_79 = tpu.memref_slice %arg3[%dma_wait3A_78] : memref<640000xi32, #tpu.memory_space<hbm>> -> memref<64xi32, #tpu.memory_space<hbm>>
    %dma_wait3A_80 = arith.constant 0 : i32
    %dma_wait3A_81 = tpu.memref_slice %arg3[%dma_wait3A_80] : memref<640000xi32, #tpu.memory_space<hbm>> -> memref<64xi32, #tpu.memory_space<hbm>>
    tpu.wait_dma2 semaphore(%arg44 : memref<!tpu.dma_semaphore, #tpu.memory_space<semaphore_mem>>) src(%dma_wait3A_81 : memref<64xi32, #tpu.memory_space<hbm>>) dst(%arg17 : memref<64xi32, #tpu.memory_space<vmem>>)
    %dma_wait3A_82 = arith.constant 0 : i32
    %dma_wait3A_83 = arith.constant 0 : i32
    %dma_wait3A_84 = tpu.memref_slice %arg2[%dma_wait3A_82, %dma_wait3A_83] : memref<10000x128xf32, #tpu.memory_space<hbm>> -> memref<10000x128xf32, #tpu.memory_space<hbm>>
    tpu.wait_indirect_dma semaphore(%arg32 : memref<!tpu.dma_semaphore, #tpu.memory_space<semaphore_mem>>) src(%dma_wait3A_84 : memref<10000x128xf32, #tpu.memory_space<hbm>>) dst(%arg25 : memref<64x128xf32, #tpu.memory_space<vmem>>)
    %dma_start3A_85 = arith.constant 0 : i32
    %dma_start3A_86 = arith.constant 0 : i32
    %dma_start3A_87 = tpu.memref_slice %arg26[%dma_start3A_85, %dma_start3A_86] : memref<10000x128xf32, #tpu.memory_space<vmem_shared>> -> memref<10000x128xf32, #tpu.memory_space<vmem_shared>>
    tpu.enqueue_indirect_dma source(%arg25 : memref<64x128xf32, #tpu.memory_space<vmem>>) target(%dma_start3A_87 : memref<10000x128xf32, #tpu.memory_space<vmem_shared>>) offsets(%arg17 : memref<64xi32, #tpu.memory_space<vmem>>) semaphore(%arg38 : memref<!tpu.dma_semaphore, #tpu.memory_space<semaphore_mem>>) {add = true}
    %dma_wait3A_88 = arith.constant 0 : i32
    %dma_wait3A_89 = arith.constant 0 : i32
    %dma_wait3A_90 = tpu.memref_slice %arg26[%dma_wait3A_88, %dma_wait3A_89] : memref<10000x128xf32, #tpu.memory_space<vmem_shared>> -> memref<10000x128xf32, #tpu.memory_space<vmem_shared>>
    tpu.wait_indirect_dma semaphore(%arg33 : memref<!tpu.dma_semaphore, #tpu.memory_space<semaphore_mem>>) src(%arg20 : memref<64x128xf32, #tpu.memory_space<vmem>>) dst(%dma_wait3A_90 : memref<10000x128xf32, #tpu.memory_space<vmem_shared>>)
    %dma_wait3A_91 = arith.constant 0 : i32
    %dma_wait3A_92 = arith.constant 0 : i32
    %dma_wait3A_93 = tpu.memref_slice %arg26[%dma_wait3A_91, %dma_wait3A_92] : memref<10000x128xf32, #tpu.memory_space<vmem_shared>> -> memref<10000x128xf32, #tpu.memory_space<vmem_shared>>
    tpu.wait_indirect_dma semaphore(%arg34 : memref<!tpu.dma_semaphore, #tpu.memory_space<semaphore_mem>>) src(%arg21 : memref<64x128xf32, #tpu.memory_space<vmem>>) dst(%dma_wait3A_93 : memref<10000x128xf32, #tpu.memory_space<vmem_shared>>)
    %dma_wait3A_94 = arith.constant 0 : i32
    %dma_wait3A_95 = arith.constant 0 : i32
    %dma_wait3A_96 = tpu.memref_slice %arg26[%dma_wait3A_94, %dma_wait3A_95] : memref<10000x128xf32, #tpu.memory_space<vmem_shared>> -> memref<10000x128xf32, #tpu.memory_space<vmem_shared>>
    tpu.wait_indirect_dma semaphore(%arg35 : memref<!tpu.dma_semaphore, #tpu.memory_space<semaphore_mem>>) src(%arg22 : memref<64x128xf32, #tpu.memory_space<vmem>>) dst(%dma_wait3A_96 : memref<10000x128xf32, #tpu.memory_space<vmem_shared>>)
    %dma_wait3A_97 = arith.constant 0 : i32
    %dma_wait3A_98 = arith.constant 0 : i32
    %dma_wait3A_99 = tpu.memref_slice %arg26[%dma_wait3A_97, %dma_wait3A_98] : memref<10000x128xf32, #tpu.memory_space<vmem_shared>> -> memref<10000x128xf32, #tpu.memory_space<vmem_shared>>
    tpu.wait_indirect_dma semaphore(%arg36 : memref<!tpu.dma_semaphore, #tpu.memory_space<semaphore_mem>>) src(%arg23 : memref<64x128xf32, #tpu.memory_space<vmem>>) dst(%dma_wait3A_99 : memref<10000x128xf32, #tpu.memory_space<vmem_shared>>)
    %dma_wait3A_100 = arith.constant 0 : i32
    %dma_wait3A_101 = arith.constant 0 : i32
    %dma_wait3A_102 = tpu.memref_slice %arg26[%dma_wait3A_100, %dma_wait3A_101] : memref<10000x128xf32, #tpu.memory_space<vmem_shared>> -> memref<10000x128xf32, #tpu.memory_space<vmem_shared>>
    tpu.wait_indirect_dma semaphore(%arg37 : memref<!tpu.dma_semaphore, #tpu.memory_space<semaphore_mem>>) src(%arg24 : memref<64x128xf32, #tpu.memory_space<vmem>>) dst(%dma_wait3A_102 : memref<10000x128xf32, #tpu.memory_space<vmem_shared>>)
    %dma_wait3A_103 = arith.constant 0 : i32
    %dma_wait3A_104 = arith.constant 0 : i32
    %dma_wait3A_105 = tpu.memref_slice %arg26[%dma_wait3A_103, %dma_wait3A_104] : memref<10000x128xf32, #tpu.memory_space<vmem_shared>> -> memref<10000x128xf32, #tpu.memory_space<vmem_shared>>
    tpu.wait_indirect_dma semaphore(%arg38 : memref<!tpu.dma_semaphore, #tpu.memory_space<semaphore_mem>>) src(%arg25 : memref<64x128xf32, #tpu.memory_space<vmem>>) dst(%dma_wait3A_105 : memref<10000x128xf32, #tpu.memory_space<vmem_shared>>)
    %add3A_106 = arith.constant 9984 : i32
    %add3A_107 = arith.addi %mul3A_2, %add3A_106 : i32
    "tpu.region"() ({
      %run_scoped3A = tpu.sem_alloc : memref<!tpu.dma_semaphore, #tpu.memory_space<semaphore_mem>>
      %dma_start3A_135 = tpu.memref_slice %arg3[%add3A_107] : memref<640000xi32, #tpu.memory_space<hbm>> -> memref<16xi32, #tpu.memory_space<hbm>>
      %dma_start3A_136 = tpu.memref_slice %arg3[%add3A_107] : memref<640000xi32, #tpu.memory_space<hbm>> -> memref<16xi32, #tpu.memory_space<hbm>>
      tpu.enqueue_dma source(%dma_start3A_136 : memref<16xi32, #tpu.memory_space<hbm>>) target(%arg18 : memref<16xi32, #tpu.memory_space<vmem>>) target_semaphore(%run_scoped3A : memref<!tpu.dma_semaphore, #tpu.memory_space<semaphore_mem>>)
      %dma_wait3A_137 = tpu.memref_slice %arg3[%add3A_107] : memref<640000xi32, #tpu.memory_space<hbm>> -> memref<16xi32, #tpu.memory_space<hbm>>
      %dma_wait3A_138 = tpu.memref_slice %arg3[%add3A_107] : memref<640000xi32, #tpu.memory_space<hbm>> -> memref<16xi32, #tpu.memory_space<hbm>>
      tpu.wait_dma2 semaphore(%run_scoped3A : memref<!tpu.dma_semaphore, #tpu.memory_space<semaphore_mem>>) src(%dma_wait3A_138 : memref<16xi32, #tpu.memory_space<hbm>>) dst(%arg18 : memref<16xi32, #tpu.memory_space<vmem>>)
      tpu.yield
    }) : () -> ()
    %add3A_108 = arith.constant 320000 : i32
    %add3A_109 = arith.addi %add3A_108, %add3A_107 : i32
    "tpu.region"() ({
      %run_scoped3A = tpu.sem_alloc : memref<!tpu.dma_semaphore, #tpu.memory_space<semaphore_mem>>
      %dma_start3A_135 = tpu.memref_slice %arg3[%add3A_109] : memref<640000xi32, #tpu.memory_space<hbm>> -> memref<16xi32, #tpu.memory_space<hbm>>
      %dma_start3A_136 = tpu.memref_slice %arg3[%add3A_109] : memref<640000xi32, #tpu.memory_space<hbm>> -> memref<16xi32, #tpu.memory_space<hbm>>
      tpu.enqueue_dma source(%dma_start3A_136 : memref<16xi32, #tpu.memory_space<hbm>>) target(%arg19 : memref<16xi32, #tpu.memory_space<vmem>>) target_semaphore(%run_scoped3A : memref<!tpu.dma_semaphore, #tpu.memory_space<semaphore_mem>>)
      %dma_wait3A_137 = tpu.memref_slice %arg3[%add3A_109] : memref<640000xi32, #tpu.memory_space<hbm>> -> memref<16xi32, #tpu.memory_space<hbm>>
      %dma_wait3A_138 = tpu.memref_slice %arg3[%add3A_109] : memref<640000xi32, #tpu.memory_space<hbm>> -> memref<16xi32, #tpu.memory_space<hbm>>
      tpu.wait_dma2 semaphore(%run_scoped3A : memref<!tpu.dma_semaphore, #tpu.memory_space<semaphore_mem>>) src(%dma_wait3A_138 : memref<16xi32, #tpu.memory_space<hbm>>) dst(%arg19 : memref<16xi32, #tpu.memory_space<vmem>>)
      tpu.yield
    }) : () -> ()
    %dma_start3A_110 = arith.constant 0 : i32
    %dma_start3A_111 = arith.constant 0 : i32
    %dma_start3A_112 = tpu.memref_slice %arg20[%dma_start3A_110, %dma_start3A_111] : memref<64x128xf32, #tpu.memory_space<vmem>> -> memref<16x128xf32, #tpu.memory_space<vmem>>
    %dma_start3A_113 = arith.constant 0 : i32
    %dma_start3A_114 = arith.constant 0 : i32
    %dma_start3A_115 = tpu.memref_slice %arg2[%dma_start3A_113, %dma_start3A_114] : memref<10000x128xf32, #tpu.memory_space<hbm>> -> memref<10000x128xf32, #tpu.memory_space<hbm>>
    tpu.enqueue_indirect_dma source(%dma_start3A_115 : memref<10000x128xf32, #tpu.memory_space<hbm>>) target(%dma_start3A_112 : memref<16x128xf32, #tpu.memory_space<vmem>>) offsets(%arg18 : memref<16xi32, #tpu.memory_space<vmem>>) semaphore(%arg51 : memref<!tpu.dma_semaphore, #tpu.memory_space<semaphore_mem>>)
    %dma_wait3A_116 = arith.constant 0 : i32
    %dma_wait3A_117 = arith.constant 0 : i32
    %dma_wait3A_118 = tpu.memref_slice %arg20[%dma_wait3A_116, %dma_wait3A_117] : memref<64x128xf32, #tpu.memory_space<vmem>> -> memref<16x128xf32, #tpu.memory_space<vmem>>
    %dma_wait3A_119 = arith.constant 0 : i32
    %dma_wait3A_120 = arith.constant 0 : i32
    %dma_wait3A_121 = tpu.memref_slice %arg2[%dma_wait3A_119, %dma_wait3A_120] : memref<10000x128xf32, #tpu.memory_space<hbm>> -> memref<10000x128xf32, #tpu.memory_space<hbm>>
    tpu.wait_indirect_dma semaphore(%arg51 : memref<!tpu.dma_semaphore, #tpu.memory_space<semaphore_mem>>) src(%dma_wait3A_121 : memref<10000x128xf32, #tpu.memory_space<hbm>>) dst(%dma_wait3A_118 : memref<16x128xf32, #tpu.memory_space<vmem>>)
    "tpu.region"() ({
      %run_scoped3A = tpu.sem_alloc : memref<!tpu.dma_semaphore, #tpu.memory_space<semaphore_mem>>
      %dma_start3A_135 = arith.constant 0 : i32
      %dma_start3A_136 = arith.constant 0 : i32
      %dma_start3A_137 = tpu.memref_slice %arg20[%dma_start3A_135, %dma_start3A_136] : memref<64x128xf32, #tpu.memory_space<vmem>> -> memref<16x128xf32, #tpu.memory_space<vmem>>
      %dma_start3A_138 = arith.constant 0 : i32
      %dma_start3A_139 = arith.constant 0 : i32
      %dma_start3A_140 = tpu.memref_slice %arg26[%dma_start3A_138, %dma_start3A_139] : memref<10000x128xf32, #tpu.memory_space<vmem_shared>> -> memref<10000x128xf32, #tpu.memory_space<vmem_shared>>
      tpu.enqueue_indirect_dma source(%dma_start3A_137 : memref<16x128xf32, #tpu.memory_space<vmem>>) target(%dma_start3A_140 : memref<10000x128xf32, #tpu.memory_space<vmem_shared>>) offsets(%arg19 : memref<16xi32, #tpu.memory_space<vmem>>) semaphore(%run_scoped3A : memref<!tpu.dma_semaphore, #tpu.memory_space<semaphore_mem>>) {add = true}
      %dma_wait3A_141 = arith.constant 0 : i32
      %dma_wait3A_142 = arith.constant 0 : i32
      %dma_wait3A_143 = tpu.memref_slice %arg20[%dma_wait3A_141, %dma_wait3A_142] : memref<64x128xf32, #tpu.memory_space<vmem>> -> memref<16x128xf32, #tpu.memory_space<vmem>>
      %dma_wait3A_144 = arith.constant 0 : i32
      %dma_wait3A_145 = arith.constant 0 : i32
      %dma_wait3A_146 = tpu.memref_slice %arg26[%dma_wait3A_144, %dma_wait3A_145] : memref<10000x128xf32, #tpu.memory_space<vmem_shared>> -> memref<10000x128xf32, #tpu.memory_space<vmem_shared>>
      tpu.wait_indirect_dma semaphore(%run_scoped3A : memref<!tpu.dma_semaphore, #tpu.memory_space<semaphore_mem>>) src(%dma_wait3A_143 : memref<16x128xf32, #tpu.memory_space<vmem>>) dst(%dma_wait3A_146 : memref<10000x128xf32, #tpu.memory_space<vmem_shared>>)
      tpu.yield
    }) : () -> ()
    %barrier3A_122 = arith.constant 0 : index
    tpu.barrier barrier_id(%barrier3A_122)
    %mul3A_123 = arith.constant 10000 : i32
    %mul3A_124 = arith.muli %arg0, %mul3A_123 : i32
    %mul3A_125 = arith.constant 624 : i32
    %mul3A_126 = arith.muli %arg1, %mul3A_125 : i32
    %add3A_127 = arith.addi %mul3A_124, %mul3A_126 : i32
    %mul3A_128 = arith.constant 624 : i32
    %mul3A_129 = arith.muli %arg1, %mul3A_128 : i32
    "tpu.region"() ({
      %run_scoped3A = tpu.sem_alloc : memref<!tpu.dma_semaphore, #tpu.memory_space<semaphore_mem>>
      %dma_start3A_135 = arith.constant 0 : i32
      %dma_start3A_136 = tpu.memref_slice %arg5[%add3A_127, %dma_start3A_135] : memref<20000x128xf32, #tpu.memory_space<hbm>> -> memref<624x128xf32, #tpu.memory_space<hbm>>
      %dma_start3A_137 = arith.constant 0 : i32
      %dma_start3A_138 = tpu.memref_slice %arg26[%mul3A_129, %dma_start3A_137] : memref<10000x128xf32, #tpu.memory_space<vmem_shared>> -> memref<624x128xf32, #tpu.memory_space<vmem_shared>>
      tpu.enqueue_dma source(%dma_start3A_138 : memref<624x128xf32, #tpu.memory_space<vmem_shared>>) target(%dma_start3A_136 : memref<624x128xf32, #tpu.memory_space<hbm>>) target_semaphore(%run_scoped3A : memref<!tpu.dma_semaphore, #tpu.memory_space<semaphore_mem>>)
      %dma_wait3A_139 = arith.constant 0 : i32
      %dma_wait3A_140 = tpu.memref_slice %arg5[%add3A_127, %dma_wait3A_139] : memref<20000x128xf32, #tpu.memory_space<hbm>> -> memref<624x128xf32, #tpu.memory_space<hbm>>
      %dma_wait3A_141 = arith.constant 0 : i32
      %dma_wait3A_142 = tpu.memref_slice %arg26[%mul3A_129, %dma_wait3A_141] : memref<10000x128xf32, #tpu.memory_space<vmem_shared>> -> memref<624x128xf32, #tpu.memory_space<vmem_shared>>
      tpu.wait_dma2 semaphore(%run_scoped3A : memref<!tpu.dma_semaphore, #tpu.memory_space<semaphore_mem>>) src(%dma_wait3A_142 : memref<624x128xf32, #tpu.memory_space<vmem_shared>>) dst(%dma_wait3A_140 : memref<624x128xf32, #tpu.memory_space<hbm>>)
      tpu.yield
    }) : () -> ()
    %eq3A_130 = arith.constant 15 : i32
    %eq3A_131 = arith.cmpi eq, %arg1, %eq3A_130 : i32
    %convert_element_type3A_132 = arith.extui %eq3A_131 : i1 to i32
    %cond3A_133 = arith.constant 0 : i32
    %cond3A_134 = arith.cmpi ne, %convert_element_type3A_132, %cond3A_133 : i32
    scf.if %cond3A_134 {
      %mul3A_135 = arith.constant 10000 : i32
      %mul3A_136 = arith.muli %arg0, %mul3A_135 : i32
      %add3A_137 = arith.constant 9984 : i32
      %add3A_138 = arith.addi %mul3A_136, %add3A_137 : i32
      "tpu.region"() ({
        %run_scoped3A = tpu.sem_alloc : memref<!tpu.dma_semaphore, #tpu.memory_space<semaphore_mem>>
        %dma_start3A_139 = arith.constant 0 : i32
        %dma_start3A_140 = tpu.memref_slice %arg5[%add3A_138, %dma_start3A_139] : memref<20000x128xf32, #tpu.memory_space<hbm>> -> memref<16x128xf32, #tpu.memory_space<hbm>>
        %dma_start3A_141 = arith.constant 9984 : i32
        %dma_start3A_142 = arith.constant 0 : i32
        %dma_start3A_143 = tpu.memref_slice %arg26[%dma_start3A_141, %dma_start3A_142] : memref<10000x128xf32, #tpu.memory_space<vmem_shared>> -> memref<16x128xf32, #tpu.memory_space<vmem_shared>>
        tpu.enqueue_dma source(%dma_start3A_143 : memref<16x128xf32, #tpu.memory_space<vmem_shared>>) target(%dma_start3A_140 : memref<16x128xf32, #tpu.memory_space<hbm>>) target_semaphore(%run_scoped3A : memref<!tpu.dma_semaphore, #tpu.memory_space<semaphore_mem>>)
        %dma_wait3A_144 = arith.constant 0 : i32
        %dma_wait3A_145 = tpu.memref_slice %arg5[%add3A_138, %dma_wait3A_144] : memref<20000x128xf32, #tpu.memory_space<hbm>> -> memref<16x128xf32, #tpu.memory_space<hbm>>
        %dma_wait3A_146 = arith.constant 9984 : i32
        %dma_wait3A_147 = arith.constant 0 : i32
        %dma_wait3A_148 = tpu.memref_slice %arg26[%dma_wait3A_146, %dma_wait3A_147] : memref<10000x128xf32, #tpu.memory_space<vmem_shared>> -> memref<16x128xf32, #tpu.memory_space<vmem_shared>>
        tpu.wait_dma2 semaphore(%run_scoped3A : memref<!tpu.dma_semaphore, #tpu.memory_space<semaphore_mem>>) src(%dma_wait3A_148 : memref<16x128xf32, #tpu.memory_space<vmem_shared>>) dst(%dma_wait3A_145 : memref<16x128xf32, #tpu.memory_space<hbm>>)
        tpu.yield
      }) : () -> ()
    } else {
    }
    return
  }
}

#map = affine_map<(d0, d1) -> (0, 0)>
#map1 = affine_map<(d0, d1) -> (0)>
module attributes {stable_mosaic.version = 14 : i64} {
  func.func @_edge_agg_body(%arg0: i32, %arg1: i32, %arg2: memref<10000x128xf32, #tpu.memory_space<hbm>>, %arg3: memref<640000xi32, #tpu.memory_space<hbm>>, %arg4: memref<10000x128xf32, #tpu.memory_space<hbm>>, %arg5: memref<20000x128xf32, #tpu.memory_space<hbm>>, %arg6: memref<64xi32, #tpu.memory_space<vmem>>, %arg7: memref<64xi32, #tpu.memory_space<vmem>>, %arg8: memref<64xi32, #tpu.memory_space<vmem>>, %arg9: memref<64xi32, #tpu.memory_space<vmem>>, %arg10: memref<64xi32, #tpu.memory_space<vmem>>, %arg11: memref<64xi32, #tpu.memory_space<vmem>>, %arg12: memref<64xi32, #tpu.memory_space<vmem>>, %arg13: memref<64xi32, #tpu.memory_space<vmem>>, %arg14: memref<64xi32, #tpu.memory_space<vmem>>, %arg15: memref<64xi32, #tpu.memory_space<vmem>>, %arg16: memref<64xi32, #tpu.memory_space<vmem>>, %arg17: memref<64xi32, #tpu.memory_space<vmem>>, %arg18: memref<16xi32, #tpu.memory_space<vmem>>, %arg19: memref<16xi32, #tpu.memory_space<vmem>>, %arg20: memref<64x128xf32, #tpu.memory_space<vmem>>, %arg21: memref<64x128xf32, #tpu.memory_space<vmem>>, %arg22: memref<64x128xf32, #tpu.memory_space<vmem>>, %arg23: memref<64x128xf32, #tpu.memory_space<vmem>>, %arg24: memref<64x128xf32, #tpu.memory_space<vmem>>, %arg25: memref<64x128xf32, #tpu.memory_space<vmem>>, %arg26: memref<10000x128xf32, #tpu.memory_space<vmem_shared>>, %arg27: memref<!tpu.dma_semaphore, #tpu.memory_space<semaphore_mem>>, %arg28: memref<!tpu.dma_semaphore, #tpu.memory_space<semaphore_mem>>, %arg29: memref<!tpu.dma_semaphore, #tpu.memory_space<semaphore_mem>>, %arg30: memref<!tpu.dma_semaphore, #tpu.memory_space<semaphore_mem>>, %arg31: memref<!tpu.dma_semaphore, #tpu.memory_space<semaphore_mem>>, %arg32: memref<!tpu.dma_semaphore, #tpu.memory_space<semaphore_mem>>, %arg33: memref<!tpu.dma_semaphore, #tpu.memory_space<semaphore_mem>>, %arg34: memref<!tpu.dma_semaphore, #tpu.memory_space<semaphore_mem>>, %arg35: memref<!tpu.dma_semaphore, #tpu.memory_space<semaphore_mem>>, %arg36: memref<!tpu.dma_semaphore, #tpu.memory_space<semaphore_mem>>, %arg37: memref<!tpu.dma_semaphore, #tpu.memory_space<semaphore_mem>>, %arg38: memref<!tpu.dma_semaphore, #tpu.memory_space<semaphore_mem>>, %arg39: memref<!tpu.dma_semaphore, #tpu.memory_space<semaphore_mem>>, %arg40: memref<!tpu.dma_semaphore, #tpu.memory_space<semaphore_mem>>, %arg41: memref<!tpu.dma_semaphore, #tpu.memory_space<semaphore_mem>>, %arg42: memref<!tpu.dma_semaphore, #tpu.memory_space<semaphore_mem>>, %arg43: memref<!tpu.dma_semaphore, #tpu.memory_space<semaphore_mem>>, %arg44: memref<!tpu.dma_semaphore, #tpu.memory_space<semaphore_mem>>, %arg45: memref<!tpu.dma_semaphore, #tpu.memory_space<semaphore_mem>>, %arg46: memref<!tpu.dma_semaphore, #tpu.memory_space<semaphore_mem>>, %arg47: memref<!tpu.dma_semaphore, #tpu.memory_space<semaphore_mem>>, %arg48: memref<!tpu.dma_semaphore, #tpu.memory_space<semaphore_mem>>, %arg49: memref<!tpu.dma_semaphore, #tpu.memory_space<semaphore_mem>>, %arg50: memref<!tpu.dma_semaphore, #tpu.memory_space<semaphore_mem>>, %arg51: memref<!tpu.dma_semaphore, #tpu.memory_space<semaphore_mem>>) attributes {dimension_semantics = [#tpu.dimension_semantics<core_parallel>, #tpu.dimension_semantics<subcore_parallel>], iteration_bounds = array<i64: 2, 16>, scalar_prefetch = 0 : i64, scratch_operands = 46 : i64, tpu.core_type = #tpu.core_type<sc_vector_subcore>, window_params = [{transform_indices = #map}, {transform_indices = #map1}, {transform_indices = #map}, {transform_indices = #map}]} {
    %mul3A = arith.constant 2 : i32
    %mul3A_0 = arith.muli %arg1, %mul3A : i32
    %add3A = arith.addi %mul3A_0, %arg0 : i32
    %mul3A_1 = arith.constant 10000 : i32
    %mul3A_2 = arith.muli %add3A, %mul3A_1 : i32
    %add3A_3 = arith.constant 0 : i32
    %add3A_4 = arith.addi %mul3A_2, %add3A_3 : i32
    %dma_start3A = tpu.memref_slice %arg3[%add3A_4] : memref<640000xi32, #tpu.memory_space<hbm>> -> memref<64xi32, #tpu.memory_space<hbm>>
    %dma_start3A_5 = tpu.memref_slice %arg3[%add3A_4] : memref<640000xi32, #tpu.memory_space<hbm>> -> memref<64xi32, #tpu.memory_space<hbm>>
    tpu.enqueue_dma source(%dma_start3A_5 : memref<64xi32, #tpu.memory_space<hbm>>) target(%arg6 : memref<64xi32, #tpu.memory_space<vmem>>) target_semaphore(%arg45 : memref<!tpu.dma_semaphore, #tpu.memory_space<semaphore_mem>>)
    %add3A_6 = arith.constant 320000 : i32
    %add3A_7 = arith.addi %add3A_6, %add3A_4 : i32
    %dma_start3A_8 = tpu.memref_slice %arg3[%add3A_7] : memref<640000xi32, #tpu.memory_space<hbm>> -> memref<64xi32, #tpu.memory_space<hbm>>
    %dma_start3A_9 = tpu.memref_slice %arg3[%add3A_7] : memref<640000xi32, #tpu.memory_space<hbm>> -> memref<64xi32, #tpu.memory_space<hbm>>
    tpu.enqueue_dma source(%dma_start3A_9 : memref<64xi32, #tpu.memory_space<hbm>>) target(%arg12 : memref<64xi32, #tpu.memory_space<vmem>>) target_semaphore(%arg39 : memref<!tpu.dma_semaphore, #tpu.memory_space<semaphore_mem>>)
    %add3A_10 = arith.constant 64 : i32
    %add3A_11 = arith.addi %mul3A_2, %add3A_10 : i32
    %dma_start3A_12 = tpu.memref_slice %arg3[%add3A_11] : memref<640000xi32, #tpu.memory_space<hbm>> -> memref<64xi32, #tpu.memory_space<hbm>>
    %dma_start3A_13 = tpu.memref_slice %arg3[%add3A_11] : memref<640000xi32, #tpu.memory_space<hbm>> -> memref<64xi32, #tpu.memory_space<hbm>>
    tpu.enqueue_dma source(%dma_start3A_13 : memref<64xi32, #tpu.memory_space<hbm>>) target(%arg7 : memref<64xi32, #tpu.memory_space<vmem>>) target_semaphore(%arg46 : memref<!tpu.dma_semaphore, #tpu.memory_space<semaphore_mem>>)
    %add3A_14 = arith.constant 320000 : i32
    %add3A_15 = arith.addi %add3A_14, %add3A_11 : i32
    %dma_start3A_16 = tpu.memref_slice %arg3[%add3A_15] : memref<640000xi32, #tpu.memory_space<hbm>> -> memref<64xi32, #tpu.memory_space<hbm>>
    %dma_start3A_17 = tpu.memref_slice %arg3[%add3A_15] : memref<640000xi32, #tpu.memory_space<hbm>> -> memref<64xi32, #tpu.memory_space<hbm>>
    tpu.enqueue_dma source(%dma_start3A_17 : memref<64xi32, #tpu.memory_space<hbm>>) target(%arg13 : memref<64xi32, #tpu.memory_space<vmem>>) target_semaphore(%arg40 : memref<!tpu.dma_semaphore, #tpu.memory_space<semaphore_mem>>)
    %add3A_18 = arith.constant 128 : i32
    %add3A_19 = arith.addi %mul3A_2, %add3A_18 : i32
    %dma_start3A_20 = tpu.memref_slice %arg3[%add3A_19] : memref<640000xi32, #tpu.memory_space<hbm>> -> memref<64xi32, #tpu.memory_space<hbm>>
    %dma_start3A_21 = tpu.memref_slice %arg3[%add3A_19] : memref<640000xi32, #tpu.memory_space<hbm>> -> memref<64xi32, #tpu.memory_space<hbm>>
    tpu.enqueue_dma source(%dma_start3A_21 : memref<64xi32, #tpu.memory_space<hbm>>) target(%arg8 : memref<64xi32, #tpu.memory_space<vmem>>) target_semaphore(%arg47 : memref<!tpu.dma_semaphore, #tpu.memory_space<semaphore_mem>>)
    %add3A_22 = arith.constant 320000 : i32
    %add3A_23 = arith.addi %add3A_22, %add3A_19 : i32
    %dma_start3A_24 = tpu.memref_slice %arg3[%add3A_23] : memref<640000xi32, #tpu.memory_space<hbm>> -> memref<64xi32, #tpu.memory_space<hbm>>
    %dma_start3A_25 = tpu.memref_slice %arg3[%add3A_23] : memref<640000xi32, #tpu.memory_space<hbm>> -> memref<64xi32, #tpu.memory_space<hbm>>
    tpu.enqueue_dma source(%dma_start3A_25 : memref<64xi32, #tpu.memory_space<hbm>>) target(%arg14 : memref<64xi32, #tpu.memory_space<vmem>>) target_semaphore(%arg41 : memref<!tpu.dma_semaphore, #tpu.memory_space<semaphore_mem>>)
    %dma_wait3A = arith.constant 0 : i32
    %dma_wait3A_26 = tpu.memref_slice %arg3[%dma_wait3A] : memref<640000xi32, #tpu.memory_space<hbm>> -> memref<64xi32, #tpu.memory_space<hbm>>
    %dma_wait3A_27 = arith.constant 0 : i32
    %dma_wait3A_28 = tpu.memref_slice %arg3[%dma_wait3A_27] : memref<640000xi32, #tpu.memory_space<hbm>> -> memref<64xi32, #tpu.memory_space<hbm>>
    tpu.wait_dma2 semaphore(%arg45 : memref<!tpu.dma_semaphore, #tpu.memory_space<semaphore_mem>>) src(%dma_wait3A_28 : memref<64xi32, #tpu.memory_space<hbm>>) dst(%arg6 : memref<64xi32, #tpu.memory_space<vmem>>)
    %dma_start3A_29 = arith.constant 0 : i32
    %dma_start3A_30 = arith.constant 0 : i32
    %dma_start3A_31 = tpu.memref_slice %arg2[%dma_start3A_29, %dma_start3A_30] : memref<10000x128xf32, #tpu.memory_space<hbm>> -> memref<10000x128xf32, #tpu.memory_space<hbm>>
    tpu.enqueue_indirect_dma source(%dma_start3A_31 : memref<10000x128xf32, #tpu.memory_space<hbm>>) target(%arg20 : memref<64x128xf32, #tpu.memory_space<vmem>>) offsets(%arg6 : memref<64xi32, #tpu.memory_space<vmem>>) semaphore(%arg27 : memref<!tpu.dma_semaphore, #tpu.memory_space<semaphore_mem>>)
    %dma_wait3A_32 = arith.constant 0 : i32
    %dma_wait3A_33 = tpu.memref_slice %arg3[%dma_wait3A_32] : memref<640000xi32, #tpu.memory_space<hbm>> -> memref<64xi32, #tpu.memory_space<hbm>>
    %dma_wait3A_34 = arith.constant 0 : i32
    %dma_wait3A_35 = tpu.memref_slice %arg3[%dma_wait3A_34] : memref<640000xi32, #tpu.memory_space<hbm>> -> memref<64xi32, #tpu.memory_space<hbm>>
    tpu.wait_dma2 semaphore(%arg46 : memref<!tpu.dma_semaphore, #tpu.memory_space<semaphore_mem>>) src(%dma_wait3A_35 : memref<64xi32, #tpu.memory_space<hbm>>) dst(%arg7 : memref<64xi32, #tpu.memory_space<vmem>>)
    %dma_start3A_36 = arith.constant 0 : i32
    %dma_start3A_37 = arith.constant 0 : i32
    %dma_start3A_38 = tpu.memref_slice %arg2[%dma_start3A_36, %dma_start3A_37] : memref<10000x128xf32, #tpu.memory_space<hbm>> -> memref<10000x128xf32, #tpu.memory_space<hbm>>
    tpu.enqueue_indirect_dma source(%dma_start3A_38 : memref<10000x128xf32, #tpu.memory_space<hbm>>) target(%arg21 : memref<64x128xf32, #tpu.memory_space<vmem>>) offsets(%arg7 : memref<64xi32, #tpu.memory_space<vmem>>) semaphore(%arg28 : memref<!tpu.dma_semaphore, #tpu.memory_space<semaphore_mem>>)
    %dma_wait3A_39 = arith.constant 0 : i32
    %dma_wait3A_40 = tpu.memref_slice %arg3[%dma_wait3A_39] : memref<640000xi32, #tpu.memory_space<hbm>> -> memref<64xi32, #tpu.memory_space<hbm>>
    %dma_wait3A_41 = arith.constant 0 : i32
    %dma_wait3A_42 = tpu.memref_slice %arg3[%dma_wait3A_41] : memref<640000xi32, #tpu.memory_space<hbm>> -> memref<64xi32, #tpu.memory_space<hbm>>
    tpu.wait_dma2 semaphore(%arg47 : memref<!tpu.dma_semaphore, #tpu.memory_space<semaphore_mem>>) src(%dma_wait3A_42 : memref<64xi32, #tpu.memory_space<hbm>>) dst(%arg8 : memref<64xi32, #tpu.memory_space<vmem>>)
    %dma_start3A_43 = arith.constant 0 : i32
    %dma_start3A_44 = arith.constant 0 : i32
    %dma_start3A_45 = tpu.memref_slice %arg2[%dma_start3A_43, %dma_start3A_44] : memref<10000x128xf32, #tpu.memory_space<hbm>> -> memref<10000x128xf32, #tpu.memory_space<hbm>>
    tpu.enqueue_indirect_dma source(%dma_start3A_45 : memref<10000x128xf32, #tpu.memory_space<hbm>>) target(%arg22 : memref<64x128xf32, #tpu.memory_space<vmem>>) offsets(%arg8 : memref<64xi32, #tpu.memory_space<vmem>>) semaphore(%arg29 : memref<!tpu.dma_semaphore, #tpu.memory_space<semaphore_mem>>)
    %eq3A = arith.constant 0 : i32
    %eq3A_46 = arith.cmpi eq, %arg0, %eq3A : i32
    %convert_element_type3A = arith.extui %eq3A_46 : i1 to i32
    %cond3A = arith.constant 0 : i32
    %cond3A_47 = arith.cmpi ne, %convert_element_type3A, %cond3A : i32
    scf.if %cond3A_47 {
      %mul3A_135 = arith.constant 624 : i32
      %mul3A_136 = arith.muli %arg1, %mul3A_135 : i32
      %mul3A_137 = arith.constant 624 : i32
      %mul3A_138 = arith.muli %arg1, %mul3A_137 : i32
      "tpu.region"() ({
        %run_scoped3A = tpu.sem_alloc : memref<!tpu.dma_semaphore, #tpu.memory_space<semaphore_mem>>
        %dma_start3A_144 = arith.constant 0 : i32
        %dma_start3A_145 = tpu.memref_slice %arg26[%mul3A_138, %dma_start3A_144] : memref<10000x128xf32, #tpu.memory_space<vmem_shared>> -> memref<624x128xf32, #tpu.memory_space<vmem_shared>>
        %dma_start3A_146 = arith.constant 0 : i32
        %dma_start3A_147 = tpu.memref_slice %arg2[%mul3A_136, %dma_start3A_146] : memref<10000x128xf32, #tpu.memory_space<hbm>> -> memref<624x128xf32, #tpu.memory_space<hbm>>
        tpu.enqueue_dma source(%dma_start3A_147 : memref<624x128xf32, #tpu.memory_space<hbm>>) target(%dma_start3A_145 : memref<624x128xf32, #tpu.memory_space<vmem_shared>>) target_semaphore(%run_scoped3A : memref<!tpu.dma_semaphore, #tpu.memory_space<semaphore_mem>>)
        %dma_wait3A_148 = arith.constant 0 : i32
        %dma_wait3A_149 = tpu.memref_slice %arg26[%mul3A_138, %dma_wait3A_148] : memref<10000x128xf32, #tpu.memory_space<vmem_shared>> -> memref<624x128xf32, #tpu.memory_space<vmem_shared>>
        %dma_wait3A_150 = arith.constant 0 : i32
        %dma_wait3A_151 = tpu.memref_slice %arg2[%mul3A_136, %dma_wait3A_150] : memref<10000x128xf32, #tpu.memory_space<hbm>> -> memref<624x128xf32, #tpu.memory_space<hbm>>
        tpu.wait_dma2 semaphore(%run_scoped3A : memref<!tpu.dma_semaphore, #tpu.memory_space<semaphore_mem>>) src(%dma_wait3A_151 : memref<624x128xf32, #tpu.memory_space<hbm>>) dst(%dma_wait3A_149 : memref<624x128xf32, #tpu.memory_space<vmem_shared>>)
        tpu.yield
      }) : () -> ()
      %eq3A_139 = arith.constant 15 : i32
      %eq3A_140 = arith.cmpi eq, %arg1, %eq3A_139 : i32
      %convert_element_type3A_141 = arith.extui %eq3A_140 : i1 to i32
      %cond3A_142 = arith.constant 0 : i32
      %cond3A_143 = arith.cmpi ne, %convert_element_type3A_141, %cond3A_142 : i32
      scf.if %cond3A_143 {
        "tpu.region"() ({
          %run_scoped3A = tpu.sem_alloc : memref<!tpu.dma_semaphore, #tpu.memory_space<semaphore_mem>>
          %dma_start3A_144 = arith.constant 9984 : i32
          %dma_start3A_145 = arith.constant 0 : i32
          %dma_start3A_146 = tpu.memref_slice %arg26[%dma_start3A_144, %dma_start3A_145] : memref<10000x128xf32, #tpu.memory_space<vmem_shared>> -> memref<16x128xf32, #tpu.memory_space<vmem_shared>>
          %dma_start3A_147 = arith.constant 9984 : i32
          %dma_start3A_148 = arith.constant 0 : i32
          %dma_start3A_149 = tpu.memref_slice %arg2[%dma_start3A_147, %dma_start3A_148] : memref<10000x128xf32, #tpu.memory_space<hbm>> -> memref<16x128xf32, #tpu.memory_space<hbm>>
          tpu.enqueue_dma source(%dma_start3A_149 : memref<16x128xf32, #tpu.memory_space<hbm>>) target(%dma_start3A_146 : memref<16x128xf32, #tpu.memory_space<vmem_shared>>) target_semaphore(%run_scoped3A : memref<!tpu.dma_semaphore, #tpu.memory_space<semaphore_mem>>)
          %dma_wait3A_150 = arith.constant 9984 : i32
          %dma_wait3A_151 = arith.constant 0 : i32
          %dma_wait3A_152 = tpu.memref_slice %arg26[%dma_wait3A_150, %dma_wait3A_151] : memref<10000x128xf32, #tpu.memory_space<vmem_shared>> -> memref<16x128xf32, #tpu.memory_space<vmem_shared>>
          %dma_wait3A_153 = arith.constant 9984 : i32
          %dma_wait3A_154 = arith.constant 0 : i32
          %dma_wait3A_155 = tpu.memref_slice %arg2[%dma_wait3A_153, %dma_wait3A_154] : memref<10000x128xf32, #tpu.memory_space<hbm>> -> memref<16x128xf32, #tpu.memory_space<hbm>>
          tpu.wait_dma2 semaphore(%run_scoped3A : memref<!tpu.dma_semaphore, #tpu.memory_space<semaphore_mem>>) src(%dma_wait3A_155 : memref<16x128xf32, #tpu.memory_space<hbm>>) dst(%dma_wait3A_152 : memref<16x128xf32, #tpu.memory_space<vmem_shared>>)
          tpu.yield
        }) : () -> ()
      } else {
      }
    } else {
    }
    %eq3A_48 = arith.constant 1 : i32
    %eq3A_49 = arith.cmpi eq, %arg0, %eq3A_48 : i32
    %convert_element_type3A_50 = arith.extui %eq3A_49 : i1 to i32
    %cond3A_51 = arith.constant 0 : i32
    %cond3A_52 = arith.cmpi ne, %convert_element_type3A_50, %cond3A_51 : i32
    scf.if %cond3A_52 {
      %mul3A_135 = arith.constant 624 : i32
      %mul3A_136 = arith.muli %arg1, %mul3A_135 : i32
      %mul3A_137 = arith.constant 624 : i32
      %mul3A_138 = arith.muli %arg1, %mul3A_137 : i32
      "tpu.region"() ({
        %run_scoped3A = tpu.sem_alloc : memref<!tpu.dma_semaphore, #tpu.memory_space<semaphore_mem>>
        %dma_start3A_144 = arith.constant 0 : i32
        %dma_start3A_145 = tpu.memref_slice %arg26[%mul3A_138, %dma_start3A_144] : memref<10000x128xf32, #tpu.memory_space<vmem_shared>> -> memref<624x128xf32, #tpu.memory_space<vmem_shared>>
        %dma_start3A_146 = arith.constant 0 : i32
        %dma_start3A_147 = tpu.memref_slice %arg4[%mul3A_136, %dma_start3A_146] : memref<10000x128xf32, #tpu.memory_space<hbm>> -> memref<624x128xf32, #tpu.memory_space<hbm>>
        tpu.enqueue_dma source(%dma_start3A_147 : memref<624x128xf32, #tpu.memory_space<hbm>>) target(%dma_start3A_145 : memref<624x128xf32, #tpu.memory_space<vmem_shared>>) target_semaphore(%run_scoped3A : memref<!tpu.dma_semaphore, #tpu.memory_space<semaphore_mem>>)
        %dma_wait3A_148 = arith.constant 0 : i32
        %dma_wait3A_149 = tpu.memref_slice %arg26[%mul3A_138, %dma_wait3A_148] : memref<10000x128xf32, #tpu.memory_space<vmem_shared>> -> memref<624x128xf32, #tpu.memory_space<vmem_shared>>
        %dma_wait3A_150 = arith.constant 0 : i32
        %dma_wait3A_151 = tpu.memref_slice %arg4[%mul3A_136, %dma_wait3A_150] : memref<10000x128xf32, #tpu.memory_space<hbm>> -> memref<624x128xf32, #tpu.memory_space<hbm>>
        tpu.wait_dma2 semaphore(%run_scoped3A : memref<!tpu.dma_semaphore, #tpu.memory_space<semaphore_mem>>) src(%dma_wait3A_151 : memref<624x128xf32, #tpu.memory_space<hbm>>) dst(%dma_wait3A_149 : memref<624x128xf32, #tpu.memory_space<vmem_shared>>)
        tpu.yield
      }) : () -> ()
      %eq3A_139 = arith.constant 15 : i32
      %eq3A_140 = arith.cmpi eq, %arg1, %eq3A_139 : i32
      %convert_element_type3A_141 = arith.extui %eq3A_140 : i1 to i32
      %cond3A_142 = arith.constant 0 : i32
      %cond3A_143 = arith.cmpi ne, %convert_element_type3A_141, %cond3A_142 : i32
      scf.if %cond3A_143 {
        "tpu.region"() ({
          %run_scoped3A = tpu.sem_alloc : memref<!tpu.dma_semaphore, #tpu.memory_space<semaphore_mem>>
          %dma_start3A_144 = arith.constant 9984 : i32
          %dma_start3A_145 = arith.constant 0 : i32
          %dma_start3A_146 = tpu.memref_slice %arg26[%dma_start3A_144, %dma_start3A_145] : memref<10000x128xf32, #tpu.memory_space<vmem_shared>> -> memref<16x128xf32, #tpu.memory_space<vmem_shared>>
          %dma_start3A_147 = arith.constant 9984 : i32
          %dma_start3A_148 = arith.constant 0 : i32
          %dma_start3A_149 = tpu.memref_slice %arg4[%dma_start3A_147, %dma_start3A_148] : memref<10000x128xf32, #tpu.memory_space<hbm>> -> memref<16x128xf32, #tpu.memory_space<hbm>>
          tpu.enqueue_dma source(%dma_start3A_149 : memref<16x128xf32, #tpu.memory_space<hbm>>) target(%dma_start3A_146 : memref<16x128xf32, #tpu.memory_space<vmem_shared>>) target_semaphore(%run_scoped3A : memref<!tpu.dma_semaphore, #tpu.memory_space<semaphore_mem>>)
          %dma_wait3A_150 = arith.constant 9984 : i32
          %dma_wait3A_151 = arith.constant 0 : i32
          %dma_wait3A_152 = tpu.memref_slice %arg26[%dma_wait3A_150, %dma_wait3A_151] : memref<10000x128xf32, #tpu.memory_space<vmem_shared>> -> memref<16x128xf32, #tpu.memory_space<vmem_shared>>
          %dma_wait3A_153 = arith.constant 9984 : i32
          %dma_wait3A_154 = arith.constant 0 : i32
          %dma_wait3A_155 = tpu.memref_slice %arg4[%dma_wait3A_153, %dma_wait3A_154] : memref<10000x128xf32, #tpu.memory_space<hbm>> -> memref<16x128xf32, #tpu.memory_space<hbm>>
          tpu.wait_dma2 semaphore(%run_scoped3A : memref<!tpu.dma_semaphore, #tpu.memory_space<semaphore_mem>>) src(%dma_wait3A_155 : memref<16x128xf32, #tpu.memory_space<hbm>>) dst(%dma_wait3A_152 : memref<16x128xf32, #tpu.memory_space<vmem_shared>>)
          tpu.yield
        }) : () -> ()
      } else {
      }
    } else {
    }
    %barrier3A = arith.constant 0 : index
    tpu.barrier barrier_id(%barrier3A)
    %scan3A = arith.constant 0 : i32
    %scan3A_53 = arith.constant 1 : i32
    %scan3A_54 = arith.constant 51 : i32
    %scan3A_55 = arith.addi %scan3A_53, %scan3A_54 : i32
    %scan3A_56 = arith.constant 1 : i32
    scf.for %scan3A_135 = %scan3A_53 to %scan3A_55 step %scan3A_56  : i32 {
      %jit3A = arith.constant 2 : i32
      %eq3A_136 = arith.constant 0 : i32
      %eq3A_137 = arith.cmpi eq, %jit3A, %eq3A_136 : i32
      %jit3A_138 = arith.constant 1 : i32
      %select_n3A = arith.select %eq3A_137, %jit3A_138, %jit3A : i32
      %rem3A = arith.remsi %scan3A_135, %select_n3A : i32
      %ne3A = arith.constant 0 : i32
      %ne3A_139 = arith.cmpi ne, %rem3A, %ne3A : i32
      %lt3A = arith.constant 0 : i32
      %lt3A_140 = arith.cmpi slt, %rem3A, %lt3A : i32
      %lt3A_141 = arith.constant 0 : i32
      %lt3A_142 = arith.cmpi slt, %select_n3A, %lt3A_141 : i32
      %ne3A_143 = arith.xori %lt3A_140, %lt3A_142 : i1
      %and3A = arith.andi %ne3A_143, %ne3A_139 : i1
      %add3A_144 = arith.addi %rem3A, %select_n3A : i32
      %select_n3A_145 = arith.select %and3A, %add3A_144, %rem3A : i32
      %eq3A_146 = arith.constant 0 : i32
      %eq3A_147 = arith.cmpi eq, %select_n3A_145, %eq3A_146 : i32
      %convert_element_type3A_148 = arith.extui %eq3A_147 : i1 to i32
      %cond3A_149 = arith.constant 0 : i32
      %cond3A_150 = arith.cmpi ne, %convert_element_type3A_148, %cond3A_149 : i32
      scf.if %cond3A_150 {
        %gt3A = arith.constant 1 : i32
        %gt3A_172 = arith.cmpi sgt, %scan3A_135, %gt3A : i32
        %convert_element_type3A_173 = arith.extui %gt3A_172 : i1 to i32
        %cond3A_174 = arith.constant 0 : i32
        %cond3A_175 = arith.cmpi ne, %convert_element_type3A_173, %cond3A_174 : i32
        scf.if %cond3A_175 {
          %dma_wait3A_229 = arith.constant 0 : i32
          %dma_wait3A_230 = arith.constant 0 : i32
          %dma_wait3A_231 = tpu.memref_slice %arg26[%dma_wait3A_229, %dma_wait3A_230] : memref<10000x128xf32, #tpu.memory_space<vmem_shared>> -> memref<10000x128xf32, #tpu.memory_space<vmem_shared>>
          tpu.wait_indirect_dma semaphore(%arg33 : memref<!tpu.dma_semaphore, #tpu.memory_space<semaphore_mem>>) src(%arg20 : memref<64x128xf32, #tpu.memory_space<vmem>>) dst(%dma_wait3A_231 : memref<10000x128xf32, #tpu.memory_space<vmem_shared>>)
          %dma_wait3A_232 = arith.constant 0 : i32
          %dma_wait3A_233 = arith.constant 0 : i32
          %dma_wait3A_234 = tpu.memref_slice %arg26[%dma_wait3A_232, %dma_wait3A_233] : memref<10000x128xf32, #tpu.memory_space<vmem_shared>> -> memref<10000x128xf32, #tpu.memory_space<vmem_shared>>
          tpu.wait_indirect_dma semaphore(%arg34 : memref<!tpu.dma_semaphore, #tpu.memory_space<semaphore_mem>>) src(%arg21 : memref<64x128xf32, #tpu.memory_space<vmem>>) dst(%dma_wait3A_234 : memref<10000x128xf32, #tpu.memory_space<vmem_shared>>)
          %dma_wait3A_235 = arith.constant 0 : i32
          %dma_wait3A_236 = arith.constant 0 : i32
          %dma_wait3A_237 = tpu.memref_slice %arg26[%dma_wait3A_235, %dma_wait3A_236] : memref<10000x128xf32, #tpu.memory_space<vmem_shared>> -> memref<10000x128xf32, #tpu.memory_space<vmem_shared>>
          tpu.wait_indirect_dma semaphore(%arg35 : memref<!tpu.dma_semaphore, #tpu.memory_space<semaphore_mem>>) src(%arg22 : memref<64x128xf32, #tpu.memory_space<vmem>>) dst(%dma_wait3A_237 : memref<10000x128xf32, #tpu.memory_space<vmem_shared>>)
        } else {
        }
        %mul3A_176 = arith.constant 192 : i32
        %mul3A_177 = arith.muli %scan3A_135, %mul3A_176 : i32
        %add3A_178 = arith.addi %mul3A_2, %mul3A_177 : i32
        %add3A_179 = arith.constant 0 : i32
        %add3A_180 = arith.addi %add3A_178, %add3A_179 : i32
        %dma_start3A_181 = tpu.memref_slice %arg3[%add3A_180] : memref<640000xi32, #tpu.memory_space<hbm>> -> memref<64xi32, #tpu.memory_space<hbm>>
        %dma_start3A_182 = tpu.memref_slice %arg3[%add3A_180] : memref<640000xi32, #tpu.memory_space<hbm>> -> memref<64xi32, #tpu.memory_space<hbm>>
        tpu.enqueue_dma source(%dma_start3A_182 : memref<64xi32, #tpu.memory_space<hbm>>) target(%arg6 : memref<64xi32, #tpu.memory_space<vmem>>) target_semaphore(%arg45 : memref<!tpu.dma_semaphore, #tpu.memory_space<semaphore_mem>>)
        %add3A_183 = arith.constant 320000 : i32
        %add3A_184 = arith.addi %add3A_183, %add3A_180 : i32
        %dma_start3A_185 = tpu.memref_slice %arg3[%add3A_184] : memref<640000xi32, #tpu.memory_space<hbm>> -> memref<64xi32, #tpu.memory_space<hbm>>
        %dma_start3A_186 = tpu.memref_slice %arg3[%add3A_184] : memref<640000xi32, #tpu.memory_space<hbm>> -> memref<64xi32, #tpu.memory_space<hbm>>
        tpu.enqueue_dma source(%dma_start3A_186 : memref<64xi32, #tpu.memory_space<hbm>>) target(%arg12 : memref<64xi32, #tpu.memory_space<vmem>>) target_semaphore(%arg39 : memref<!tpu.dma_semaphore, #tpu.memory_space<semaphore_mem>>)
        %add3A_187 = arith.constant 64 : i32
        %add3A_188 = arith.addi %add3A_178, %add3A_187 : i32
        %dma_start3A_189 = tpu.memref_slice %arg3[%add3A_188] : memref<640000xi32, #tpu.memory_space<hbm>> -> memref<64xi32, #tpu.memory_space<hbm>>
        %dma_start3A_190 = tpu.memref_slice %arg3[%add3A_188] : memref<640000xi32, #tpu.memory_space<hbm>> -> memref<64xi32, #tpu.memory_space<hbm>>
        tpu.enqueue_dma source(%dma_start3A_190 : memref<64xi32, #tpu.memory_space<hbm>>) target(%arg7 : memref<64xi32, #tpu.memory_space<vmem>>) target_semaphore(%arg46 : memref<!tpu.dma_semaphore, #tpu.memory_space<semaphore_mem>>)
        %add3A_191 = arith.constant 320000 : i32
        %add3A_192 = arith.addi %add3A_191, %add3A_188 : i32
        %dma_start3A_193 = tpu.memref_slice %arg3[%add3A_192] : memref<640000xi32, #tpu.memory_space<hbm>> -> memref<64xi32, #tpu.memory_space<hbm>>
        %dma_start3A_194 = tpu.memref_slice %arg3[%add3A_192] : memref<640000xi32, #tpu.memory_space<hbm>> -> memref<64xi32, #tpu.memory_space<hbm>>
        tpu.enqueue_dma source(%dma_start3A_194 : memref<64xi32, #tpu.memory_space<hbm>>) target(%arg13 : memref<64xi32, #tpu.memory_space<vmem>>) target_semaphore(%arg40 : memref<!tpu.dma_semaphore, #tpu.memory_space<semaphore_mem>>)
        %add3A_195 = arith.constant 128 : i32
        %add3A_196 = arith.addi %add3A_178, %add3A_195 : i32
        %dma_start3A_197 = tpu.memref_slice %arg3[%add3A_196] : memref<640000xi32, #tpu.memory_space<hbm>> -> memref<64xi32, #tpu.memory_space<hbm>>
        %dma_start3A_198 = tpu.memref_slice %arg3[%add3A_196] : memref<640000xi32, #tpu.memory_space<hbm>> -> memref<64xi32, #tpu.memory_space<hbm>>
        tpu.enqueue_dma source(%dma_start3A_198 : memref<64xi32, #tpu.memory_space<hbm>>) target(%arg8 : memref<64xi32, #tpu.memory_space<vmem>>) target_semaphore(%arg47 : memref<!tpu.dma_semaphore, #tpu.memory_space<semaphore_mem>>)
        %add3A_199 = arith.constant 320000 : i32
        %add3A_200 = arith.addi %add3A_199, %add3A_196 : i32
        %dma_start3A_201 = tpu.memref_slice %arg3[%add3A_200] : memref<640000xi32, #tpu.memory_space<hbm>> -> memref<64xi32, #tpu.memory_space<hbm>>
        %dma_start3A_202 = tpu.memref_slice %arg3[%add3A_200] : memref<640000xi32, #tpu.memory_space<hbm>> -> memref<64xi32, #tpu.memory_space<hbm>>
        tpu.enqueue_dma source(%dma_start3A_202 : memref<64xi32, #tpu.memory_space<hbm>>) target(%arg14 : memref<64xi32, #tpu.memory_space<vmem>>) target_semaphore(%arg41 : memref<!tpu.dma_semaphore, #tpu.memory_space<semaphore_mem>>)
        %dma_wait3A_203 = arith.constant 0 : i32
        %dma_wait3A_204 = tpu.memref_slice %arg3[%dma_wait3A_203] : memref<640000xi32, #tpu.memory_space<hbm>> -> memref<64xi32, #tpu.memory_space<hbm>>
        %dma_wait3A_205 = arith.constant 0 : i32
        %dma_wait3A_206 = tpu.memref_slice %arg3[%dma_wait3A_205] : memref<640000xi32, #tpu.memory_space<hbm>> -> memref<64xi32, #tpu.memory_space<hbm>>
        tpu.wait_dma2 semaphore(%arg45 : memref<!tpu.dma_semaphore, #tpu.memory_space<semaphore_mem>>) src(%dma_wait3A_206 : memref<64xi32, #tpu.memory_space<hbm>>) dst(%arg6 : memref<64xi32, #tpu.memory_space<vmem>>)
        %dma_start3A_207 = arith.constant 0 : i32
        %dma_start3A_208 = arith.constant 0 : i32
        %dma_start3A_209 = tpu.memref_slice %arg2[%dma_start3A_207, %dma_start3A_208] : memref<10000x128xf32, #tpu.memory_space<hbm>> -> memref<10000x128xf32, #tpu.memory_space<hbm>>
        tpu.enqueue_indirect_dma source(%dma_start3A_209 : memref<10000x128xf32, #tpu.memory_space<hbm>>) target(%arg20 : memref<64x128xf32, #tpu.memory_space<vmem>>) offsets(%arg6 : memref<64xi32, #tpu.memory_space<vmem>>) semaphore(%arg27 : memref<!tpu.dma_semaphore, #tpu.memory_space<semaphore_mem>>)
        %dma_wait3A_210 = arith.constant 0 : i32
        %dma_wait3A_211 = tpu.memref_slice %arg3[%dma_wait3A_210] : memref<640000xi32, #tpu.memory_space<hbm>> -> memref<64xi32, #tpu.memory_space<hbm>>
        %dma_wait3A_212 = arith.constant 0 : i32
        %dma_wait3A_213 = tpu.memref_slice %arg3[%dma_wait3A_212] : memref<640000xi32, #tpu.memory_space<hbm>> -> memref<64xi32, #tpu.memory_space<hbm>>
        tpu.wait_dma2 semaphore(%arg46 : memref<!tpu.dma_semaphore, #tpu.memory_space<semaphore_mem>>) src(%dma_wait3A_213 : memref<64xi32, #tpu.memory_space<hbm>>) dst(%arg7 : memref<64xi32, #tpu.memory_space<vmem>>)
        %dma_start3A_214 = arith.constant 0 : i32
        %dma_start3A_215 = arith.constant 0 : i32
        %dma_start3A_216 = tpu.memref_slice %arg2[%dma_start3A_214, %dma_start3A_215] : memref<10000x128xf32, #tpu.memory_space<hbm>> -> memref<10000x128xf32, #tpu.memory_space<hbm>>
        tpu.enqueue_indirect_dma source(%dma_start3A_216 : memref<10000x128xf32, #tpu.memory_space<hbm>>) target(%arg21 : memref<64x128xf32, #tpu.memory_space<vmem>>) offsets(%arg7 : memref<64xi32, #tpu.memory_space<vmem>>) semaphore(%arg28 : memref<!tpu.dma_semaphore, #tpu.memory_space<semaphore_mem>>)
        %dma_wait3A_217 = arith.constant 0 : i32
        %dma_wait3A_218 = tpu.memref_slice %arg3[%dma_wait3A_217] : memref<640000xi32, #tpu.memory_space<hbm>> -> memref<64xi32, #tpu.memory_space<hbm>>
        %dma_wait3A_219 = arith.constant 0 : i32
        %dma_wait3A_220 = tpu.memref_slice %arg3[%dma_wait3A_219] : memref<640000xi32, #tpu.memory_space<hbm>> -> memref<64xi32, #tpu.memory_space<hbm>>
        tpu.wait_dma2 semaphore(%arg47 : memref<!tpu.dma_semaphore, #tpu.memory_space<semaphore_mem>>) src(%dma_wait3A_220 : memref<64xi32, #tpu.memory_space<hbm>>) dst(%arg8 : memref<64xi32, #tpu.memory_space<vmem>>)
        %dma_start3A_221 = arith.constant 0 : i32
        %dma_start3A_222 = arith.constant 0 : i32
        %dma_start3A_223 = tpu.memref_slice %arg2[%dma_start3A_221, %dma_start3A_222] : memref<10000x128xf32, #tpu.memory_space<hbm>> -> memref<10000x128xf32, #tpu.memory_space<hbm>>
        tpu.enqueue_indirect_dma source(%dma_start3A_223 : memref<10000x128xf32, #tpu.memory_space<hbm>>) target(%arg22 : memref<64x128xf32, #tpu.memory_space<vmem>>) offsets(%arg8 : memref<64xi32, #tpu.memory_space<vmem>>) semaphore(%arg29 : memref<!tpu.dma_semaphore, #tpu.memory_space<semaphore_mem>>)
        %gt3A_224 = arith.constant 0 : i32
        %gt3A_225 = arith.cmpi sgt, %scan3A_135, %gt3A_224 : i32
        %convert_element_type3A_226 = arith.extui %gt3A_225 : i1 to i32
        %cond3A_227 = arith.constant 0 : i32
        %cond3A_228 = arith.cmpi ne, %convert_element_type3A_226, %cond3A_227 : i32
        scf.if %cond3A_228 {
          %dma_wait3A_229 = arith.constant 0 : i32
          %dma_wait3A_230 = tpu.memref_slice %arg3[%dma_wait3A_229] : memref<640000xi32, #tpu.memory_space<hbm>> -> memref<64xi32, #tpu.memory_space<hbm>>
          %dma_wait3A_231 = arith.constant 0 : i32
          %dma_wait3A_232 = tpu.memref_slice %arg3[%dma_wait3A_231] : memref<640000xi32, #tpu.memory_space<hbm>> -> memref<64xi32, #tpu.memory_space<hbm>>
          tpu.wait_dma2 semaphore(%arg42 : memref<!tpu.dma_semaphore, #tpu.memory_space<semaphore_mem>>) src(%dma_wait3A_232 : memref<64xi32, #tpu.memory_space<hbm>>) dst(%arg15 : memref<64xi32, #tpu.memory_space<vmem>>)
          %dma_wait3A_233 = arith.constant 0 : i32
          %dma_wait3A_234 = arith.constant 0 : i32
          %dma_wait3A_235 = tpu.memref_slice %arg2[%dma_wait3A_233, %dma_wait3A_234] : memref<10000x128xf32, #tpu.memory_space<hbm>> -> memref<10000x128xf32, #tpu.memory_space<hbm>>
          tpu.wait_indirect_dma semaphore(%arg30 : memref<!tpu.dma_semaphore, #tpu.memory_space<semaphore_mem>>) src(%dma_wait3A_235 : memref<10000x128xf32, #tpu.memory_space<hbm>>) dst(%arg23 : memref<64x128xf32, #tpu.memory_space<vmem>>)
          %dma_start3A_236 = arith.constant 0 : i32
          %dma_start3A_237 = arith.constant 0 : i32
          %dma_start3A_238 = tpu.memref_slice %arg26[%dma_start3A_236, %dma_start3A_237] : memref<10000x128xf32, #tpu.memory_space<vmem_shared>> -> memref<10000x128xf32, #tpu.memory_space<vmem_shared>>
          tpu.enqueue_indirect_dma source(%arg23 : memref<64x128xf32, #tpu.memory_space<vmem>>) target(%dma_start3A_238 : memref<10000x128xf32, #tpu.memory_space<vmem_shared>>) offsets(%arg15 : memref<64xi32, #tpu.memory_space<vmem>>) semaphore(%arg36 : memref<!tpu.dma_semaphore, #tpu.memory_space<semaphore_mem>>) {add = true}
          %dma_wait3A_239 = arith.constant 0 : i32
          %dma_wait3A_240 = tpu.memref_slice %arg3[%dma_wait3A_239] : memref<640000xi32, #tpu.memory_space<hbm>> -> memref<64xi32, #tpu.memory_space<hbm>>
          %dma_wait3A_241 = arith.constant 0 : i32
          %dma_wait3A_242 = tpu.memref_slice %arg3[%dma_wait3A_241] : memref<640000xi32, #tpu.memory_space<hbm>> -> memref<64xi32, #tpu.memory_space<hbm>>
          tpu.wait_dma2 semaphore(%arg43 : memref<!tpu.dma_semaphore, #tpu.memory_space<semaphore_mem>>) src(%dma_wait3A_242 : memref<64xi32, #tpu.memory_space<hbm>>) dst(%arg16 : memref<64xi32, #tpu.memory_space<vmem>>)
          %dma_wait3A_243 = arith.constant 0 : i32
          %dma_wait3A_244 = arith.constant 0 : i32
          %dma_wait3A_245 = tpu.memref_slice %arg2[%dma_wait3A_243, %dma_wait3A_244] : memref<10000x128xf32, #tpu.memory_space<hbm>> -> memref<10000x128xf32, #tpu.memory_space<hbm>>
          tpu.wait_indirect_dma semaphore(%arg31 : memref<!tpu.dma_semaphore, #tpu.memory_space<semaphore_mem>>) src(%dma_wait3A_245 : memref<10000x128xf32, #tpu.memory_space<hbm>>) dst(%arg24 : memref<64x128xf32, #tpu.memory_space<vmem>>)
          %dma_start3A_246 = arith.constant 0 : i32
          %dma_start3A_247 = arith.constant 0 : i32
          %dma_start3A_248 = tpu.memref_slice %arg26[%dma_start3A_246, %dma_start3A_247] : memref<10000x128xf32, #tpu.memory_space<vmem_shared>> -> memref<10000x128xf32, #tpu.memory_space<vmem_shared>>
          tpu.enqueue_indirect_dma source(%arg24 : memref<64x128xf32, #tpu.memory_space<vmem>>) target(%dma_start3A_248 : memref<10000x128xf32, #tpu.memory_space<vmem_shared>>) offsets(%arg16 : memref<64xi32, #tpu.memory_space<vmem>>) semaphore(%arg37 : memref<!tpu.dma_semaphore, #tpu.memory_space<semaphore_mem>>) {add = true}
          %dma_wait3A_249 = arith.constant 0 : i32
          %dma_wait3A_250 = tpu.memref_slice %arg3[%dma_wait3A_249] : memref<640000xi32, #tpu.memory_space<hbm>> -> memref<64xi32, #tpu.memory_space<hbm>>
          %dma_wait3A_251 = arith.constant 0 : i32
          %dma_wait3A_252 = tpu.memref_slice %arg3[%dma_wait3A_251] : memref<640000xi32, #tpu.memory_space<hbm>> -> memref<64xi32, #tpu.memory_space<hbm>>
          tpu.wait_dma2 semaphore(%arg44 : memref<!tpu.dma_semaphore, #tpu.memory_space<semaphore_mem>>) src(%dma_wait3A_252 : memref<64xi32, #tpu.memory_space<hbm>>) dst(%arg17 : memref<64xi32, #tpu.memory_space<vmem>>)
          %dma_wait3A_253 = arith.constant 0 : i32
          %dma_wait3A_254 = arith.constant 0 : i32
          %dma_wait3A_255 = tpu.memref_slice %arg2[%dma_wait3A_253, %dma_wait3A_254] : memref<10000x128xf32, #tpu.memory_space<hbm>> -> memref<10000x128xf32, #tpu.memory_space<hbm>>
          tpu.wait_indirect_dma semaphore(%arg32 : memref<!tpu.dma_semaphore, #tpu.memory_space<semaphore_mem>>) src(%dma_wait3A_255 : memref<10000x128xf32, #tpu.memory_space<hbm>>) dst(%arg25 : memref<64x128xf32, #tpu.memory_space<vmem>>)
          %dma_start3A_256 = arith.constant 0 : i32
          %dma_start3A_257 = arith.constant 0 : i32
          %dma_start3A_258 = tpu.memref_slice %arg26[%dma_start3A_256, %dma_start3A_257] : memref<10000x128xf32, #tpu.memory_space<vmem_shared>> -> memref<10000x128xf32, #tpu.memory_space<vmem_shared>>
          tpu.enqueue_indirect_dma source(%arg25 : memref<64x128xf32, #tpu.memory_space<vmem>>) target(%dma_start3A_258 : memref<10000x128xf32, #tpu.memory_space<vmem_shared>>) offsets(%arg17 : memref<64xi32, #tpu.memory_space<vmem>>) semaphore(%arg38 : memref<!tpu.dma_semaphore, #tpu.memory_space<semaphore_mem>>) {add = true}
        } else {
        }
      } else {
      }
      %jit3A_151 = arith.constant 2 : i32
      %eq3A_152 = arith.constant 0 : i32
      %eq3A_153 = arith.cmpi eq, %jit3A_151, %eq3A_152 : i32
      %jit3A_154 = arith.constant 1 : i32
      %select_n3A_155 = arith.select %eq3A_153, %jit3A_154, %jit3A_151 : i32
      %rem3A_156 = arith.remsi %scan3A_135, %select_n3A_155 : i32
      %ne3A_157 = arith.constant 0 : i32
      %ne3A_158 = arith.cmpi ne, %rem3A_156, %ne3A_157 : i32
      %lt3A_159 = arith.constant 0 : i32
      %lt3A_160 = arith.cmpi slt, %rem3A_156, %lt3A_159 : i32
      %lt3A_161 = arith.constant 0 : i32
      %lt3A_162 = arith.cmpi slt, %select_n3A_155, %lt3A_161 : i32
      %ne3A_163 = arith.xori %lt3A_160, %lt3A_162 : i1
      %and3A_164 = arith.andi %ne3A_163, %ne3A_158 : i1
      %add3A_165 = arith.addi %rem3A_156, %select_n3A_155 : i32
      %select_n3A_166 = arith.select %and3A_164, %add3A_165, %rem3A_156 : i32
      %eq3A_167 = arith.constant 1 : i32
      %eq3A_168 = arith.cmpi eq, %select_n3A_166, %eq3A_167 : i32
      %convert_element_type3A_169 = arith.extui %eq3A_168 : i1 to i32
      %cond3A_170 = arith.constant 0 : i32
      %cond3A_171 = arith.cmpi ne, %convert_element_type3A_169, %cond3A_170 : i32
      scf.if %cond3A_171 {
        %gt3A = arith.constant 1 : i32
        %gt3A_172 = arith.cmpi sgt, %scan3A_135, %gt3A : i32
        %convert_element_type3A_173 = arith.extui %gt3A_172 : i1 to i32
        %cond3A_174 = arith.constant 0 : i32
        %cond3A_175 = arith.cmpi ne, %convert_element_type3A_173, %cond3A_174 : i32
        scf.if %cond3A_175 {
          %dma_wait3A_229 = arith.constant 0 : i32
          %dma_wait3A_230 = arith.constant 0 : i32
          %dma_wait3A_231 = tpu.memref_slice %arg26[%dma_wait3A_229, %dma_wait3A_230] : memref<10000x128xf32, #tpu.memory_space<vmem_shared>> -> memref<10000x128xf32, #tpu.memory_space<vmem_shared>>
          tpu.wait_indirect_dma semaphore(%arg36 : memref<!tpu.dma_semaphore, #tpu.memory_space<semaphore_mem>>) src(%arg23 : memref<64x128xf32, #tpu.memory_space<vmem>>) dst(%dma_wait3A_231 : memref<10000x128xf32, #tpu.memory_space<vmem_shared>>)
          %dma_wait3A_232 = arith.constant 0 : i32
          %dma_wait3A_233 = arith.constant 0 : i32
          %dma_wait3A_234 = tpu.memref_slice %arg26[%dma_wait3A_232, %dma_wait3A_233] : memref<10000x128xf32, #tpu.memory_space<vmem_shared>> -> memref<10000x128xf32, #tpu.memory_space<vmem_shared>>
          tpu.wait_indirect_dma semaphore(%arg37 : memref<!tpu.dma_semaphore, #tpu.memory_space<semaphore_mem>>) src(%arg24 : memref<64x128xf32, #tpu.memory_space<vmem>>) dst(%dma_wait3A_234 : memref<10000x128xf32, #tpu.memory_space<vmem_shared>>)
          %dma_wait3A_235 = arith.constant 0 : i32
          %dma_wait3A_236 = arith.constant 0 : i32
          %dma_wait3A_237 = tpu.memref_slice %arg26[%dma_wait3A_235, %dma_wait3A_236] : memref<10000x128xf32, #tpu.memory_space<vmem_shared>> -> memref<10000x128xf32, #tpu.memory_space<vmem_shared>>
          tpu.wait_indirect_dma semaphore(%arg38 : memref<!tpu.dma_semaphore, #tpu.memory_space<semaphore_mem>>) src(%arg25 : memref<64x128xf32, #tpu.memory_space<vmem>>) dst(%dma_wait3A_237 : memref<10000x128xf32, #tpu.memory_space<vmem_shared>>)
        } else {
        }
        %mul3A_176 = arith.constant 192 : i32
        %mul3A_177 = arith.muli %scan3A_135, %mul3A_176 : i32
        %add3A_178 = arith.addi %mul3A_2, %mul3A_177 : i32
        %add3A_179 = arith.constant 0 : i32
        %add3A_180 = arith.addi %add3A_178, %add3A_179 : i32
        %dma_start3A_181 = tpu.memref_slice %arg3[%add3A_180] : memref<640000xi32, #tpu.memory_space<hbm>> -> memref<64xi32, #tpu.memory_space<hbm>>
        %dma_start3A_182 = tpu.memref_slice %arg3[%add3A_180] : memref<640000xi32, #tpu.memory_space<hbm>> -> memref<64xi32, #tpu.memory_space<hbm>>
        tpu.enqueue_dma source(%dma_start3A_182 : memref<64xi32, #tpu.memory_space<hbm>>) target(%arg9 : memref<64xi32, #tpu.memory_space<vmem>>) target_semaphore(%arg48 : memref<!tpu.dma_semaphore, #tpu.memory_space<semaphore_mem>>)
        %add3A_183 = arith.constant 320000 : i32
        %add3A_184 = arith.addi %add3A_183, %add3A_180 : i32
        %dma_start3A_185 = tpu.memref_slice %arg3[%add3A_184] : memref<640000xi32, #tpu.memory_space<hbm>> -> memref<64xi32, #tpu.memory_space<hbm>>
        %dma_start3A_186 = tpu.memref_slice %arg3[%add3A_184] : memref<640000xi32, #tpu.memory_space<hbm>> -> memref<64xi32, #tpu.memory_space<hbm>>
        tpu.enqueue_dma source(%dma_start3A_186 : memref<64xi32, #tpu.memory_space<hbm>>) target(%arg15 : memref<64xi32, #tpu.memory_space<vmem>>) target_semaphore(%arg42 : memref<!tpu.dma_semaphore, #tpu.memory_space<semaphore_mem>>)
        %add3A_187 = arith.constant 64 : i32
        %add3A_188 = arith.addi %add3A_178, %add3A_187 : i32
        %dma_start3A_189 = tpu.memref_slice %arg3[%add3A_188] : memref<640000xi32, #tpu.memory_space<hbm>> -> memref<64xi32, #tpu.memory_space<hbm>>
        %dma_start3A_190 = tpu.memref_slice %arg3[%add3A_188] : memref<640000xi32, #tpu.memory_space<hbm>> -> memref<64xi32, #tpu.memory_space<hbm>>
        tpu.enqueue_dma source(%dma_start3A_190 : memref<64xi32, #tpu.memory_space<hbm>>) target(%arg10 : memref<64xi32, #tpu.memory_space<vmem>>) target_semaphore(%arg49 : memref<!tpu.dma_semaphore, #tpu.memory_space<semaphore_mem>>)
        %add3A_191 = arith.constant 320000 : i32
        %add3A_192 = arith.addi %add3A_191, %add3A_188 : i32
        %dma_start3A_193 = tpu.memref_slice %arg3[%add3A_192] : memref<640000xi32, #tpu.memory_space<hbm>> -> memref<64xi32, #tpu.memory_space<hbm>>
        %dma_start3A_194 = tpu.memref_slice %arg3[%add3A_192] : memref<640000xi32, #tpu.memory_space<hbm>> -> memref<64xi32, #tpu.memory_space<hbm>>
        tpu.enqueue_dma source(%dma_start3A_194 : memref<64xi32, #tpu.memory_space<hbm>>) target(%arg16 : memref<64xi32, #tpu.memory_space<vmem>>) target_semaphore(%arg43 : memref<!tpu.dma_semaphore, #tpu.memory_space<semaphore_mem>>)
        %add3A_195 = arith.constant 128 : i32
        %add3A_196 = arith.addi %add3A_178, %add3A_195 : i32
        %dma_start3A_197 = tpu.memref_slice %arg3[%add3A_196] : memref<640000xi32, #tpu.memory_space<hbm>> -> memref<64xi32, #tpu.memory_space<hbm>>
        %dma_start3A_198 = tpu.memref_slice %arg3[%add3A_196] : memref<640000xi32, #tpu.memory_space<hbm>> -> memref<64xi32, #tpu.memory_space<hbm>>
        tpu.enqueue_dma source(%dma_start3A_198 : memref<64xi32, #tpu.memory_space<hbm>>) target(%arg11 : memref<64xi32, #tpu.memory_space<vmem>>) target_semaphore(%arg50 : memref<!tpu.dma_semaphore, #tpu.memory_space<semaphore_mem>>)
        %add3A_199 = arith.constant 320000 : i32
        %add3A_200 = arith.addi %add3A_199, %add3A_196 : i32
        %dma_start3A_201 = tpu.memref_slice %arg3[%add3A_200] : memref<640000xi32, #tpu.memory_space<hbm>> -> memref<64xi32, #tpu.memory_space<hbm>>
        %dma_start3A_202 = tpu.memref_slice %arg3[%add3A_200] : memref<640000xi32, #tpu.memory_space<hbm>> -> memref<64xi32, #tpu.memory_space<hbm>>
        tpu.enqueue_dma source(%dma_start3A_202 : memref<64xi32, #tpu.memory_space<hbm>>) target(%arg17 : memref<64xi32, #tpu.memory_space<vmem>>) target_semaphore(%arg44 : memref<!tpu.dma_semaphore, #tpu.memory_space<semaphore_mem>>)
        %dma_wait3A_203 = arith.constant 0 : i32
        %dma_wait3A_204 = tpu.memref_slice %arg3[%dma_wait3A_203] : memref<640000xi32, #tpu.memory_space<hbm>> -> memref<64xi32, #tpu.memory_space<hbm>>
        %dma_wait3A_205 = arith.constant 0 : i32
        %dma_wait3A_206 = tpu.memref_slice %arg3[%dma_wait3A_205] : memref<640000xi32, #tpu.memory_space<hbm>> -> memref<64xi32, #tpu.memory_space<hbm>>
        tpu.wait_dma2 semaphore(%arg48 : memref<!tpu.dma_semaphore, #tpu.memory_space<semaphore_mem>>) src(%dma_wait3A_206 : memref<64xi32, #tpu.memory_space<hbm>>) dst(%arg9 : memref<64xi32, #tpu.memory_space<vmem>>)
        %dma_start3A_207 = arith.constant 0 : i32
        %dma_start3A_208 = arith.constant 0 : i32
        %dma_start3A_209 = tpu.memref_slice %arg2[%dma_start3A_207, %dma_start3A_208] : memref<10000x128xf32, #tpu.memory_space<hbm>> -> memref<10000x128xf32, #tpu.memory_space<hbm>>
        tpu.enqueue_indirect_dma source(%dma_start3A_209 : memref<10000x128xf32, #tpu.memory_space<hbm>>) target(%arg23 : memref<64x128xf32, #tpu.memory_space<vmem>>) offsets(%arg9 : memref<64xi32, #tpu.memory_space<vmem>>) semaphore(%arg30 : memref<!tpu.dma_semaphore, #tpu.memory_space<semaphore_mem>>)
        %dma_wait3A_210 = arith.constant 0 : i32
        %dma_wait3A_211 = tpu.memref_slice %arg3[%dma_wait3A_210] : memref<640000xi32, #tpu.memory_space<hbm>> -> memref<64xi32, #tpu.memory_space<hbm>>
        %dma_wait3A_212 = arith.constant 0 : i32
        %dma_wait3A_213 = tpu.memref_slice %arg3[%dma_wait3A_212] : memref<640000xi32, #tpu.memory_space<hbm>> -> memref<64xi32, #tpu.memory_space<hbm>>
        tpu.wait_dma2 semaphore(%arg49 : memref<!tpu.dma_semaphore, #tpu.memory_space<semaphore_mem>>) src(%dma_wait3A_213 : memref<64xi32, #tpu.memory_space<hbm>>) dst(%arg10 : memref<64xi32, #tpu.memory_space<vmem>>)
        %dma_start3A_214 = arith.constant 0 : i32
        %dma_start3A_215 = arith.constant 0 : i32
        %dma_start3A_216 = tpu.memref_slice %arg2[%dma_start3A_214, %dma_start3A_215] : memref<10000x128xf32, #tpu.memory_space<hbm>> -> memref<10000x128xf32, #tpu.memory_space<hbm>>
        tpu.enqueue_indirect_dma source(%dma_start3A_216 : memref<10000x128xf32, #tpu.memory_space<hbm>>) target(%arg24 : memref<64x128xf32, #tpu.memory_space<vmem>>) offsets(%arg10 : memref<64xi32, #tpu.memory_space<vmem>>) semaphore(%arg31 : memref<!tpu.dma_semaphore, #tpu.memory_space<semaphore_mem>>)
        %dma_wait3A_217 = arith.constant 0 : i32
        %dma_wait3A_218 = tpu.memref_slice %arg3[%dma_wait3A_217] : memref<640000xi32, #tpu.memory_space<hbm>> -> memref<64xi32, #tpu.memory_space<hbm>>
        %dma_wait3A_219 = arith.constant 0 : i32
        %dma_wait3A_220 = tpu.memref_slice %arg3[%dma_wait3A_219] : memref<640000xi32, #tpu.memory_space<hbm>> -> memref<64xi32, #tpu.memory_space<hbm>>
        tpu.wait_dma2 semaphore(%arg50 : memref<!tpu.dma_semaphore, #tpu.memory_space<semaphore_mem>>) src(%dma_wait3A_220 : memref<64xi32, #tpu.memory_space<hbm>>) dst(%arg11 : memref<64xi32, #tpu.memory_space<vmem>>)
        %dma_start3A_221 = arith.constant 0 : i32
        %dma_start3A_222 = arith.constant 0 : i32
        %dma_start3A_223 = tpu.memref_slice %arg2[%dma_start3A_221, %dma_start3A_222] : memref<10000x128xf32, #tpu.memory_space<hbm>> -> memref<10000x128xf32, #tpu.memory_space<hbm>>
        tpu.enqueue_indirect_dma source(%dma_start3A_223 : memref<10000x128xf32, #tpu.memory_space<hbm>>) target(%arg25 : memref<64x128xf32, #tpu.memory_space<vmem>>) offsets(%arg11 : memref<64xi32, #tpu.memory_space<vmem>>) semaphore(%arg32 : memref<!tpu.dma_semaphore, #tpu.memory_space<semaphore_mem>>)
        %gt3A_224 = arith.constant 0 : i32
        %gt3A_225 = arith.cmpi sgt, %scan3A_135, %gt3A_224 : i32
        %convert_element_type3A_226 = arith.extui %gt3A_225 : i1 to i32
        %cond3A_227 = arith.constant 0 : i32
        %cond3A_228 = arith.cmpi ne, %convert_element_type3A_226, %cond3A_227 : i32
        scf.if %cond3A_228 {
          %dma_wait3A_229 = arith.constant 0 : i32
          %dma_wait3A_230 = tpu.memref_slice %arg3[%dma_wait3A_229] : memref<640000xi32, #tpu.memory_space<hbm>> -> memref<64xi32, #tpu.memory_space<hbm>>
          %dma_wait3A_231 = arith.constant 0 : i32
          %dma_wait3A_232 = tpu.memref_slice %arg3[%dma_wait3A_231] : memref<640000xi32, #tpu.memory_space<hbm>> -> memref<64xi32, #tpu.memory_space<hbm>>
          tpu.wait_dma2 semaphore(%arg39 : memref<!tpu.dma_semaphore, #tpu.memory_space<semaphore_mem>>) src(%dma_wait3A_232 : memref<64xi32, #tpu.memory_space<hbm>>) dst(%arg12 : memref<64xi32, #tpu.memory_space<vmem>>)
          %dma_wait3A_233 = arith.constant 0 : i32
          %dma_wait3A_234 = arith.constant 0 : i32
          %dma_wait3A_235 = tpu.memref_slice %arg2[%dma_wait3A_233, %dma_wait3A_234] : memref<10000x128xf32, #tpu.memory_space<hbm>> -> memref<10000x128xf32, #tpu.memory_space<hbm>>
          tpu.wait_indirect_dma semaphore(%arg27 : memref<!tpu.dma_semaphore, #tpu.memory_space<semaphore_mem>>) src(%dma_wait3A_235 : memref<10000x128xf32, #tpu.memory_space<hbm>>) dst(%arg20 : memref<64x128xf32, #tpu.memory_space<vmem>>)
          %dma_start3A_236 = arith.constant 0 : i32
          %dma_start3A_237 = arith.constant 0 : i32
          %dma_start3A_238 = tpu.memref_slice %arg26[%dma_start3A_236, %dma_start3A_237] : memref<10000x128xf32, #tpu.memory_space<vmem_shared>> -> memref<10000x128xf32, #tpu.memory_space<vmem_shared>>
          tpu.enqueue_indirect_dma source(%arg20 : memref<64x128xf32, #tpu.memory_space<vmem>>) target(%dma_start3A_238 : memref<10000x128xf32, #tpu.memory_space<vmem_shared>>) offsets(%arg12 : memref<64xi32, #tpu.memory_space<vmem>>) semaphore(%arg33 : memref<!tpu.dma_semaphore, #tpu.memory_space<semaphore_mem>>) {add = true}
          %dma_wait3A_239 = arith.constant 0 : i32
          %dma_wait3A_240 = tpu.memref_slice %arg3[%dma_wait3A_239] : memref<640000xi32, #tpu.memory_space<hbm>> -> memref<64xi32, #tpu.memory_space<hbm>>
          %dma_wait3A_241 = arith.constant 0 : i32
          %dma_wait3A_242 = tpu.memref_slice %arg3[%dma_wait3A_241] : memref<640000xi32, #tpu.memory_space<hbm>> -> memref<64xi32, #tpu.memory_space<hbm>>
          tpu.wait_dma2 semaphore(%arg40 : memref<!tpu.dma_semaphore, #tpu.memory_space<semaphore_mem>>) src(%dma_wait3A_242 : memref<64xi32, #tpu.memory_space<hbm>>) dst(%arg13 : memref<64xi32, #tpu.memory_space<vmem>>)
          %dma_wait3A_243 = arith.constant 0 : i32
          %dma_wait3A_244 = arith.constant 0 : i32
          %dma_wait3A_245 = tpu.memref_slice %arg2[%dma_wait3A_243, %dma_wait3A_244] : memref<10000x128xf32, #tpu.memory_space<hbm>> -> memref<10000x128xf32, #tpu.memory_space<hbm>>
          tpu.wait_indirect_dma semaphore(%arg28 : memref<!tpu.dma_semaphore, #tpu.memory_space<semaphore_mem>>) src(%dma_wait3A_245 : memref<10000x128xf32, #tpu.memory_space<hbm>>) dst(%arg21 : memref<64x128xf32, #tpu.memory_space<vmem>>)
          %dma_start3A_246 = arith.constant 0 : i32
          %dma_start3A_247 = arith.constant 0 : i32
          %dma_start3A_248 = tpu.memref_slice %arg26[%dma_start3A_246, %dma_start3A_247] : memref<10000x128xf32, #tpu.memory_space<vmem_shared>> -> memref<10000x128xf32, #tpu.memory_space<vmem_shared>>
          tpu.enqueue_indirect_dma source(%arg21 : memref<64x128xf32, #tpu.memory_space<vmem>>) target(%dma_start3A_248 : memref<10000x128xf32, #tpu.memory_space<vmem_shared>>) offsets(%arg13 : memref<64xi32, #tpu.memory_space<vmem>>) semaphore(%arg34 : memref<!tpu.dma_semaphore, #tpu.memory_space<semaphore_mem>>) {add = true}
          %dma_wait3A_249 = arith.constant 0 : i32
          %dma_wait3A_250 = tpu.memref_slice %arg3[%dma_wait3A_249] : memref<640000xi32, #tpu.memory_space<hbm>> -> memref<64xi32, #tpu.memory_space<hbm>>
          %dma_wait3A_251 = arith.constant 0 : i32
          %dma_wait3A_252 = tpu.memref_slice %arg3[%dma_wait3A_251] : memref<640000xi32, #tpu.memory_space<hbm>> -> memref<64xi32, #tpu.memory_space<hbm>>
          tpu.wait_dma2 semaphore(%arg41 : memref<!tpu.dma_semaphore, #tpu.memory_space<semaphore_mem>>) src(%dma_wait3A_252 : memref<64xi32, #tpu.memory_space<hbm>>) dst(%arg14 : memref<64xi32, #tpu.memory_space<vmem>>)
          %dma_wait3A_253 = arith.constant 0 : i32
          %dma_wait3A_254 = arith.constant 0 : i32
          %dma_wait3A_255 = tpu.memref_slice %arg2[%dma_wait3A_253, %dma_wait3A_254] : memref<10000x128xf32, #tpu.memory_space<hbm>> -> memref<10000x128xf32, #tpu.memory_space<hbm>>
          tpu.wait_indirect_dma semaphore(%arg29 : memref<!tpu.dma_semaphore, #tpu.memory_space<semaphore_mem>>) src(%dma_wait3A_255 : memref<10000x128xf32, #tpu.memory_space<hbm>>) dst(%arg22 : memref<64x128xf32, #tpu.memory_space<vmem>>)
          %dma_start3A_256 = arith.constant 0 : i32
          %dma_start3A_257 = arith.constant 0 : i32
          %dma_start3A_258 = tpu.memref_slice %arg26[%dma_start3A_256, %dma_start3A_257] : memref<10000x128xf32, #tpu.memory_space<vmem_shared>> -> memref<10000x128xf32, #tpu.memory_space<vmem_shared>>
          tpu.enqueue_indirect_dma source(%arg22 : memref<64x128xf32, #tpu.memory_space<vmem>>) target(%dma_start3A_258 : memref<10000x128xf32, #tpu.memory_space<vmem_shared>>) offsets(%arg14 : memref<64xi32, #tpu.memory_space<vmem>>) semaphore(%arg35 : memref<!tpu.dma_semaphore, #tpu.memory_space<semaphore_mem>>) {add = true}
        } else {
        }
      } else {
      }
    }
    %scan3A_57 = arith.constant 51 : i32
    %dma_wait3A_58 = arith.constant 0 : i32
    %dma_wait3A_59 = tpu.memref_slice %arg3[%dma_wait3A_58] : memref<640000xi32, #tpu.memory_space<hbm>> -> memref<64xi32, #tpu.memory_space<hbm>>
    %dma_wait3A_60 = arith.constant 0 : i32
    %dma_wait3A_61 = tpu.memref_slice %arg3[%dma_wait3A_60] : memref<640000xi32, #tpu.memory_space<hbm>> -> memref<64xi32, #tpu.memory_space<hbm>>
    tpu.wait_dma2 semaphore(%arg42 : memref<!tpu.dma_semaphore, #tpu.memory_space<semaphore_mem>>) src(%dma_wait3A_61 : memref<64xi32, #tpu.memory_space<hbm>>) dst(%arg15 : memref<64xi32, #tpu.memory_space<vmem>>)
    %dma_wait3A_62 = arith.constant 0 : i32
    %dma_wait3A_63 = arith.constant 0 : i32
    %dma_wait3A_64 = tpu.memref_slice %arg2[%dma_wait3A_62, %dma_wait3A_63] : memref<10000x128xf32, #tpu.memory_space<hbm>> -> memref<10000x128xf32, #tpu.memory_space<hbm>>
    tpu.wait_indirect_dma semaphore(%arg30 : memref<!tpu.dma_semaphore, #tpu.memory_space<semaphore_mem>>) src(%dma_wait3A_64 : memref<10000x128xf32, #tpu.memory_space<hbm>>) dst(%arg23 : memref<64x128xf32, #tpu.memory_space<vmem>>)
    %dma_start3A_65 = arith.constant 0 : i32
    %dma_start3A_66 = arith.constant 0 : i32
    %dma_start3A_67 = tpu.memref_slice %arg26[%dma_start3A_65, %dma_start3A_66] : memref<10000x128xf32, #tpu.memory_space<vmem_shared>> -> memref<10000x128xf32, #tpu.memory_space<vmem_shared>>
    tpu.enqueue_indirect_dma source(%arg23 : memref<64x128xf32, #tpu.memory_space<vmem>>) target(%dma_start3A_67 : memref<10000x128xf32, #tpu.memory_space<vmem_shared>>) offsets(%arg15 : memref<64xi32, #tpu.memory_space<vmem>>) semaphore(%arg36 : memref<!tpu.dma_semaphore, #tpu.memory_space<semaphore_mem>>) {add = true}
    %dma_wait3A_68 = arith.constant 0 : i32
    %dma_wait3A_69 = tpu.memref_slice %arg3[%dma_wait3A_68] : memref<640000xi32, #tpu.memory_space<hbm>> -> memref<64xi32, #tpu.memory_space<hbm>>
    %dma_wait3A_70 = arith.constant 0 : i32
    %dma_wait3A_71 = tpu.memref_slice %arg3[%dma_wait3A_70] : memref<640000xi32, #tpu.memory_space<hbm>> -> memref<64xi32, #tpu.memory_space<hbm>>
    tpu.wait_dma2 semaphore(%arg43 : memref<!tpu.dma_semaphore, #tpu.memory_space<semaphore_mem>>) src(%dma_wait3A_71 : memref<64xi32, #tpu.memory_space<hbm>>) dst(%arg16 : memref<64xi32, #tpu.memory_space<vmem>>)
    %dma_wait3A_72 = arith.constant 0 : i32
    %dma_wait3A_73 = arith.constant 0 : i32
    %dma_wait3A_74 = tpu.memref_slice %arg2[%dma_wait3A_72, %dma_wait3A_73] : memref<10000x128xf32, #tpu.memory_space<hbm>> -> memref<10000x128xf32, #tpu.memory_space<hbm>>
    tpu.wait_indirect_dma semaphore(%arg31 : memref<!tpu.dma_semaphore, #tpu.memory_space<semaphore_mem>>) src(%dma_wait3A_74 : memref<10000x128xf32, #tpu.memory_space<hbm>>) dst(%arg24 : memref<64x128xf32, #tpu.memory_space<vmem>>)
    %dma_start3A_75 = arith.constant 0 : i32
    %dma_start3A_76 = arith.constant 0 : i32
    %dma_start3A_77 = tpu.memref_slice %arg26[%dma_start3A_75, %dma_start3A_76] : memref<10000x128xf32, #tpu.memory_space<vmem_shared>> -> memref<10000x128xf32, #tpu.memory_space<vmem_shared>>
    tpu.enqueue_indirect_dma source(%arg24 : memref<64x128xf32, #tpu.memory_space<vmem>>) target(%dma_start3A_77 : memref<10000x128xf32, #tpu.memory_space<vmem_shared>>) offsets(%arg16 : memref<64xi32, #tpu.memory_space<vmem>>) semaphore(%arg37 : memref<!tpu.dma_semaphore, #tpu.memory_space<semaphore_mem>>) {add = true}
    %dma_wait3A_78 = arith.constant 0 : i32
    %dma_wait3A_79 = tpu.memref_slice %arg3[%dma_wait3A_78] : memref<640000xi32, #tpu.memory_space<hbm>> -> memref<64xi32, #tpu.memory_space<hbm>>
    %dma_wait3A_80 = arith.constant 0 : i32
    %dma_wait3A_81 = tpu.memref_slice %arg3[%dma_wait3A_80] : memref<640000xi32, #tpu.memory_space<hbm>> -> memref<64xi32, #tpu.memory_space<hbm>>
    tpu.wait_dma2 semaphore(%arg44 : memref<!tpu.dma_semaphore, #tpu.memory_space<semaphore_mem>>) src(%dma_wait3A_81 : memref<64xi32, #tpu.memory_space<hbm>>) dst(%arg17 : memref<64xi32, #tpu.memory_space<vmem>>)
    %dma_wait3A_82 = arith.constant 0 : i32
    %dma_wait3A_83 = arith.constant 0 : i32
    %dma_wait3A_84 = tpu.memref_slice %arg2[%dma_wait3A_82, %dma_wait3A_83] : memref<10000x128xf32, #tpu.memory_space<hbm>> -> memref<10000x128xf32, #tpu.memory_space<hbm>>
    tpu.wait_indirect_dma semaphore(%arg32 : memref<!tpu.dma_semaphore, #tpu.memory_space<semaphore_mem>>) src(%dma_wait3A_84 : memref<10000x128xf32, #tpu.memory_space<hbm>>) dst(%arg25 : memref<64x128xf32, #tpu.memory_space<vmem>>)
    %dma_start3A_85 = arith.constant 0 : i32
    %dma_start3A_86 = arith.constant 0 : i32
    %dma_start3A_87 = tpu.memref_slice %arg26[%dma_start3A_85, %dma_start3A_86] : memref<10000x128xf32, #tpu.memory_space<vmem_shared>> -> memref<10000x128xf32, #tpu.memory_space<vmem_shared>>
    tpu.enqueue_indirect_dma source(%arg25 : memref<64x128xf32, #tpu.memory_space<vmem>>) target(%dma_start3A_87 : memref<10000x128xf32, #tpu.memory_space<vmem_shared>>) offsets(%arg17 : memref<64xi32, #tpu.memory_space<vmem>>) semaphore(%arg38 : memref<!tpu.dma_semaphore, #tpu.memory_space<semaphore_mem>>) {add = true}
    %dma_wait3A_88 = arith.constant 0 : i32
    %dma_wait3A_89 = arith.constant 0 : i32
    %dma_wait3A_90 = tpu.memref_slice %arg26[%dma_wait3A_88, %dma_wait3A_89] : memref<10000x128xf32, #tpu.memory_space<vmem_shared>> -> memref<10000x128xf32, #tpu.memory_space<vmem_shared>>
    tpu.wait_indirect_dma semaphore(%arg33 : memref<!tpu.dma_semaphore, #tpu.memory_space<semaphore_mem>>) src(%arg20 : memref<64x128xf32, #tpu.memory_space<vmem>>) dst(%dma_wait3A_90 : memref<10000x128xf32, #tpu.memory_space<vmem_shared>>)
    %dma_wait3A_91 = arith.constant 0 : i32
    %dma_wait3A_92 = arith.constant 0 : i32
    %dma_wait3A_93 = tpu.memref_slice %arg26[%dma_wait3A_91, %dma_wait3A_92] : memref<10000x128xf32, #tpu.memory_space<vmem_shared>> -> memref<10000x128xf32, #tpu.memory_space<vmem_shared>>
    tpu.wait_indirect_dma semaphore(%arg34 : memref<!tpu.dma_semaphore, #tpu.memory_space<semaphore_mem>>) src(%arg21 : memref<64x128xf32, #tpu.memory_space<vmem>>) dst(%dma_wait3A_93 : memref<10000x128xf32, #tpu.memory_space<vmem_shared>>)
    %dma_wait3A_94 = arith.constant 0 : i32
    %dma_wait3A_95 = arith.constant 0 : i32
    %dma_wait3A_96 = tpu.memref_slice %arg26[%dma_wait3A_94, %dma_wait3A_95] : memref<10000x128xf32, #tpu.memory_space<vmem_shared>> -> memref<10000x128xf32, #tpu.memory_space<vmem_shared>>
    tpu.wait_indirect_dma semaphore(%arg35 : memref<!tpu.dma_semaphore, #tpu.memory_space<semaphore_mem>>) src(%arg22 : memref<64x128xf32, #tpu.memory_space<vmem>>) dst(%dma_wait3A_96 : memref<10000x128xf32, #tpu.memory_space<vmem_shared>>)
    %dma_wait3A_97 = arith.constant 0 : i32
    %dma_wait3A_98 = arith.constant 0 : i32
    %dma_wait3A_99 = tpu.memref_slice %arg26[%dma_wait3A_97, %dma_wait3A_98] : memref<10000x128xf32, #tpu.memory_space<vmem_shared>> -> memref<10000x128xf32, #tpu.memory_space<vmem_shared>>
    tpu.wait_indirect_dma semaphore(%arg36 : memref<!tpu.dma_semaphore, #tpu.memory_space<semaphore_mem>>) src(%arg23 : memref<64x128xf32, #tpu.memory_space<vmem>>) dst(%dma_wait3A_99 : memref<10000x128xf32, #tpu.memory_space<vmem_shared>>)
    %dma_wait3A_100 = arith.constant 0 : i32
    %dma_wait3A_101 = arith.constant 0 : i32
    %dma_wait3A_102 = tpu.memref_slice %arg26[%dma_wait3A_100, %dma_wait3A_101] : memref<10000x128xf32, #tpu.memory_space<vmem_shared>> -> memref<10000x128xf32, #tpu.memory_space<vmem_shared>>
    tpu.wait_indirect_dma semaphore(%arg37 : memref<!tpu.dma_semaphore, #tpu.memory_space<semaphore_mem>>) src(%arg24 : memref<64x128xf32, #tpu.memory_space<vmem>>) dst(%dma_wait3A_102 : memref<10000x128xf32, #tpu.memory_space<vmem_shared>>)
    %dma_wait3A_103 = arith.constant 0 : i32
    %dma_wait3A_104 = arith.constant 0 : i32
    %dma_wait3A_105 = tpu.memref_slice %arg26[%dma_wait3A_103, %dma_wait3A_104] : memref<10000x128xf32, #tpu.memory_space<vmem_shared>> -> memref<10000x128xf32, #tpu.memory_space<vmem_shared>>
    tpu.wait_indirect_dma semaphore(%arg38 : memref<!tpu.dma_semaphore, #tpu.memory_space<semaphore_mem>>) src(%arg25 : memref<64x128xf32, #tpu.memory_space<vmem>>) dst(%dma_wait3A_105 : memref<10000x128xf32, #tpu.memory_space<vmem_shared>>)
    %add3A_106 = arith.constant 9984 : i32
    %add3A_107 = arith.addi %mul3A_2, %add3A_106 : i32
    "tpu.region"() ({
      %run_scoped3A = tpu.sem_alloc : memref<!tpu.dma_semaphore, #tpu.memory_space<semaphore_mem>>
      %dma_start3A_135 = tpu.memref_slice %arg3[%add3A_107] : memref<640000xi32, #tpu.memory_space<hbm>> -> memref<16xi32, #tpu.memory_space<hbm>>
      %dma_start3A_136 = tpu.memref_slice %arg3[%add3A_107] : memref<640000xi32, #tpu.memory_space<hbm>> -> memref<16xi32, #tpu.memory_space<hbm>>
      tpu.enqueue_dma source(%dma_start3A_136 : memref<16xi32, #tpu.memory_space<hbm>>) target(%arg18 : memref<16xi32, #tpu.memory_space<vmem>>) target_semaphore(%run_scoped3A : memref<!tpu.dma_semaphore, #tpu.memory_space<semaphore_mem>>)
      %dma_wait3A_137 = tpu.memref_slice %arg3[%add3A_107] : memref<640000xi32, #tpu.memory_space<hbm>> -> memref<16xi32, #tpu.memory_space<hbm>>
      %dma_wait3A_138 = tpu.memref_slice %arg3[%add3A_107] : memref<640000xi32, #tpu.memory_space<hbm>> -> memref<16xi32, #tpu.memory_space<hbm>>
      tpu.wait_dma2 semaphore(%run_scoped3A : memref<!tpu.dma_semaphore, #tpu.memory_space<semaphore_mem>>) src(%dma_wait3A_138 : memref<16xi32, #tpu.memory_space<hbm>>) dst(%arg18 : memref<16xi32, #tpu.memory_space<vmem>>)
      tpu.yield
    }) : () -> ()
    %add3A_108 = arith.constant 320000 : i32
    %add3A_109 = arith.addi %add3A_108, %add3A_107 : i32
    "tpu.region"() ({
      %run_scoped3A = tpu.sem_alloc : memref<!tpu.dma_semaphore, #tpu.memory_space<semaphore_mem>>
      %dma_start3A_135 = tpu.memref_slice %arg3[%add3A_109] : memref<640000xi32, #tpu.memory_space<hbm>> -> memref<16xi32, #tpu.memory_space<hbm>>
      %dma_start3A_136 = tpu.memref_slice %arg3[%add3A_109] : memref<640000xi32, #tpu.memory_space<hbm>> -> memref<16xi32, #tpu.memory_space<hbm>>
      tpu.enqueue_dma source(%dma_start3A_136 : memref<16xi32, #tpu.memory_space<hbm>>) target(%arg19 : memref<16xi32, #tpu.memory_space<vmem>>) target_semaphore(%run_scoped3A : memref<!tpu.dma_semaphore, #tpu.memory_space<semaphore_mem>>)
      %dma_wait3A_137 = tpu.memref_slice %arg3[%add3A_109] : memref<640000xi32, #tpu.memory_space<hbm>> -> memref<16xi32, #tpu.memory_space<hbm>>
      %dma_wait3A_138 = tpu.memref_slice %arg3[%add3A_109] : memref<640000xi32, #tpu.memory_space<hbm>> -> memref<16xi32, #tpu.memory_space<hbm>>
      tpu.wait_dma2 semaphore(%run_scoped3A : memref<!tpu.dma_semaphore, #tpu.memory_space<semaphore_mem>>) src(%dma_wait3A_138 : memref<16xi32, #tpu.memory_space<hbm>>) dst(%arg19 : memref<16xi32, #tpu.memory_space<vmem>>)
      tpu.yield
    }) : () -> ()
    %dma_start3A_110 = arith.constant 0 : i32
    %dma_start3A_111 = arith.constant 0 : i32
    %dma_start3A_112 = tpu.memref_slice %arg20[%dma_start3A_110, %dma_start3A_111] : memref<64x128xf32, #tpu.memory_space<vmem>> -> memref<16x128xf32, #tpu.memory_space<vmem>>
    %dma_start3A_113 = arith.constant 0 : i32
    %dma_start3A_114 = arith.constant 0 : i32
    %dma_start3A_115 = tpu.memref_slice %arg2[%dma_start3A_113, %dma_start3A_114] : memref<10000x128xf32, #tpu.memory_space<hbm>> -> memref<10000x128xf32, #tpu.memory_space<hbm>>
    tpu.enqueue_indirect_dma source(%dma_start3A_115 : memref<10000x128xf32, #tpu.memory_space<hbm>>) target(%dma_start3A_112 : memref<16x128xf32, #tpu.memory_space<vmem>>) offsets(%arg18 : memref<16xi32, #tpu.memory_space<vmem>>) semaphore(%arg51 : memref<!tpu.dma_semaphore, #tpu.memory_space<semaphore_mem>>)
    %dma_wait3A_116 = arith.constant 0 : i32
    %dma_wait3A_117 = arith.constant 0 : i32
    %dma_wait3A_118 = tpu.memref_slice %arg20[%dma_wait3A_116, %dma_wait3A_117] : memref<64x128xf32, #tpu.memory_space<vmem>> -> memref<16x128xf32, #tpu.memory_space<vmem>>
    %dma_wait3A_119 = arith.constant 0 : i32
    %dma_wait3A_120 = arith.constant 0 : i32
    %dma_wait3A_121 = tpu.memref_slice %arg2[%dma_wait3A_119, %dma_wait3A_120] : memref<10000x128xf32, #tpu.memory_space<hbm>> -> memref<10000x128xf32, #tpu.memory_space<hbm>>
    tpu.wait_indirect_dma semaphore(%arg51 : memref<!tpu.dma_semaphore, #tpu.memory_space<semaphore_mem>>) src(%dma_wait3A_121 : memref<10000x128xf32, #tpu.memory_space<hbm>>) dst(%dma_wait3A_118 : memref<16x128xf32, #tpu.memory_space<vmem>>)
    "tpu.region"() ({
      %run_scoped3A = tpu.sem_alloc : memref<!tpu.dma_semaphore, #tpu.memory_space<semaphore_mem>>
      %dma_start3A_135 = arith.constant 0 : i32
      %dma_start3A_136 = arith.constant 0 : i32
      %dma_start3A_137 = tpu.memref_slice %arg20[%dma_start3A_135, %dma_start3A_136] : memref<64x128xf32, #tpu.memory_space<vmem>> -> memref<16x128xf32, #tpu.memory_space<vmem>>
      %dma_start3A_138 = arith.constant 0 : i32
      %dma_start3A_139 = arith.constant 0 : i32
      %dma_start3A_140 = tpu.memref_slice %arg26[%dma_start3A_138, %dma_start3A_139] : memref<10000x128xf32, #tpu.memory_space<vmem_shared>> -> memref<10000x128xf32, #tpu.memory_space<vmem_shared>>
      tpu.enqueue_indirect_dma source(%dma_start3A_137 : memref<16x128xf32, #tpu.memory_space<vmem>>) target(%dma_start3A_140 : memref<10000x128xf32, #tpu.memory_space<vmem_shared>>) offsets(%arg19 : memref<16xi32, #tpu.memory_space<vmem>>) semaphore(%run_scoped3A : memref<!tpu.dma_semaphore, #tpu.memory_space<semaphore_mem>>) {add = true}
      %dma_wait3A_141 = arith.constant 0 : i32
      %dma_wait3A_142 = arith.constant 0 : i32
      %dma_wait3A_143 = tpu.memref_slice %arg20[%dma_wait3A_141, %dma_wait3A_142] : memref<64x128xf32, #tpu.memory_space<vmem>> -> memref<16x128xf32, #tpu.memory_space<vmem>>
      %dma_wait3A_144 = arith.constant 0 : i32
      %dma_wait3A_145 = arith.constant 0 : i32
      %dma_wait3A_146 = tpu.memref_slice %arg26[%dma_wait3A_144, %dma_wait3A_145] : memref<10000x128xf32, #tpu.memory_space<vmem_shared>> -> memref<10000x128xf32, #tpu.memory_space<vmem_shared>>
      tpu.wait_indirect_dma semaphore(%run_scoped3A : memref<!tpu.dma_semaphore, #tpu.memory_space<semaphore_mem>>) src(%dma_wait3A_143 : memref<16x128xf32, #tpu.memory_space<vmem>>) dst(%dma_wait3A_146 : memref<10000x128xf32, #tpu.memory_space<vmem_shared>>)
      tpu.yield
    }) : () -> ()
    %barrier3A_122 = arith.constant 0 : index
    tpu.barrier barrier_id(%barrier3A_122)
    %mul3A_123 = arith.constant 10000 : i32
    %mul3A_124 = arith.muli %arg0, %mul3A_123 : i32
    %mul3A_125 = arith.constant 624 : i32
    %mul3A_126 = arith.muli %arg1, %mul3A_125 : i32
    %add3A_127 = arith.addi %mul3A_124, %mul3A_126 : i32
    %mul3A_128 = arith.constant 624 : i32
    %mul3A_129 = arith.muli %arg1, %mul3A_128 : i32
    "tpu.region"() ({
      %run_scoped3A = tpu.sem_alloc : memref<!tpu.dma_semaphore, #tpu.memory_space<semaphore_mem>>
      %dma_start3A_135 = arith.constant 0 : i32
      %dma_start3A_136 = tpu.memref_slice %arg5[%add3A_127, %dma_start3A_135] : memref<20000x128xf32, #tpu.memory_space<hbm>> -> memref<624x128xf32, #tpu.memory_space<hbm>>
      %dma_start3A_137 = arith.constant 0 : i32
      %dma_start3A_138 = tpu.memref_slice %arg26[%mul3A_129, %dma_start3A_137] : memref<10000x128xf32, #tpu.memory_space<vmem_shared>> -> memref<624x128xf32, #tpu.memory_space<vmem_shared>>
      tpu.enqueue_dma source(%dma_start3A_138 : memref<624x128xf32, #tpu.memory_space<vmem_shared>>) target(%dma_start3A_136 : memref<624x128xf32, #tpu.memory_space<hbm>>) target_semaphore(%run_scoped3A : memref<!tpu.dma_semaphore, #tpu.memory_space<semaphore_mem>>)
      %dma_wait3A_139 = arith.constant 0 : i32
      %dma_wait3A_140 = tpu.memref_slice %arg5[%add3A_127, %dma_wait3A_139] : memref<20000x128xf32, #tpu.memory_space<hbm>> -> memref<624x128xf32, #tpu.memory_space<hbm>>
      %dma_wait3A_141 = arith.constant 0 : i32
      %dma_wait3A_142 = tpu.memref_slice %arg26[%mul3A_129, %dma_wait3A_141] : memref<10000x128xf32, #tpu.memory_space<vmem_shared>> -> memref<624x128xf32, #tpu.memory_space<vmem_shared>>
      tpu.wait_dma2 semaphore(%run_scoped3A : memref<!tpu.dma_semaphore, #tpu.memory_space<semaphore_mem>>) src(%dma_wait3A_142 : memref<624x128xf32, #tpu.memory_space<vmem_shared>>) dst(%dma_wait3A_140 : memref<624x128xf32, #tpu.memory_space<hbm>>)
      tpu.yield
    }) : () -> ()
    %eq3A_130 = arith.constant 15 : i32
    %eq3A_131 = arith.cmpi eq, %arg1, %eq3A_130 : i32
    %convert_element_type3A_132 = arith.extui %eq3A_131 : i1 to i32
    %cond3A_133 = arith.constant 0 : i32
    %cond3A_134 = arith.cmpi ne, %convert_element_type3A_132, %cond3A_133 : i32
    scf.if %cond3A_134 {
      %mul3A_135 = arith.constant 10000 : i32
      %mul3A_136 = arith.muli %arg0, %mul3A_135 : i32
      %add3A_137 = arith.constant 9984 : i32
      %add3A_138 = arith.addi %mul3A_136, %add3A_137 : i32
      "tpu.region"() ({
        %run_scoped3A = tpu.sem_alloc : memref<!tpu.dma_semaphore, #tpu.memory_space<semaphore_mem>>
        %dma_start3A_139 = arith.constant 0 : i32
        %dma_start3A_140 = tpu.memref_slice %arg5[%add3A_138, %dma_start3A_139] : memref<20000x128xf32, #tpu.memory_space<hbm>> -> memref<16x128xf32, #tpu.memory_space<hbm>>
        %dma_start3A_141 = arith.constant 9984 : i32
        %dma_start3A_142 = arith.constant 0 : i32
        %dma_start3A_143 = tpu.memref_slice %arg26[%dma_start3A_141, %dma_start3A_142] : memref<10000x128xf32, #tpu.memory_space<vmem_shared>> -> memref<16x128xf32, #tpu.memory_space<vmem_shared>>
        tpu.enqueue_dma source(%dma_start3A_143 : memref<16x128xf32, #tpu.memory_space<vmem_shared>>) target(%dma_start3A_140 : memref<16x128xf32, #tpu.memory_space<hbm>>) target_semaphore(%run_scoped3A : memref<!tpu.dma_semaphore, #tpu.memory_space<semaphore_mem>>)
        %dma_wait3A_144 = arith.constant 0 : i32
        %dma_wait3A_145 = tpu.memref_slice %arg5[%add3A_138, %dma_wait3A_144] : memref<20000x128xf32, #tpu.memory_space<hbm>> -> memref<16x128xf32, #tpu.memory_space<hbm>>
        %dma_wait3A_146 = arith.constant 9984 : i32
        %dma_wait3A_147 = arith.constant 0 : i32
        %dma_wait3A_148 = tpu.memref_slice %arg26[%dma_wait3A_146, %dma_wait3A_147] : memref<10000x128xf32, #tpu.memory_space<vmem_shared>> -> memref<16x128xf32, #tpu.memory_space<vmem_shared>>
        tpu.wait_dma2 semaphore(%run_scoped3A : memref<!tpu.dma_semaphore, #tpu.memory_space<semaphore_mem>>) src(%dma_wait3A_148 : memref<16x128xf32, #tpu.memory_space<vmem_shared>>) dst(%dma_wait3A_145 : memref<16x128xf32, #tpu.memory_space<hbm>>)
        tpu.yield
      }) : () -> ()
    } else {
    }
    return
  }
}

module attributes {stable_mosaic.version = 14 : i64} {
  func.func @_zeros_body(%arg0: memref<10000x128xf32, #tpu.memory_space<vmem>>) attributes {dimension_semantics = [], scalar_prefetch = 0 : i64, scratch_operands = 0 : i64, tpu.core_type = #tpu.core_type<tc>} {
    %broadcast_in_dim3A = arith.constant 0.000000e+00 : f32
    %broadcast_in_dim3A_0 = vector.broadcast %broadcast_in_dim3A : f32 to vector<10000x128xf32>
    %swap3A = arith.constant 0 : index
    %swap3A_1 = arith.constant 0 : index
    %swap3A_2 = vector.load %arg0[%swap3A, %swap3A_1] : memref<10000x128xf32, #tpu.memory_space<vmem>>, vector<10000x128xf32>
    tpu.vector_store %arg0[%swap3A, %swap3A_1], %broadcast_in_dim3A_0 {strides = array<i32>} : memref<10000x128xf32, #tpu.memory_space<vmem>>, vector<10000x128xf32>,
    return
  }
}

module attributes {stable_mosaic.version = 14 : i64} {
  func.func @_first_body(%arg0: memref<10000x128xf32, #tpu.memory_space<vmem>>, %arg1: memref<128x64xf32, #tpu.memory_space<vmem>>, %arg2: memref<1x64xf32, #tpu.memory_space<vmem>>, %arg3: memref<1x64xf32, #tpu.memory_space<vmem>>, %arg4: memref<1x64xf32, #tpu.memory_space<vmem>>, %arg5: memref<64x64xf32, #tpu.memory_space<vmem>>, %arg6: memref<1x64xf32, #tpu.memory_space<vmem>>, %arg7: memref<1x64xf32, #tpu.memory_space<vmem>>, %arg8: memref<1x64xf32, #tpu.memory_space<vmem>>, %arg9: memref<10000x128xf32, #tpu.memory_space<vmem>>) attributes {dimension_semantics = [], scalar_prefetch = 0 : i64, scratch_operands = 0 : i64, tpu.core_type = #tpu.core_type<tc>} {
    %get3A = arith.constant 0 : index
    %get3A_0 = arith.constant 0 : index
    %get3A_1 = vector.load %arg0[%get3A, %get3A_0] : memref<10000x128xf32, #tpu.memory_space<vmem>>, vector<10000x128xf32>
    %get3A_2 = arith.constant 0 : index
    %get3A_3 = arith.constant 0 : index
    %get3A_4 = vector.load %arg1[%get3A_2, %get3A_3] : memref<128x64xf32, #tpu.memory_space<vmem>>, vector<128x64xf32>
    %get3A_5 = arith.constant 0 : index
    %get3A_6 = arith.constant 0 : index
    %get3A_7 = vector.load %arg2[%get3A_5, %get3A_6] : memref<1x64xf32, #tpu.memory_space<vmem>>, vector<1x64xf32>
    %get3A_8 = arith.constant 0 : index
    %get3A_9 = arith.constant 0 : index
    %get3A_10 = vector.load %arg3[%get3A_8, %get3A_9] : memref<1x64xf32, #tpu.memory_space<vmem>>, vector<1x64xf32>
    %get3A_11 = arith.constant 0 : index
    %get3A_12 = arith.constant 0 : index
    %get3A_13 = vector.load %arg4[%get3A_11, %get3A_12] : memref<1x64xf32, #tpu.memory_space<vmem>>, vector<1x64xf32>
    %get3A_14 = arith.constant 0 : index
    %get3A_15 = arith.constant 0 : index
    %get3A_16 = vector.load %arg5[%get3A_14, %get3A_15] : memref<64x64xf32, #tpu.memory_space<vmem>>, vector<64x64xf32>
    %get3A_17 = arith.constant 0 : index
    %get3A_18 = arith.constant 0 : index
    %get3A_19 = vector.load %arg6[%get3A_17, %get3A_18] : memref<1x64xf32, #tpu.memory_space<vmem>>, vector<1x64xf32>
    %get3A_20 = arith.constant 0 : index
    %get3A_21 = arith.constant 0 : index
    %get3A_22 = vector.load %arg7[%get3A_20, %get3A_21] : memref<1x64xf32, #tpu.memory_space<vmem>>, vector<1x64xf32>
    %get3A_23 = arith.constant 0 : index
    %get3A_24 = arith.constant 0 : index
    %get3A_25 = vector.load %arg8[%get3A_23, %get3A_24] : memref<1x64xf32, #tpu.memory_space<vmem>>, vector<1x64xf32>
    %dot_general3A = arith.constant dense<0.000000e+00> : vector<10000x64xf32>
    %dot_general3A_26 = tpu.matmul %get3A_1, %get3A_4, %dot_general3A {dimension_numbers = #tpu.dot_dimension_numbers<[1], [0], [0], [1], [0, 0, 1, 1], [], []>, transpose_lhs_hint = false} : vector<10000x128xf32>, vector<128x64xf32>, vector<10000x64xf32> -> vector<10000x64xf32>
    %add3A = vector.broadcast %get3A_7 : vector<1x64xf32> to vector<10000x64xf32>
    %add3A_27 = arith.addf %dot_general3A_26, %add3A : vector<10000x64xf32>
    %reduce_sum3A = arith.constant dense<0.000000e+00> : vector<64xf32>
    %reduce_sum3A_28 = vector.multi_reduction <add>, %add3A_27, %reduce_sum3A [0] : vector<10000x64xf32> to vector<64xf32>
    %div3A = arith.constant 1.000000e+04 : f32
    %div3A_29 = vector.broadcast %div3A : f32 to vector<64xf32>
    %div3A_30 = arith.divf %reduce_sum3A_28, %div3A_29 : vector<64xf32>
    %jit3A = arith.constant 0 : i32
    %reduce_sum3A_31 = arith.constant dense<0.000000e+00> : vector<64xf32>
    %reduce_sum3A_32 = vector.multi_reduction <add>, %add3A_27, %reduce_sum3A_31 [0] : vector<10000x64xf32> to vector<64xf32>
    %broadcast_in_dim3A = vector.shape_cast %reduce_sum3A_32 : vector<64xf32> to vector<1x64xf32>
    %div3A_33 = arith.constant 1.000000e+04 : f32
    %div3A_34 = vector.broadcast %div3A_33 : f32 to vector<1x64xf32>
    %div3A_35 = arith.divf %broadcast_in_dim3A, %div3A_34 : vector<1x64xf32>
    %sub3A = vector.broadcast %div3A_35 : vector<1x64xf32> to vector<10000x64xf32>
    %sub3A_36 = arith.subf %add3A_27, %sub3A : vector<10000x64xf32>
    %square3A = arith.mulf %sub3A_36, %sub3A_36 : vector<10000x64xf32>
    %convert_element_type3A = arith.sitofp %jit3A : i32 to f32
    %sub3A_37 = arith.constant 1.000000e+04 : f32
    %sub3A_38 = arith.subf %sub3A_37, %convert_element_type3A : f32
    %reduce_sum3A_39 = arith.constant dense<0.000000e+00> : vector<64xf32>
    %reduce_sum3A_40 = vector.multi_reduction <add>, %square3A, %reduce_sum3A_39 [0] : vector<10000x64xf32> to vector<64xf32>
    %div3A_41 = vector.broadcast %sub3A_38 : f32 to vector<64xf32>
    %div3A_42 = arith.divf %reduce_sum3A_40, %div3A_41 : vector<64xf32>
    %gt3A = arith.constant 0.000000e+00 : f32
    %gt3A_43 = arith.cmpf ogt, %sub3A_38, %gt3A : f32
    %jit3A_44 = arith.constant 0x7FC00000 : f32
    %broadcast_in_dim3A_45 = vector.broadcast %jit3A_44 : f32 to vector<64xf32>
    %select_n3A = arith.select %gt3A_43, %div3A_42, %broadcast_in_dim3A_45 : vector<64xf32>
    %broadcast_in_dim3A_46 = vector.shape_cast %div3A_30 : vector<64xf32> to vector<1x64xf32>
    %sub3A_47 = vector.broadcast %broadcast_in_dim3A_46 : vector<1x64xf32> to vector<10000x64xf32>
    %sub3A_48 = arith.subf %add3A_27, %sub3A_47 : vector<10000x64xf32>
    %add3A_49 = arith.constant 9.99999974E-6 : f32
    %add3A_50 = vector.broadcast %add3A_49 : f32 to vector<64xf32>
    %add3A_51 = arith.addf %select_n3A, %add3A_50 : vector<64xf32>
    %sqrt3A = math.sqrt %add3A_51 : vector<64xf32>
    %broadcast_in_dim3A_52 = vector.shape_cast %sqrt3A : vector<64xf32> to vector<1x64xf32>
    %div3A_53 = vector.broadcast %broadcast_in_dim3A_52 : vector<1x64xf32> to vector<10000x64xf32>
    %div3A_54 = arith.divf %sub3A_48, %div3A_53 : vector<10000x64xf32>
    %mul3A = vector.broadcast %get3A_10 : vector<1x64xf32> to vector<10000x64xf32>
    %mul3A_55 = arith.mulf %div3A_54, %mul3A : vector<10000x64xf32>
    %add3A_56 = vector.broadcast %get3A_13 : vector<1x64xf32> to vector<10000x64xf32>
    %add3A_57 = arith.addf %mul3A_55, %add3A_56 : vector<10000x64xf32>
    %max3A = arith.constant 0.000000e+00 : f32
    %max3A_58 = vector.broadcast %max3A : f32 to vector<10000x64xf32>
    %max3A_59 = arith.maximumf %add3A_57, %max3A_58 : vector<10000x64xf32>
    %dot_general3A_60 = arith.constant dense<0.000000e+00> : vector<10000x64xf32>
    %dot_general3A_61 = tpu.matmul %max3A_59, %get3A_16, %dot_general3A_60 {dimension_numbers = #tpu.dot_dimension_numbers<[1], [0], [0], [1], [0, 0, 1, 1], [], []>, transpose_lhs_hint = false} : vector<10000x64xf32>, vector<64x64xf32>, vector<10000x64xf32> -> vector<10000x64xf32>
    %add3A_62 = vector.broadcast %get3A_19 : vector<1x64xf32> to vector<10000x64xf32>
    %add3A_63 = arith.addf %dot_general3A_61, %add3A_62 : vector<10000x64xf32>
    %reduce_sum3A_64 = arith.constant dense<0.000000e+00> : vector<64xf32>
    %reduce_sum3A_65 = vector.multi_reduction <add>, %add3A_63, %reduce_sum3A_64 [0] : vector<10000x64xf32> to vector<64xf32>
    %div3A_66 = arith.constant 1.000000e+04 : f32
    %div3A_67 = vector.broadcast %div3A_66 : f32 to vector<64xf32>
    %div3A_68 = arith.divf %reduce_sum3A_65, %div3A_67 : vector<64xf32>
    %jit3A_69 = arith.constant 0 : i32
    %reduce_sum3A_70 = arith.constant dense<0.000000e+00> : vector<64xf32>
    %reduce_sum3A_71 = vector.multi_reduction <add>, %add3A_63, %reduce_sum3A_70 [0] : vector<10000x64xf32> to vector<64xf32>
    %broadcast_in_dim3A_72 = vector.shape_cast %reduce_sum3A_71 : vector<64xf32> to vector<1x64xf32>
    %div3A_73 = arith.constant 1.000000e+04 : f32
    %div3A_74 = vector.broadcast %div3A_73 : f32 to vector<1x64xf32>
    %div3A_75 = arith.divf %broadcast_in_dim3A_72, %div3A_74 : vector<1x64xf32>
    %sub3A_76 = vector.broadcast %div3A_75 : vector<1x64xf32> to vector<10000x64xf32>
    %sub3A_77 = arith.subf %add3A_63, %sub3A_76 : vector<10000x64xf32>
    %square3A_78 = arith.mulf %sub3A_77, %sub3A_77 : vector<10000x64xf32>
    %convert_element_type3A_79 = arith.sitofp %jit3A_69 : i32 to f32
    %sub3A_80 = arith.constant 1.000000e+04 : f32
    %sub3A_81 = arith.subf %sub3A_80, %convert_element_type3A_79 : f32
    %reduce_sum3A_82 = arith.constant dense<0.000000e+00> : vector<64xf32>
    %reduce_sum3A_83 = vector.multi_reduction <add>, %square3A_78, %reduce_sum3A_82 [0] : vector<10000x64xf32> to vector<64xf32>
    %div3A_84 = vector.broadcast %sub3A_81 : f32 to vector<64xf32>
    %div3A_85 = arith.divf %reduce_sum3A_83, %div3A_84 : vector<64xf32>
    %gt3A_86 = arith.constant 0.000000e+00 : f32
    %gt3A_87 = arith.cmpf ogt, %sub3A_81, %gt3A_86 : f32
    %jit3A_88 = arith.constant 0x7FC00000 : f32
    %broadcast_in_dim3A_89 = vector.broadcast %jit3A_88 : f32 to vector<64xf32>
    %select_n3A_90 = arith.select %gt3A_87, %div3A_85, %broadcast_in_dim3A_89 : vector<64xf32>
    %broadcast_in_dim3A_91 = vector.shape_cast %div3A_68 : vector<64xf32> to vector<1x64xf32>
    %sub3A_92 = vector.broadcast %broadcast_in_dim3A_91 : vector<1x64xf32> to vector<10000x64xf32>
    %sub3A_93 = arith.subf %add3A_63, %sub3A_92 : vector<10000x64xf32>
    %add3A_94 = arith.constant 9.99999974E-6 : f32
    %add3A_95 = vector.broadcast %add3A_94 : f32 to vector<64xf32>
    %add3A_96 = arith.addf %select_n3A_90, %add3A_95 : vector<64xf32>
    %sqrt3A_97 = math.sqrt %add3A_96 : vector<64xf32>
    %broadcast_in_dim3A_98 = vector.shape_cast %sqrt3A_97 : vector<64xf32> to vector<1x64xf32>
    %div3A_99 = vector.broadcast %broadcast_in_dim3A_98 : vector<1x64xf32> to vector<10000x64xf32>
    %div3A_100 = arith.divf %sub3A_93, %div3A_99 : vector<10000x64xf32>
    %mul3A_101 = vector.broadcast %get3A_22 : vector<1x64xf32> to vector<10000x64xf32>
    %mul3A_102 = arith.mulf %div3A_100, %mul3A_101 : vector<10000x64xf32>
    %add3A_103 = vector.broadcast %get3A_25 : vector<1x64xf32> to vector<10000x64xf32>
    %add3A_104 = arith.addf %mul3A_102, %add3A_103 : vector<10000x64xf32>
    %max3A_105 = arith.constant 0.000000e+00 : f32
    %max3A_106 = vector.broadcast %max3A_105 : f32 to vector<10000x64xf32>
    %max3A_107 = arith.maximumf %add3A_104, %max3A_106 : vector<10000x64xf32>
    %broadcast_in_dim3A_108 = arith.constant 0.000000e+00 : f32
    %broadcast_in_dim3A_109 = vector.broadcast %broadcast_in_dim3A_108 : f32 to vector<10000x64xf32>
    %concatenate3A = tpu.concatenate %max3A_107, %broadcast_in_dim3A_109 in 1 : vector<10000x64xf32>, vector<10000x64xf32> -> vector<10000x128xf32>
    %swap3A = arith.constant 0 : index
    %swap3A_110 = arith.constant 0 : index
    %swap3A_111 = vector.load %arg9[%swap3A, %swap3A_110] : memref<10000x128xf32, #tpu.memory_space<vmem>>, vector<10000x128xf32>
    tpu.vector_store %arg9[%swap3A, %swap3A_110], %concatenate3A {strides = array<i32>} : memref<10000x128xf32, #tpu.memory_space<vmem>>, vector<10000x128xf32>,
    return
  }
}

module attributes {stable_mosaic.version = 14 : i64} {
  func.func @_layer_body(%arg0: memref<20000x128xf32, #tpu.memory_space<vmem>>, %arg1: memref<64x64xf32, #tpu.memory_space<vmem>>, %arg2: memref<1x64xf32, #tpu.memory_space<vmem>>, %arg3: memref<1x64xf32, #tpu.memory_space<vmem>>, %arg4: memref<1x64xf32, #tpu.memory_space<vmem>>, %arg5: memref<64x64xf32, #tpu.memory_space<vmem>>, %arg6: memref<1x64xf32, #tpu.memory_space<vmem>>, %arg7: memref<1x64xf32, #tpu.memory_space<vmem>>, %arg8: memref<1x64xf32, #tpu.memory_space<vmem>>, %arg9: memref<10000x128xf32, #tpu.memory_space<vmem>>) attributes {dimension_semantics = [], scalar_prefetch = 0 : i64, scratch_operands = 0 : i64, tpu.core_type = #tpu.core_type<tc>} {
    %get3A = arith.constant 0 : index
    %get3A_0 = arith.constant 0 : index
    %get3A_1 = vector.load %arg0[%get3A, %get3A_0] : memref<20000x128xf32, #tpu.memory_space<vmem>>, vector<20000x128xf32>
    %slice3A = vector.extract_strided_slice %get3A_1 {offsets = [0, 0], sizes = [20000, 64], strides = [1, 1]} : vector<20000x128xf32> to vector<20000x64xf32>
    %slice3A_2 = vector.extract_strided_slice %slice3A {offsets = [0, 0], sizes = [10000, 64], strides = [1, 1]} : vector<20000x64xf32> to vector<10000x64xf32>
    %slice3A_3 = vector.extract_strided_slice %slice3A {offsets = [10000, 0], sizes = [10000, 64], strides = [1, 1]} : vector<20000x64xf32> to vector<10000x64xf32>
    %add3A = arith.addf %slice3A_2, %slice3A_3 : vector<10000x64xf32>
    %get3A_4 = arith.constant 0 : index
    %get3A_5 = arith.constant 0 : index
    %get3A_6 = vector.load %arg1[%get3A_4, %get3A_5] : memref<64x64xf32, #tpu.memory_space<vmem>>, vector<64x64xf32>
    %get3A_7 = arith.constant 0 : index
    %get3A_8 = arith.constant 0 : index
    %get3A_9 = vector.load %arg2[%get3A_7, %get3A_8] : memref<1x64xf32, #tpu.memory_space<vmem>>, vector<1x64xf32>
    %get3A_10 = arith.constant 0 : index
    %get3A_11 = arith.constant 0 : index
    %get3A_12 = vector.load %arg3[%get3A_10, %get3A_11] : memref<1x64xf32, #tpu.memory_space<vmem>>, vector<1x64xf32>
    %get3A_13 = arith.constant 0 : index
    %get3A_14 = arith.constant 0 : index
    %get3A_15 = vector.load %arg4[%get3A_13, %get3A_14] : memref<1x64xf32, #tpu.memory_space<vmem>>, vector<1x64xf32>
    %get3A_16 = arith.constant 0 : index
    %get3A_17 = arith.constant 0 : index
    %get3A_18 = vector.load %arg5[%get3A_16, %get3A_17] : memref<64x64xf32, #tpu.memory_space<vmem>>, vector<64x64xf32>
    %get3A_19 = arith.constant 0 : index
    %get3A_20 = arith.constant 0 : index
    %get3A_21 = vector.load %arg6[%get3A_19, %get3A_20] : memref<1x64xf32, #tpu.memory_space<vmem>>, vector<1x64xf32>
    %get3A_22 = arith.constant 0 : index
    %get3A_23 = arith.constant 0 : index
    %get3A_24 = vector.load %arg7[%get3A_22, %get3A_23] : memref<1x64xf32, #tpu.memory_space<vmem>>, vector<1x64xf32>
    %get3A_25 = arith.constant 0 : index
    %get3A_26 = arith.constant 0 : index
    %get3A_27 = vector.load %arg8[%get3A_25, %get3A_26] : memref<1x64xf32, #tpu.memory_space<vmem>>, vector<1x64xf32>
    %dot_general3A = arith.constant dense<0.000000e+00> : vector<10000x64xf32>
    %dot_general3A_28 = tpu.matmul %add3A, %get3A_6, %dot_general3A {dimension_numbers = #tpu.dot_dimension_numbers<[1], [0], [0], [1], [0, 0, 1, 1], [], []>, transpose_lhs_hint = false} : vector<10000x64xf32>, vector<64x64xf32>, vector<10000x64xf32> -> vector<10000x64xf32>
    %add3A_29 = vector.broadcast %get3A_9 : vector<1x64xf32> to vector<10000x64xf32>
    %add3A_30 = arith.addf %dot_general3A_28, %add3A_29 : vector<10000x64xf32>
    %reduce_sum3A = arith.constant dense<0.000000e+00> : vector<64xf32>
    %reduce_sum3A_31 = vector.multi_reduction <add>, %add3A_30, %reduce_sum3A [0] : vector<10000x64xf32> to vector<64xf32>
    %div3A = arith.constant 1.000000e+04 : f32
    %div3A_32 = vector.broadcast %div3A : f32 to vector<64xf32>
    %div3A_33 = arith.divf %reduce_sum3A_31, %div3A_32 : vector<64xf32>
    %jit3A = arith.constant 0 : i32
    %reduce_sum3A_34 = arith.constant dense<0.000000e+00> : vector<64xf32>
    %reduce_sum3A_35 = vector.multi_reduction <add>, %add3A_30, %reduce_sum3A_34 [0] : vector<10000x64xf32> to vector<64xf32>
    %broadcast_in_dim3A = vector.shape_cast %reduce_sum3A_35 : vector<64xf32> to vector<1x64xf32>
    %div3A_36 = arith.constant 1.000000e+04 : f32
    %div3A_37 = vector.broadcast %div3A_36 : f32 to vector<1x64xf32>
    %div3A_38 = arith.divf %broadcast_in_dim3A, %div3A_37 : vector<1x64xf32>
    %sub3A = vector.broadcast %div3A_38 : vector<1x64xf32> to vector<10000x64xf32>
    %sub3A_39 = arith.subf %add3A_30, %sub3A : vector<10000x64xf32>
    %square3A = arith.mulf %sub3A_39, %sub3A_39 : vector<10000x64xf32>
    %convert_element_type3A = arith.sitofp %jit3A : i32 to f32
    %sub3A_40 = arith.constant 1.000000e+04 : f32
    %sub3A_41 = arith.subf %sub3A_40, %convert_element_type3A : f32
    %reduce_sum3A_42 = arith.constant dense<0.000000e+00> : vector<64xf32>
    %reduce_sum3A_43 = vector.multi_reduction <add>, %square3A, %reduce_sum3A_42 [0] : vector<10000x64xf32> to vector<64xf32>
    %div3A_44 = vector.broadcast %sub3A_41 : f32 to vector<64xf32>
    %div3A_45 = arith.divf %reduce_sum3A_43, %div3A_44 : vector<64xf32>
    %gt3A = arith.constant 0.000000e+00 : f32
    %gt3A_46 = arith.cmpf ogt, %sub3A_41, %gt3A : f32
    %jit3A_47 = arith.constant 0x7FC00000 : f32
    %broadcast_in_dim3A_48 = vector.broadcast %jit3A_47 : f32 to vector<64xf32>
    %select_n3A = arith.select %gt3A_46, %div3A_45, %broadcast_in_dim3A_48 : vector<64xf32>
    %broadcast_in_dim3A_49 = vector.shape_cast %div3A_33 : vector<64xf32> to vector<1x64xf32>
    %sub3A_50 = vector.broadcast %broadcast_in_dim3A_49 : vector<1x64xf32> to vector<10000x64xf32>
    %sub3A_51 = arith.subf %add3A_30, %sub3A_50 : vector<10000x64xf32>
    %add3A_52 = arith.constant 9.99999974E-6 : f32
    %add3A_53 = vector.broadcast %add3A_52 : f32 to vector<64xf32>
    %add3A_54 = arith.addf %select_n3A, %add3A_53 : vector<64xf32>
    %sqrt3A = math.sqrt %add3A_54 : vector<64xf32>
    %broadcast_in_dim3A_55 = vector.shape_cast %sqrt3A : vector<64xf32> to vector<1x64xf32>
    %div3A_56 = vector.broadcast %broadcast_in_dim3A_55 : vector<1x64xf32> to vector<10000x64xf32>
    %div3A_57 = arith.divf %sub3A_51, %div3A_56 : vector<10000x64xf32>
    %mul3A = vector.broadcast %get3A_12 : vector<1x64xf32> to vector<10000x64xf32>
    %mul3A_58 = arith.mulf %div3A_57, %mul3A : vector<10000x64xf32>
    %add3A_59 = vector.broadcast %get3A_15 : vector<1x64xf32> to vector<10000x64xf32>
    %add3A_60 = arith.addf %mul3A_58, %add3A_59 : vector<10000x64xf32>
    %max3A = arith.constant 0.000000e+00 : f32
    %max3A_61 = vector.broadcast %max3A : f32 to vector<10000x64xf32>
    %max3A_62 = arith.maximumf %add3A_60, %max3A_61 : vector<10000x64xf32>
    %dot_general3A_63 = arith.constant dense<0.000000e+00> : vector<10000x64xf32>
    %dot_general3A_64 = tpu.matmul %max3A_62, %get3A_18, %dot_general3A_63 {dimension_numbers = #tpu.dot_dimension_numbers<[1], [0], [0], [1], [0, 0, 1, 1], [], []>, transpose_lhs_hint = false} : vector<10000x64xf32>, vector<64x64xf32>, vector<10000x64xf32> -> vector<10000x64xf32>
    %add3A_65 = vector.broadcast %get3A_21 : vector<1x64xf32> to vector<10000x64xf32>
    %add3A_66 = arith.addf %dot_general3A_64, %add3A_65 : vector<10000x64xf32>
    %reduce_sum3A_67 = arith.constant dense<0.000000e+00> : vector<64xf32>
    %reduce_sum3A_68 = vector.multi_reduction <add>, %add3A_66, %reduce_sum3A_67 [0] : vector<10000x64xf32> to vector<64xf32>
    %div3A_69 = arith.constant 1.000000e+04 : f32
    %div3A_70 = vector.broadcast %div3A_69 : f32 to vector<64xf32>
    %div3A_71 = arith.divf %reduce_sum3A_68, %div3A_70 : vector<64xf32>
    %jit3A_72 = arith.constant 0 : i32
    %reduce_sum3A_73 = arith.constant dense<0.000000e+00> : vector<64xf32>
    %reduce_sum3A_74 = vector.multi_reduction <add>, %add3A_66, %reduce_sum3A_73 [0] : vector<10000x64xf32> to vector<64xf32>
    %broadcast_in_dim3A_75 = vector.shape_cast %reduce_sum3A_74 : vector<64xf32> to vector<1x64xf32>
    %div3A_76 = arith.constant 1.000000e+04 : f32
    %div3A_77 = vector.broadcast %div3A_76 : f32 to vector<1x64xf32>
    %div3A_78 = arith.divf %broadcast_in_dim3A_75, %div3A_77 : vector<1x64xf32>
    %sub3A_79 = vector.broadcast %div3A_78 : vector<1x64xf32> to vector<10000x64xf32>
    %sub3A_80 = arith.subf %add3A_66, %sub3A_79 : vector<10000x64xf32>
    %square3A_81 = arith.mulf %sub3A_80, %sub3A_80 : vector<10000x64xf32>
    %convert_element_type3A_82 = arith.sitofp %jit3A_72 : i32 to f32
    %sub3A_83 = arith.constant 1.000000e+04 : f32
    %sub3A_84 = arith.subf %sub3A_83, %convert_element_type3A_82 : f32
    %reduce_sum3A_85 = arith.constant dense<0.000000e+00> : vector<64xf32>
    %reduce_sum3A_86 = vector.multi_reduction <add>, %square3A_81, %reduce_sum3A_85 [0] : vector<10000x64xf32> to vector<64xf32>
    %div3A_87 = vector.broadcast %sub3A_84 : f32 to vector<64xf32>
    %div3A_88 = arith.divf %reduce_sum3A_86, %div3A_87 : vector<64xf32>
    %gt3A_89 = arith.constant 0.000000e+00 : f32
    %gt3A_90 = arith.cmpf ogt, %sub3A_84, %gt3A_89 : f32
    %jit3A_91 = arith.constant 0x7FC00000 : f32
    %broadcast_in_dim3A_92 = vector.broadcast %jit3A_91 : f32 to vector<64xf32>
    %select_n3A_93 = arith.select %gt3A_90, %div3A_88, %broadcast_in_dim3A_92 : vector<64xf32>
    %broadcast_in_dim3A_94 = vector.shape_cast %div3A_71 : vector<64xf32> to vector<1x64xf32>
    %sub3A_95 = vector.broadcast %broadcast_in_dim3A_94 : vector<1x64xf32> to vector<10000x64xf32>
    %sub3A_96 = arith.subf %add3A_66, %sub3A_95 : vector<10000x64xf32>
    %add3A_97 = arith.constant 9.99999974E-6 : f32
    %add3A_98 = vector.broadcast %add3A_97 : f32 to vector<64xf32>
    %add3A_99 = arith.addf %select_n3A_93, %add3A_98 : vector<64xf32>
    %sqrt3A_100 = math.sqrt %add3A_99 : vector<64xf32>
    %broadcast_in_dim3A_101 = vector.shape_cast %sqrt3A_100 : vector<64xf32> to vector<1x64xf32>
    %div3A_102 = vector.broadcast %broadcast_in_dim3A_101 : vector<1x64xf32> to vector<10000x64xf32>
    %div3A_103 = arith.divf %sub3A_96, %div3A_102 : vector<10000x64xf32>
    %mul3A_104 = vector.broadcast %get3A_24 : vector<1x64xf32> to vector<10000x64xf32>
    %mul3A_105 = arith.mulf %div3A_103, %mul3A_104 : vector<10000x64xf32>
    %add3A_106 = vector.broadcast %get3A_27 : vector<1x64xf32> to vector<10000x64xf32>
    %add3A_107 = arith.addf %mul3A_105, %add3A_106 : vector<10000x64xf32>
    %max3A_108 = arith.constant 0.000000e+00 : f32
    %max3A_109 = vector.broadcast %max3A_108 : f32 to vector<10000x64xf32>
    %max3A_110 = arith.maximumf %add3A_107, %max3A_109 : vector<10000x64xf32>
    %broadcast_in_dim3A_111 = arith.constant 0.000000e+00 : f32
    %broadcast_in_dim3A_112 = vector.broadcast %broadcast_in_dim3A_111 : f32 to vector<10000x64xf32>
    %concatenate3A = tpu.concatenate %max3A_110, %broadcast_in_dim3A_112 in 1 : vector<10000x64xf32>, vector<10000x64xf32> -> vector<10000x128xf32>
    %swap3A = arith.constant 0 : index
    %swap3A_113 = arith.constant 0 : index
    %swap3A_114 = vector.load %arg9[%swap3A, %swap3A_113] : memref<10000x128xf32, #tpu.memory_space<vmem>>, vector<10000x128xf32>
    tpu.vector_store %arg9[%swap3A, %swap3A_113], %concatenate3A {strides = array<i32>} : memref<10000x128xf32, #tpu.memory_space<vmem>>, vector<10000x128xf32>,
    return
  }
}

module attributes {stable_mosaic.version = 14 : i64} {
  func.func @_pool_first_body(%arg0: memref<10000x128xf32, #tpu.memory_space<vmem>>, %arg1: memref<1x10000xi32, #tpu.memory_space<vmem>>, %arg2: memref<64x10xf32, #tpu.memory_space<vmem>>, %arg3: memref<1x10xf32, #tpu.memory_space<vmem>>, %arg4: memref<64x10xf32, #tpu.memory_space<vmem>>) attributes {dimension_semantics = [], scalar_prefetch = 0 : i64, scratch_operands = 0 : i64, tpu.core_type = #tpu.core_type<tc>} {
    %get3A = arith.constant 0 : index
    %get3A_0 = arith.constant 0 : index
    %get3A_1 = vector.load %arg0[%get3A, %get3A_0] : memref<10000x128xf32, #tpu.memory_space<vmem>>, vector<10000x128xf32>
    %slice3A = vector.extract_strided_slice %get3A_1 {offsets = [0, 0], sizes = [10000, 64], strides = [1, 1]} : vector<10000x128xf32> to vector<10000x64xf32>
    %get3A_2 = arith.constant 0 : index
    %get3A_3 = arith.constant 0 : index
    %get3A_4 = vector.load %arg1[%get3A_2, %get3A_3] : memref<1x10000xi32, #tpu.memory_space<vmem>>, vector<1x10000xi32>
    %iota3A = tpu.iota {dimensions = array<i32: 0>} : vector<64x10000xi32>
    %eq3A = vector.broadcast %get3A_4 : vector<1x10000xi32> to vector<64x10000xi32>
    %eq3A_5 = arith.cmpi eq, %iota3A, %eq3A : vector<64x10000xi32>
    %convert_element_type3A = arith.extui %eq3A_5 : vector<64x10000xi1> to vector<64x10000xi32>
    %convert_element_type3A_6 = arith.sitofp %convert_element_type3A : vector<64x10000xi32> to vector<64x10000xf32>
    %dot_general3A = arith.constant dense<0.000000e+00> : vector<64x64xf32>
    %dot_general3A_7 = tpu.matmul %convert_element_type3A_6, %slice3A, %dot_general3A {dimension_numbers = #tpu.dot_dimension_numbers<[1], [0], [0], [1], [0, 0, 1, 1], [], []>, transpose_lhs_hint = false} : vector<64x10000xf32>, vector<10000x64xf32>, vector<64x64xf32> -> vector<64x64xf32>
    %reduce_sum3A = arith.constant dense<0.000000e+00> : vector<64xf32>
    %reduce_sum3A_8 = vector.multi_reduction <add>, %convert_element_type3A_6, %reduce_sum3A [1] : vector<64x10000xf32> to vector<64xf32>
    %broadcast_in_dim3A = vector.shape_cast %reduce_sum3A_8 : vector<64xf32> to vector<64x1xf32>
    %get3A_9 = arith.constant 0 : index
    %get3A_10 = arith.constant 0 : index
    %get3A_11 = vector.load %arg2[%get3A_9, %get3A_10] : memref<64x10xf32, #tpu.memory_space<vmem>>, vector<64x10xf32>
    %dot_general3A_12 = arith.constant dense<0.000000e+00> : vector<64x10xf32>
    %dot_general3A_13 = tpu.matmul %dot_general3A_7, %get3A_11, %dot_general3A_12 {dimension_numbers = #tpu.dot_dimension_numbers<[1], [0], [0], [1], [0, 0, 1, 1], [], []>, transpose_lhs_hint = false} : vector<64x64xf32>, vector<64x10xf32>, vector<64x10xf32> -> vector<64x10xf32>
    %get3A_14 = arith.constant 0 : index
    %get3A_15 = arith.constant 0 : index
    %get3A_16 = vector.load %arg3[%get3A_14, %get3A_15] : memref<1x10xf32, #tpu.memory_space<vmem>>, vector<1x10xf32>
    %mul3A = vector.broadcast %broadcast_in_dim3A : vector<64x1xf32> to vector<64x10xf32>
    %mul3A_17 = vector.broadcast %get3A_16 : vector<1x10xf32> to vector<64x10xf32>
    %mul3A_18 = arith.mulf %mul3A, %mul3A_17 : vector<64x10xf32>
    %add3A = arith.addf %dot_general3A_13, %mul3A_18 : vector<64x10xf32>
    %swap3A = arith.constant 0 : index
    %swap3A_19 = arith.constant 0 : index
    %swap3A_20 = vector.load %arg4[%swap3A, %swap3A_19] : memref<64x10xf32, #tpu.memory_space<vmem>>, vector<64x10xf32>
    tpu.vector_store %arg4[%swap3A, %swap3A_19], %add3A {strides = array<i32>} : memref<64x10xf32, #tpu.memory_space<vmem>>, vector<64x10xf32>,
    return
  }
}

module attributes {stable_mosaic.version = 14 : i64} {
  func.func @_pool_body(%arg0: memref<10000x128xf32, #tpu.memory_space<vmem>>, %arg1: memref<1x10000xi32, #tpu.memory_space<vmem>>, %arg2: memref<64x10xf32, #tpu.memory_space<vmem>>, %arg3: memref<1x10xf32, #tpu.memory_space<vmem>>, %arg4: memref<64x10xf32, #tpu.memory_space<vmem>>, %arg5: memref<64x10xf32, #tpu.memory_space<vmem>>) attributes {dimension_semantics = [], scalar_prefetch = 0 : i64, scratch_operands = 0 : i64, tpu.core_type = #tpu.core_type<tc>} {
    %get3A = arith.constant 0 : index
    %get3A_0 = arith.constant 0 : index
    %get3A_1 = vector.load %arg0[%get3A, %get3A_0] : memref<10000x128xf32, #tpu.memory_space<vmem>>, vector<10000x128xf32>
    %slice3A = vector.extract_strided_slice %get3A_1 {offsets = [0, 0], sizes = [10000, 64], strides = [1, 1]} : vector<10000x128xf32> to vector<10000x64xf32>
    %get3A_2 = arith.constant 0 : index
    %get3A_3 = arith.constant 0 : index
    %get3A_4 = vector.load %arg1[%get3A_2, %get3A_3] : memref<1x10000xi32, #tpu.memory_space<vmem>>, vector<1x10000xi32>
    %iota3A = tpu.iota {dimensions = array<i32: 0>} : vector<64x10000xi32>
    %eq3A = vector.broadcast %get3A_4 : vector<1x10000xi32> to vector<64x10000xi32>
    %eq3A_5 = arith.cmpi eq, %iota3A, %eq3A : vector<64x10000xi32>
    %convert_element_type3A = arith.extui %eq3A_5 : vector<64x10000xi1> to vector<64x10000xi32>
    %convert_element_type3A_6 = arith.sitofp %convert_element_type3A : vector<64x10000xi32> to vector<64x10000xf32>
    %dot_general3A = arith.constant dense<0.000000e+00> : vector<64x64xf32>
    %dot_general3A_7 = tpu.matmul %convert_element_type3A_6, %slice3A, %dot_general3A {dimension_numbers = #tpu.dot_dimension_numbers<[1], [0], [0], [1], [0, 0, 1, 1], [], []>, transpose_lhs_hint = false} : vector<64x10000xf32>, vector<10000x64xf32>, vector<64x64xf32> -> vector<64x64xf32>
    %get3A_8 = arith.constant 0 : index
    %get3A_9 = arith.constant 0 : index
    %get3A_10 = vector.load %arg4[%get3A_8, %get3A_9] : memref<64x10xf32, #tpu.memory_space<vmem>>, vector<64x10xf32>
    %get3A_11 = arith.constant 0 : index
    %get3A_12 = arith.constant 0 : index
    %get3A_13 = vector.load %arg2[%get3A_11, %get3A_12] : memref<64x10xf32, #tpu.memory_space<vmem>>, vector<64x10xf32>
    %dot_general3A_14 = arith.constant dense<0.000000e+00> : vector<64x10xf32>
    %dot_general3A_15 = tpu.matmul %dot_general3A_7, %get3A_13, %dot_general3A_14 {dimension_numbers = #tpu.dot_dimension_numbers<[1], [0], [0], [1], [0, 0, 1, 1], [], []>, transpose_lhs_hint = false} : vector<64x64xf32>, vector<64x10xf32>, vector<64x10xf32> -> vector<64x10xf32>
    %add3A = arith.addf %get3A_10, %dot_general3A_15 : vector<64x10xf32>
    %get3A_16 = arith.constant 0 : index
    %get3A_17 = arith.constant 0 : index
    %get3A_18 = vector.load %arg3[%get3A_16, %get3A_17] : memref<1x10xf32, #tpu.memory_space<vmem>>, vector<1x10xf32>
    %add3A_19 = vector.broadcast %get3A_18 : vector<1x10xf32> to vector<64x10xf32>
    %add3A_20 = arith.addf %add3A, %add3A_19 : vector<64x10xf32>
    %swap3A = arith.constant 0 : index
    %swap3A_21 = arith.constant 0 : index
    %swap3A_22 = vector.load %arg5[%swap3A, %swap3A_21] : memref<64x10xf32, #tpu.memory_space<vmem>>, vector<64x10xf32>
    tpu.vector_store %arg5[%swap3A, %swap3A_21], %add3A_20 {strides = array<i32>} : memref<64x10xf32, #tpu.memory_space<vmem>>, vector<64x10xf32>,
    return
  }
}

module attributes {stable_mosaic.version = 14 : i64} {
  func.func @_last_body(%arg0: memref<20000x128xf32, #tpu.memory_space<vmem>>, %arg1: memref<1x10000xi32, #tpu.memory_space<vmem>>, %arg2: memref<64x64xf32, #tpu.memory_space<vmem>>, %arg3: memref<1x64xf32, #tpu.memory_space<vmem>>, %arg4: memref<1x64xf32, #tpu.memory_space<vmem>>, %arg5: memref<1x64xf32, #tpu.memory_space<vmem>>, %arg6: memref<64x64xf32, #tpu.memory_space<vmem>>, %arg7: memref<1x64xf32, #tpu.memory_space<vmem>>, %arg8: memref<1x64xf32, #tpu.memory_space<vmem>>, %arg9: memref<1x64xf32, #tpu.memory_space<vmem>>, %arg10: memref<64x10xf32, #tpu.memory_space<vmem>>, %arg11: memref<1x10xf32, #tpu.memory_space<vmem>>, %arg12: memref<64x10xf32, #tpu.memory_space<vmem>>, %arg13: memref<64x10xf32, #tpu.memory_space<vmem>>) attributes {dimension_semantics = [], scalar_prefetch = 0 : i64, scratch_operands = 0 : i64, tpu.core_type = #tpu.core_type<tc>} {
    %get3A = arith.constant 0 : index
    %get3A_0 = arith.constant 0 : index
    %get3A_1 = vector.load %arg0[%get3A, %get3A_0] : memref<20000x128xf32, #tpu.memory_space<vmem>>, vector<20000x128xf32>
    %slice3A = vector.extract_strided_slice %get3A_1 {offsets = [0, 0], sizes = [20000, 64], strides = [1, 1]} : vector<20000x128xf32> to vector<20000x64xf32>
    %slice3A_2 = vector.extract_strided_slice %slice3A {offsets = [0, 0], sizes = [10000, 64], strides = [1, 1]} : vector<20000x64xf32> to vector<10000x64xf32>
    %slice3A_3 = vector.extract_strided_slice %slice3A {offsets = [10000, 0], sizes = [10000, 64], strides = [1, 1]} : vector<20000x64xf32> to vector<10000x64xf32>
    %add3A = arith.addf %slice3A_2, %slice3A_3 : vector<10000x64xf32>
    %get3A_4 = arith.constant 0 : index
    %get3A_5 = arith.constant 0 : index
    %get3A_6 = vector.load %arg2[%get3A_4, %get3A_5] : memref<64x64xf32, #tpu.memory_space<vmem>>, vector<64x64xf32>
    %get3A_7 = arith.constant 0 : index
    %get3A_8 = arith.constant 0 : index
    %get3A_9 = vector.load %arg3[%get3A_7, %get3A_8] : memref<1x64xf32, #tpu.memory_space<vmem>>, vector<1x64xf32>
    %get3A_10 = arith.constant 0 : index
    %get3A_11 = arith.constant 0 : index
    %get3A_12 = vector.load %arg4[%get3A_10, %get3A_11] : memref<1x64xf32, #tpu.memory_space<vmem>>, vector<1x64xf32>
    %get3A_13 = arith.constant 0 : index
    %get3A_14 = arith.constant 0 : index
    %get3A_15 = vector.load %arg5[%get3A_13, %get3A_14] : memref<1x64xf32, #tpu.memory_space<vmem>>, vector<1x64xf32>
    %get3A_16 = arith.constant 0 : index
    %get3A_17 = arith.constant 0 : index
    %get3A_18 = vector.load %arg6[%get3A_16, %get3A_17] : memref<64x64xf32, #tpu.memory_space<vmem>>, vector<64x64xf32>
    %get3A_19 = arith.constant 0 : index
    %get3A_20 = arith.constant 0 : index
    %get3A_21 = vector.load %arg7[%get3A_19, %get3A_20] : memref<1x64xf32, #tpu.memory_space<vmem>>, vector<1x64xf32>
    %get3A_22 = arith.constant 0 : index
    %get3A_23 = arith.constant 0 : index
    %get3A_24 = vector.load %arg8[%get3A_22, %get3A_23] : memref<1x64xf32, #tpu.memory_space<vmem>>, vector<1x64xf32>
    %get3A_25 = arith.constant 0 : index
    %get3A_26 = arith.constant 0 : index
    %get3A_27 = vector.load %arg9[%get3A_25, %get3A_26] : memref<1x64xf32, #tpu.memory_space<vmem>>, vector<1x64xf32>
    %dot_general3A = arith.constant dense<0.000000e+00> : vector<10000x64xf32>
    %dot_general3A_28 = tpu.matmul %add3A, %get3A_6, %dot_general3A {dimension_numbers = #tpu.dot_dimension_numbers<[1], [0], [0], [1], [0, 0, 1, 1], [], []>, transpose_lhs_hint = false} : vector<10000x64xf32>, vector<64x64xf32>, vector<10000x64xf32> -> vector<10000x64xf32>
    %add3A_29 = vector.broadcast %get3A_9 : vector<1x64xf32> to vector<10000x64xf32>
    %add3A_30 = arith.addf %dot_general3A_28, %add3A_29 : vector<10000x64xf32>
    %reduce_sum3A = arith.constant dense<0.000000e+00> : vector<64xf32>
    %reduce_sum3A_31 = vector.multi_reduction <add>, %add3A_30, %reduce_sum3A [0] : vector<10000x64xf32> to vector<64xf32>
    %div3A = arith.constant 1.000000e+04 : f32
    %div3A_32 = vector.broadcast %div3A : f32 to vector<64xf32>
    %div3A_33 = arith.divf %reduce_sum3A_31, %div3A_32 : vector<64xf32>
    %jit3A = arith.constant 0 : i32
    %reduce_sum3A_34 = arith.constant dense<0.000000e+00> : vector<64xf32>
    %reduce_sum3A_35 = vector.multi_reduction <add>, %add3A_30, %reduce_sum3A_34 [0] : vector<10000x64xf32> to vector<64xf32>
    %broadcast_in_dim3A = vector.shape_cast %reduce_sum3A_35 : vector<64xf32> to vector<1x64xf32>
    %div3A_36 = arith.constant 1.000000e+04 : f32
    %div3A_37 = vector.broadcast %div3A_36 : f32 to vector<1x64xf32>
    %div3A_38 = arith.divf %broadcast_in_dim3A, %div3A_37 : vector<1x64xf32>
    %sub3A = vector.broadcast %div3A_38 : vector<1x64xf32> to vector<10000x64xf32>
    %sub3A_39 = arith.subf %add3A_30, %sub3A : vector<10000x64xf32>
    %square3A = arith.mulf %sub3A_39, %sub3A_39 : vector<10000x64xf32>
    %convert_element_type3A = arith.sitofp %jit3A : i32 to f32
    %sub3A_40 = arith.constant 1.000000e+04 : f32
    %sub3A_41 = arith.subf %sub3A_40, %convert_element_type3A : f32
    %reduce_sum3A_42 = arith.constant dense<0.000000e+00> : vector<64xf32>
    %reduce_sum3A_43 = vector.multi_reduction <add>, %square3A, %reduce_sum3A_42 [0] : vector<10000x64xf32> to vector<64xf32>
    %div3A_44 = vector.broadcast %sub3A_41 : f32 to vector<64xf32>
    %div3A_45 = arith.divf %reduce_sum3A_43, %div3A_44 : vector<64xf32>
    %gt3A = arith.constant 0.000000e+00 : f32
    %gt3A_46 = arith.cmpf ogt, %sub3A_41, %gt3A : f32
    %jit3A_47 = arith.constant 0x7FC00000 : f32
    %broadcast_in_dim3A_48 = vector.broadcast %jit3A_47 : f32 to vector<64xf32>
    %select_n3A = arith.select %gt3A_46, %div3A_45, %broadcast_in_dim3A_48 : vector<64xf32>
    %broadcast_in_dim3A_49 = vector.shape_cast %div3A_33 : vector<64xf32> to vector<1x64xf32>
    %sub3A_50 = vector.broadcast %broadcast_in_dim3A_49 : vector<1x64xf32> to vector<10000x64xf32>
    %sub3A_51 = arith.subf %add3A_30, %sub3A_50 : vector<10000x64xf32>
    %add3A_52 = arith.constant 9.99999974E-6 : f32
    %add3A_53 = vector.broadcast %add3A_52 : f32 to vector<64xf32>
    %add3A_54 = arith.addf %select_n3A, %add3A_53 : vector<64xf32>
    %sqrt3A = math.sqrt %add3A_54 : vector<64xf32>
    %broadcast_in_dim3A_55 = vector.shape_cast %sqrt3A : vector<64xf32> to vector<1x64xf32>
    %div3A_56 = vector.broadcast %broadcast_in_dim3A_55 : vector<1x64xf32> to vector<10000x64xf32>
    %div3A_57 = arith.divf %sub3A_51, %div3A_56 : vector<10000x64xf32>
    %mul3A = vector.broadcast %get3A_12 : vector<1x64xf32> to vector<10000x64xf32>
    %mul3A_58 = arith.mulf %div3A_57, %mul3A : vector<10000x64xf32>
    %add3A_59 = vector.broadcast %get3A_15 : vector<1x64xf32> to vector<10000x64xf32>
    %add3A_60 = arith.addf %mul3A_58, %add3A_59 : vector<10000x64xf32>
    %max3A = arith.constant 0.000000e+00 : f32
    %max3A_61 = vector.broadcast %max3A : f32 to vector<10000x64xf32>
    %max3A_62 = arith.maximumf %add3A_60, %max3A_61 : vector<10000x64xf32>
    %dot_general3A_63 = arith.constant dense<0.000000e+00> : vector<10000x64xf32>
    %dot_general3A_64 = tpu.matmul %max3A_62, %get3A_18, %dot_general3A_63 {dimension_numbers = #tpu.dot_dimension_numbers<[1], [0], [0], [1], [0, 0, 1, 1], [], []>, transpose_lhs_hint = false} : vector<10000x64xf32>, vector<64x64xf32>, vector<10000x64xf32> -> vector<10000x64xf32>
    %add3A_65 = vector.broadcast %get3A_21 : vector<1x64xf32> to vector<10000x64xf32>
    %add3A_66 = arith.addf %dot_general3A_64, %add3A_65 : vector<10000x64xf32>
    %reduce_sum3A_67 = arith.constant dense<0.000000e+00> : vector<64xf32>
    %reduce_sum3A_68 = vector.multi_reduction <add>, %add3A_66, %reduce_sum3A_67 [0] : vector<10000x64xf32> to vector<64xf32>
    %div3A_69 = arith.constant 1.000000e+04 : f32
    %div3A_70 = vector.broadcast %div3A_69 : f32 to vector<64xf32>
    %div3A_71 = arith.divf %reduce_sum3A_68, %div3A_70 : vector<64xf32>
    %jit3A_72 = arith.constant 0 : i32
    %reduce_sum3A_73 = arith.constant dense<0.000000e+00> : vector<64xf32>
    %reduce_sum3A_74 = vector.multi_reduction <add>, %add3A_66, %reduce_sum3A_73 [0] : vector<10000x64xf32> to vector<64xf32>
    %broadcast_in_dim3A_75 = vector.shape_cast %reduce_sum3A_74 : vector<64xf32> to vector<1x64xf32>
    %div3A_76 = arith.constant 1.000000e+04 : f32
    %div3A_77 = vector.broadcast %div3A_76 : f32 to vector<1x64xf32>
    %div3A_78 = arith.divf %broadcast_in_dim3A_75, %div3A_77 : vector<1x64xf32>
    %sub3A_79 = vector.broadcast %div3A_78 : vector<1x64xf32> to vector<10000x64xf32>
    %sub3A_80 = arith.subf %add3A_66, %sub3A_79 : vector<10000x64xf32>
    %square3A_81 = arith.mulf %sub3A_80, %sub3A_80 : vector<10000x64xf32>
    %convert_element_type3A_82 = arith.sitofp %jit3A_72 : i32 to f32
    %sub3A_83 = arith.constant 1.000000e+04 : f32
    %sub3A_84 = arith.subf %sub3A_83, %convert_element_type3A_82 : f32
    %reduce_sum3A_85 = arith.constant dense<0.000000e+00> : vector<64xf32>
    %reduce_sum3A_86 = vector.multi_reduction <add>, %square3A_81, %reduce_sum3A_85 [0] : vector<10000x64xf32> to vector<64xf32>
    %div3A_87 = vector.broadcast %sub3A_84 : f32 to vector<64xf32>
    %div3A_88 = arith.divf %reduce_sum3A_86, %div3A_87 : vector<64xf32>
    %gt3A_89 = arith.constant 0.000000e+00 : f32
    %gt3A_90 = arith.cmpf ogt, %sub3A_84, %gt3A_89 : f32
    %jit3A_91 = arith.constant 0x7FC00000 : f32
    %broadcast_in_dim3A_92 = vector.broadcast %jit3A_91 : f32 to vector<64xf32>
    %select_n3A_93 = arith.select %gt3A_90, %div3A_88, %broadcast_in_dim3A_92 : vector<64xf32>
    %broadcast_in_dim3A_94 = vector.shape_cast %div3A_71 : vector<64xf32> to vector<1x64xf32>
    %sub3A_95 = vector.broadcast %broadcast_in_dim3A_94 : vector<1x64xf32> to vector<10000x64xf32>
    %sub3A_96 = arith.subf %add3A_66, %sub3A_95 : vector<10000x64xf32>
    %add3A_97 = arith.constant 9.99999974E-6 : f32
    %add3A_98 = vector.broadcast %add3A_97 : f32 to vector<64xf32>
    %add3A_99 = arith.addf %select_n3A_93, %add3A_98 : vector<64xf32>
    %sqrt3A_100 = math.sqrt %add3A_99 : vector<64xf32>
    %broadcast_in_dim3A_101 = vector.shape_cast %sqrt3A_100 : vector<64xf32> to vector<1x64xf32>
    %div3A_102 = vector.broadcast %broadcast_in_dim3A_101 : vector<1x64xf32> to vector<10000x64xf32>
    %div3A_103 = arith.divf %sub3A_96, %div3A_102 : vector<10000x64xf32>
    %mul3A_104 = vector.broadcast %get3A_24 : vector<1x64xf32> to vector<10000x64xf32>
    %mul3A_105 = arith.mulf %div3A_103, %mul3A_104 : vector<10000x64xf32>
    %add3A_106 = vector.broadcast %get3A_27 : vector<1x64xf32> to vector<10000x64xf32>
    %add3A_107 = arith.addf %mul3A_105, %add3A_106 : vector<10000x64xf32>
    %max3A_108 = arith.constant 0.000000e+00 : f32
    %max3A_109 = vector.broadcast %max3A_108 : f32 to vector<10000x64xf32>
    %max3A_110 = arith.maximumf %add3A_107, %max3A_109 : vector<10000x64xf32>
    %get3A_111 = arith.constant 0 : index
    %get3A_112 = arith.constant 0 : index
    %get3A_113 = vector.load %arg1[%get3A_111, %get3A_112] : memref<1x10000xi32, #tpu.memory_space<vmem>>, vector<1x10000xi32>
    %iota3A = tpu.iota {dimensions = array<i32: 0>} : vector<64x10000xi32>
    %eq3A = vector.broadcast %get3A_113 : vector<1x10000xi32> to vector<64x10000xi32>
    %eq3A_114 = arith.cmpi eq, %iota3A, %eq3A : vector<64x10000xi32>
    %convert_element_type3A_115 = arith.extui %eq3A_114 : vector<64x10000xi1> to vector<64x10000xi32>
    %convert_element_type3A_116 = arith.sitofp %convert_element_type3A_115 : vector<64x10000xi32> to vector<64x10000xf32>
    %dot_general3A_117 = arith.constant dense<0.000000e+00> : vector<64x64xf32>
    %dot_general3A_118 = tpu.matmul %convert_element_type3A_116, %max3A_110, %dot_general3A_117 {dimension_numbers = #tpu.dot_dimension_numbers<[1], [0], [0], [1], [0, 0, 1, 1], [], []>, transpose_lhs_hint = false} : vector<64x10000xf32>, vector<10000x64xf32>, vector<64x64xf32> -> vector<64x64xf32>
    %get3A_119 = arith.constant 0 : index
    %get3A_120 = arith.constant 0 : index
    %get3A_121 = vector.load %arg12[%get3A_119, %get3A_120] : memref<64x10xf32, #tpu.memory_space<vmem>>, vector<64x10xf32>
    %get3A_122 = arith.constant 0 : index
    %get3A_123 = arith.constant 0 : index
    %get3A_124 = vector.load %arg10[%get3A_122, %get3A_123] : memref<64x10xf32, #tpu.memory_space<vmem>>, vector<64x10xf32>
    %dot_general3A_125 = arith.constant dense<0.000000e+00> : vector<64x10xf32>
    %dot_general3A_126 = tpu.matmul %dot_general3A_118, %get3A_124, %dot_general3A_125 {dimension_numbers = #tpu.dot_dimension_numbers<[1], [0], [0], [1], [0, 0, 1, 1], [], []>, transpose_lhs_hint = false} : vector<64x64xf32>, vector<64x10xf32>, vector<64x10xf32> -> vector<64x10xf32>
    %add3A_127 = arith.addf %get3A_121, %dot_general3A_126 : vector<64x10xf32>
    %get3A_128 = arith.constant 0 : index
    %get3A_129 = arith.constant 0 : index
    %get3A_130 = vector.load %arg11[%get3A_128, %get3A_129] : memref<1x10xf32, #tpu.memory_space<vmem>>, vector<1x10xf32>
    %add3A_131 = vector.broadcast %get3A_130 : vector<1x10xf32> to vector<64x10xf32>
    %add3A_132 = arith.addf %add3A_127, %add3A_131 : vector<64x10xf32>
    %swap3A = arith.constant 0 : index
    %swap3A_133 = arith.constant 0 : index
    %swap3A_134 = vector.load %arg13[%swap3A, %swap3A_133] : memref<64x10xf32, #tpu.memory_space<vmem>>, vector<64x10xf32>
    tpu.vector_store %arg13[%swap3A, %swap3A_133], %add3A_132 {strides = array<i32>} : memref<64x10xf32, #tpu.memory_space<vmem>>, vector<64x10xf32>,
    return
  }
}

</mosaic_0001>

<sc_bundles>
// kernel: kernel.10.cloned.1.call-start
scs
__scs_entry_jumppad:
0x0: {  	(pc) =	sbr.rel $0x88, $3  }
0x1: {  	(tag) =	ssettag $0x0;
	lr =	simm.s32 $0x1  }
0x2: {  	[smem:$0x3F80] =	sst lr;
	_ =	strace $0xD0000000  }
0x3: {  	_ = 	snop  }
0x4: {  	_ = 	snop  }
0x5: {  	_ = 	snop  }
0x6: {  	_ = 	snop  }
0x7: {  	_ = 	snop  }
__scs_overlays_trampoline_lowered:
0x8: {  	[smem:$0x3F8F] =	sst s0  }
0x9: {  	[smem:$0x3F90] =	sst s1  }
0xa: {  	[smem:$0x3F91] =	sst s2  }
0xb: {  	[smem:$0x3F92] =	sst s3  }
0xc: {  	[smem:$0x3F93] =	sst s4  }
0xd: {  	[smem:$0x3F94] =	sst s5  }
0xe: {  	[smem:$0x3F95] =	sst s6  }
0xf: {  	[smem:$0x3F96] =	sst s7  }
0x10: {  	[smem:$0x3F97] =	sst s8  }
0x11: {  	[smem:$0x3F98] =	sst s9;
	s0 =	simm.s32 @!p0 $0x0  }
0x12: {  	s1 =	sld [smem:$0x3F7E];
	s0 =	simm.s32 @p0 $0x1  }
0x13: {  	[smem:$0x3F99] =	sst s0;
	s0 =	simm.s32 @!p1 $0x0  }
0x14: {  	s2 =	sld [smem:$0x3F7D];
	s0 =	simm.s32 @p1 $0x1  }
0x15: {  	[smem:$0x3F9A] =	sst s0;
	s0 =	simm.s32 @!p2 $0x0  }
0x16: {  	s3 =	sld [smem:$0x3FDB];
	s0 =	simm.s32 @p2 $0x1  }
0x17: {  	s4 =	simm.s32 $0x1BF5;
	[smem:$0x3F9C] =	sst s0  }
0x18: {  	s0 =	sld [smem:$0x3F7F];
	_ =	swait.ge [sflag:s4], $0x0  }
0x19: {  	s7 =	sld [smem:$0x3F80]  }
0x1a: {  	s8 =	sadd.s32 $0xFFFFE003, lr  }
0x1b: {  	s9 =	sadd.s32 $0xFFFFFEF7, lr;
	s5 =	simm.s32 $0xFFFFFFFF;
	p2 =	slt.u32 s8, $0xFFFFF086  }
0x1c: {  	p1 =	slt.u32 s9, $0xF7A;
	s5 =	simm.s32 @!p2 $0x0  }
0x1d: {  	s5 =	simm.s32 @p1 $0x1;
	p0 =	seq.s32 s7, s2  }
0x1e: {  	s7 =	smul.u32 @!p0 $0xF7A, s2;
	p2 =	seq.s32 @!p0 s5, $0x0  }
0x1f: {  	s9 =	smul.u32 $0xF7A, s1;
	s8 =	simm.s32 @!p0 $0x1BF5;
	p2 =	por !p2, p0  }
0x20: {  	[sflag:s8] =	ssyncset.s32 @!p0 $0xFFFFF086;
	s6 =	sadd.s32 @!p0 s3, s7;
	s7 =	simm.s32 @!p0 $0x108  }
0x21: {  	s3 =	sadd.s32 s3, s9;
	s6 =	sadd.s32 @!p0 $0x88, s6;
	s7 =	simm.s32 @p2 $0x1082  }
0x22: {  	[simem:s7], [sflag:s8] =	dma.local @!p0 [hbm:s6], $0xF7A  }
0x23: {  	s9 =	sor.u32 $0xD0000000, s2;
	s6 =	simm.s32 $0x108;
	_ =	swait.ge @!p0 [sflag:s8], $0x0  }
0x24: {  	s3 =	sadd.s32 $0x88, s3;
	s6 =	simm.s32 @!p1 $0x1082;
	[sflag:s4] =	ssyncset.s32 $0xFFFFF086  }
0x25: {  	[simem:s6], [sflag:s4] =	dma.local [hbm:s3], $0xF7A  }
0x26: {  	[smem:$0x3F80] =	sst s1;
	(tag) =	ssettag s2;
	_ =	strace s9  }
0x27: {  	s1 =	sld [smem:$0x3F90]  }
0x28: {  	s2 =	sld [smem:$0x3F91]  }
0x29: {  	s4 =	sld [smem:$0x3F93]  }
0x2a: {  	p0 =	seq.s32 s5, $0x0;
	s5 =	sld [smem:$0x3F94]  }
0x2b: {  	s6 =	sld [smem:$0x3F95]  }
0x2c: {  	s7 =	sld [smem:$0x3F96]  }
0x2d: {  	s3 =	simm.s32 $0x108;
	s8 =	sld [smem:$0x3F97]  }
0x2e: {  	s3 =	simm.s32 @!p0 $0x1082;
	s9 =	sld [smem:$0x3F98]  }
0x2f: {  	lr =	sadd.s32 s0, s3;
	s0 =	sld [smem:$0x3F8F]  }
0x30: {  	s3 =	sld [smem:$0x3F92]  }
0x31: {  	[smem:$0x3F9B] =	sst s10  }
0x32: {  	s10 =	sld [smem:$0x3F99];
	_ =	sdelay $0x3  }
0x33: {  	p0 =	seq.s32 s10, $0x1;
	s10 =	sld [smem:$0x3F9B];
	_ =	sdelay $0x3  }
0x34: {  	[smem:$0x3F9B] =	sst s10  }
0x35: {  	s10 =	sld [smem:$0x3F9A];
	_ =	sdelay $0x3  }
0x36: {  	p1 =	seq.s32 s10, $0x1;
	s10 =	sld [smem:$0x3F9B];
	_ =	sdelay $0x3  }
0x37: {  	[smem:$0x3F9B] =	sst s10  }
0x38: {  	s10 =	sld [smem:$0x3F9C]  }
0x39: {  	_ = 	snop;
	(pc) =	sbr.ind lr, $3  }
0x3a: {  	_ = 	snop  }
0x3b: {  	_ = 	snop  }
0x3c: {  	p2 =	seq.s32 s10, $0x1;
	s10 =	sld [smem:$0x3F9B]  }
0x3d: {  	_ =	shalt  }
0x3e: {  	_ =	shalt  }
0x3f: {  	_ =	shalt  }
0x40: {  	_ =	shalt  }
0x41: {  	_ =	shalt  }
0x42: {  	_ =	shalt  }
0x43: {  	_ =	shalt  }
0x44: {  	_ =	shalt  }
0x45: {  	_ =	shalt  }
0x46: {  	_ =	shalt  }
0x47: {  	_ =	shalt  }
0x48: {  	_ =	shalt  }
0x49: {  	_ =	shalt  }
0x4a: {  	_ =	shalt  }
0x4b: {  	_ =	shalt  }
0x4c: {  	_ =	shalt  }
0x4d: {  	_ =	shalt  }
0x4e: {  	_ =	shalt  }
0x4f: {  	_ =	shalt  }
0x50: {  	_ =	shalt  }
0x51: {  	_ =	shalt  }
0x52: {  	_ =	shalt  }
0x53: {  	_ =	shalt  }
0x54: {  	_ =	shalt  }
0x55: {  	_ =	shalt  }
0x56: {  	_ =	shalt  }
0x57: {  	_ =	shalt  }
0x58: {  	_ =	shalt  }
0x59: {  	_ =	shalt  }
0x5a: {  	_ =	shalt  }
0x5b: {  	_ =	shalt  }
0x5c: {  	_ =	shalt  }
0x5d: {  	_ =	shalt  }
0x5e: {  	_ =	shalt  }
0x5f: {  	_ =	shalt  }
0x60: {  	_ =	shalt  }
0x61: {  	_ =	shalt  }
0x62: {  	_ =	shalt  }
0x63: {  	_ =	shalt  }
0x64: {  	_ =	shalt  }
0x65: {  	_ =	shalt  }
0x66: {  	_ =	shalt  }
0x67: {  	_ =	shalt  }
0x68: {  	_ =	shalt  }
0x69: {  	_ =	shalt  }
0x6a: {  	_ =	shalt  }
0x6b: {  	_ =	shalt  }
0x6c: {  	_ =	shalt  }
0x6d: {  	_ =	shalt  }
0x6e: {  	_ =	shalt  }
0x6f: {  	_ =	shalt  }
0x70: {  	_ =	shalt  }
0x71: {  	_ =	shalt  }
0x72: {  	_ =	shalt  }
0x73: {  	_ =	shalt  }
0x74: {  	_ =	shalt  }
0x75: {  	_ =	shalt  }
0x76: {  	_ =	shalt  }
0x77: {  	_ =	shalt  }
0x78: {  	_ =	shalt  }
0x79: {  	_ =	shalt  }
0x7a: {  	_ =	shalt  }
0x7b: {  	_ =	shalt  }
0x7c: {  	_ =	shalt  }
0x7d: {  	_ =	shalt  }
0x7e: {  	_ =	shalt  }
0x7f: {  	_ =	shalt  }
0x80: {  	_ =	shalt  }
0x81: {  	_ =	shalt  }
0x82: {  	_ =	shalt  }
0x83: {  	_ =	shalt  }
0x84: {  	_ =	shalt  }
0x85: {  	_ =	shalt  }
0x86: {  	_ =	shalt  }
0x87: {  	_ =	shalt  }
.Lfunc_end0:
.L_simem_size_0:
called_computation_lowered:
.L_overlay_start_0:
0x88: {  	s2 =	sld [smem:$0x3FD9]  }
0x89: {  	s3 =	sld [smem:$0x3FFE];
	_ =	sdelay $0x1  }
0x8a: {  	s1 =	srdreg.scid  }
0x8b: {  	s0 =	sand.u32 $0x1, s1  }
0x8c: {  	s16 =	sshll.u32 s0, $0xA;
	s2 =	sadd.s32 s3, s2  }
0x8d: {  	s2 =	sadd.s32 s2, s16  }
0x8e: {  	[smem:$0x3FA7] =	sst s2  }
0x8f: {  	_ = 	snop  }
0x90: {  	(tm) =	ssettm $0x1  }
0x91: {  	s17 =	sld [smem:$0x3FFB];
	_ =	sdelay $0x3  }
0x92: {  	_ =	strace s17  }
0x93: {  	s2 =	sld [smem:$0x3FFC];
	_ =	sdelay $0x3  }
0x94: {  	_ =	strace s2  }
0x95: {  	s2 =	sld [smem:$0x3FFD];
	_ =	sdelay $0x3  }
0x96: {  	_ =	strace s2  }
0x97: {  	_ =	strace $0x8FFFFFFF  }
0x98: {  	s18 =	sld [smem:$0x3FDB];
	_ =	sdelay $0x1  }
0x99: {  	s19 =	simm.s32 $_scs_section_size  }
0x9a: {  	s4 =	simm.s32 $_size__tile_overlayer_lowered;
	s5 =	simm.s32 $_tile_overlayer_lowered  }
0x9b: {  	s22 =	simm.s32 $0x1BFF;
	s21 =	sshll.u32 s5, $0x1;
	s2 =	sadd.s32 s19, s18  }
0x9c: {  	s6 =	simm.s32 $0x0;
	s20 =	sshll.u32 s4, $0x1;
	s4 =	sadd.s32 s21, s2  }
0x9d: {  	[timem:s6], [sflag:s22] =	dma.local [hbm:s4], s20  }
0x9e: {  	_ =	swait.ge [sflag:s22], s20  }
0x9f: {  	s3 =	ssub.s32 $0x0, s20;
	[sflag:s22] =	ssyncset.done $0x0  }
0xa0: {  	[sflag:s22] =	ssyncadd.s32 s3;
	_ =	sdelay $0x1  }
0xa1: {  	s23 =	simm.s32 $0x1B8B  }
0xa2: {  	_ =	swait.ge [sflag:s23], $0x1  }
0xa3: {  	[sflag:s23] =	ssyncset.done $0x0  }
0xa4: {  	s25 =	simm.s32 $0x1B8E;
	s24 =	sld [smem:$0x3FFE];
	[sflag:s23] =	ssyncadd.s32 $0xFFFFFFFF  }
0xa5: {  	s26 =	simm.s32 $execute0_lowered;
	[smem:$0x3FD2] =	sst s25  }
0xa6: {  	s4 =	sshll.u32 s26, $0x1;
	_ =	strace $0x80000046;
	[dreg:$0x1] =	wrdreg $0xFFFFFFFF  }
0xa7: {  	s28 =	simm.s32 $_size_execute0_lowered;
	s2 =	sadd.s32 s2, s4;
	[dreg:$0x0] =	wrdreg $0x0  }
0xa8: {  	s4 =	sshll.u32 s28, $0x1;
	[dreg:$0x2] =	wrdreg s2  }
0xa9: {  	[dreg:$0x3] =	wrdreg s4  }
0xaa: {  	[dreg:$0x4] =	wrdreg $0xC0  }
0xab: {  	_ =	task [dreg:s6], $0x5FFFF  }
0xac: {  	[dreg:$0x1] =	wrdreg $0xFFFFFFFF  }
0xad: {  	[dreg:$0x0] =	wrdreg $0x60  }
0xae: {  	[dreg:$0x2] =	wrdreg s24  }
0xaf: {  	[dreg:$0x3] =	wrdreg $0xC7000  }
0xb0: {  	[dreg:$0x4] =	wrdreg $0x9  }
0xb1: {  	_ =	task.clear_ibuf [dreg:s6], $0x5FFFF;
	_ =	strace $0x90000046  }
0xb2: {  	s29 =	simm.s32 $0x9;
	_ =	strace $0x80000048  }
0xb3: {  	_ =	swait.ge [sflag:s29], $0x1  }
0xb4: {  	[sflag:s29] =	ssyncadd.s32 $0xFFFFFFFF  }
0xb5: {  	_ =	strace $0x90000048  }
0xb6: {  	_ =	sfence  }
0xb7: {  	s30 =	sld [smem:$0x0];
	_ =	sdelay $0x2  }
0xb8: {  	s31 =	sshll.u32 s1, $0xD;
	s1 =	sshrl.u32 s1, $0x2  }
0xb9: {  	s3 =	sand.u32 $0x4000, s31;
	s1 =	sadd.s32 s1, s30  }
0xba: {  	s0 =	sor.u32 s3, s0;
	s1 =	sshll.u32 s1, $0x11  }
0xbb: {  	s0 =	sor.u32 s1, s0  }
0xbc: {  	s0 =	sadd.s32 $0x8F2B, s0  }
0xbd: {  	[sflag:s0] =	ssyncadd.remote.s32 $0x1  }
0xbe: {  	_ =	sfence.sel $0xFFFF  }
0xbf: {  	[dreg:$0x0] =	wrdreg $0xFFFFFFFF;
	(pc) =	sbr.abs _section_cstart, $3  }
0xc0: {  	[dreg:$0x1] =	wrdreg $0xFFFFFFFF  }
0xc1: {  	_ =	task.clear_ibuf [dreg:s6], $0x2FFFF;
	_ =	strace $0x9FFFFFFF  }
0xc2: {  	(tm) =	ssettm $0x7FFFFFFF  }
0xc3: {  	_ =	shalt  }
tec
execute0_lowered:
.L_overlay_start_1:
0x0: {  	(tag) =	ssettag $0x1  }
0x1: {  	s0 =	rddreg [dreg:$0x0]  }
0x2: {  	s2 =	rddreg [dreg:$0x1]  }
0x3: {  	s1 =	srdreg.scid;
	s11 =	stileid.u32  }
0x4: {  	s3 =	simm.s32 $0x0;
	s30 =	simm.s32 $0x17;
	s28 =	simm.s32 $0x18  }
0x5: {  	s29 =	simm.s32 $0xE;
	s31 =	simm.s32 $0xF;
	s18 =	smul.u32 $0x4E000, s11  }
0x6: {  	s1 =	sand.u32 $0x1, s1;
	s4 =	sshll.u32 s11, $0x1;
	s21 =	smul.u32 $0x2700, s11  }
0x7: {  	[smem:$0x7FF] =	sst s3;
	s12 =	sadd.s32 $0x5E00, s0;
	s25 =	smul.u32 $0x4E20, s11  }
0x8: {  	s26 =	sadd.s32 $0x138000, s2;
	p1 =	sne.s32 s11, $0xF;
	p2 =	seq.s32 s11, $0xF  }
0x9: {  	s5 =	sor.u32 s1, s4;
	_ =	strace $0x80000047;
	s23 =	smul.u32 $0x27100, s1  }
0xa: {  	s4 =	sadd.s32 $0x40A00, s0;
	s7 =	ssub.s32 $0x2, s1;
	s24 =	smul.u32 $0x138800, s1  }
0xb: {  	p0 =	seq.s32 s1, $0x1;
	[dreg:$0xc] =	wrdreg s26;
	s1 =	smul.u32 $0x2710, s1  }
0xc: {  	[dreg:$0x3] =	wrdreg s12;
	s6 =	smul.u32 $0x2710, s5;
	s5 =	sadd.s32 $0x2D000, s0  }
0xd: {  	s0 =	sadd.s32 $0x67C00, s0;
	s8 =	sshrl.u32 s7, $0x1;
	s14 =	sadd.s32 s4, s21  }
0xe: {  	s12 =	sadd.s32 s12, s21;
	s7 =	ssub.s32 s7, s8;
	[dreg:$0xb] =	wrdreg s14  }
0xf: {  	[dreg:$0xd] =	wrdreg s12;
	s8 =	sadd.s32 s21, s23;
	s15 =	sshrl.u32 s24, $0x3  }
0x10: {  	s1 =	sadd.s32 s1, s25;
	s12 =	simm.s32 $0x2;
	s8 =	sadd.s32 s0, s8  }
0x11: {  	s14 =	simm.s32 $0x3;
	s7 =	smax.u32 s7, $0x1;
	[dreg:$0xe] =	wrdreg s8  }
0x12: {  	s0 =	sadd.s32 s0, s15;
	s17 =	sadd.s32 $0xC0, s1;
	[dreg:$0x10] =	wrdreg s7  }
0x13: {  	s6 =	sshrl.u32 s6, $0x3;
	s0 =	sadd.s32 $0x27000, s0;
	[dreg:$0x11] =	wrdreg s17  }
0x14: {  	s16 =	sadd.s32 $0x4E340, s1;
	s13 =	sadd.s32 s5, s6;
	[dreg:$0xf] =	wrdreg s0  }
0x15: {  	s15 =	simm.s32 $0x1A;
	s19 =	sadd.s32 $0x9C40, s13;
	[dreg:$0x4] =	wrdreg s13  }
0x16: {  	s6 =	sshrl.u32 s18, $0x2;
	s20 =	sadd.s32 $0x8, s13;
	[dreg:$0x5] =	wrdreg s19  }
0x17: {  	s18 =	sadd.s32 $0x4E300, s1;
	s9 =	sadd.s32 $0x9C48, s13;
	[dreg:$0x6] =	wrdreg s20  }
0x18: {  	s8 =	simm.s32 $0x700;
	s22 =	sadd.s32 $0x10, s13;
	[dreg:$0x7] =	wrdreg s9  }
0x19: {  	s17 =	simm.s32 $0x280;
	s10 =	sadd.s32 $0x9C50, s13;
	[dreg:$0x8] =	wrdreg s22  }
0x1a: {  	s7 =	simm.s32 $0xD;
	s6 =	sadd.s32 s6, s2;
	[dreg:$0x9] =	wrdreg s10  }
0x1b: {  	s0 =	sshrl.u32 s16, $0x3;
	s26 =	sadd.s32 $0xA120, s13;
	[dreg:$0xa] =	wrdreg s6  }
0x1c: {  	s6 =	sadd.s32 $0x140, s1;
	s21 =	sadd.s32 s0, s5;
	s19 =	sadd.s32 $0x100, s1  }
0x1d: {  	s1 =	sadd.s32 $0x4E2C0, s1;
	s0 =	sshrl.u32 s18, $0x3;
	s20 =	sadd.s32 $0x4E0, s13  }
.Ltmp0:
0x1e: {  	[dreg:$0x13] =	wrdreg s26;
	s10 =	simm.s32 $0x200;
	(pc) =	sbr.rel .LBB2_1-.Ltmp0, $4  }
0x1f: {  	s13 =	simm.s32 $0x1;
	s9 =	simm.s32 $0x0;
	s6 =	sshrl.u32 s6, $0x3  }
0x20: {  	s1 =	sshrl.u32 s1, $0x3;
	s23 =	sadd.s32 s0, s5;
	[dreg:$0x12] =	wrdreg s20  }
0x21: {  	s20 =	simm.s32 $0x16;
	s22 =	sadd.s32 s6, s5;
	s6 =	sshrl.u32 s19, $0x3  }
0x22: {  	s25 =	sadd.s32 s1, s5;
	s24 =	sadd.s32 s6, s5;
	s6 =	simm.s32 $0x40  }
.LBB2_9:
0x23: {  	s1 =	simm.s32 $0x10  }
0x24: {  	_ =	swait.ge [sflag:s1], $0x40  }
0x25: {  	[sflag:s1] =	ssyncset.done $0x0  }
0x26: {  	s0 =	simm.s32 $0x4;
	[sflag:s1] =	ssyncadd.s32 $0xFFFFFFC0  }
0x27: {  	_ =	swait.ge [sflag:s0], $0x2000  }
0x28: {  	[sflag:s0] =	ssyncset.done $0x0  }
0x29: {  	s26 =	simm.s32 $0x480;
	s8 =	simm.s32 $0x6700;
	[sflag:s0] =	ssyncadd.s32 $0xFFFFE000  }
0x2a: {  	[spmem:s2] =	stream.indirect.scatter.add.f32 [tilespmem:s8], [sflag:$0xA], $0x80, s26, s6, $0xb8;
	[tilespmem:$0x1FF80] =	vst v63  }
0x2b: {  	s8 =	simm.s32 $0x11  }
0x2c: {  	_ =	swait.ge [sflag:s8], $0x40  }
0x2d: {  	[sflag:s8] =	ssyncset.done $0x0  }
0x2e: {  	s9 =	simm.s32 $0x5;
	[sflag:s8] =	ssyncadd.s32 $0xFFFFFFC0  }
0x2f: {  	_ =	swait.ge [sflag:s9], $0x2000  }
0x30: {  	s11 =	simm.s32 $0x500;
	[sflag:s9] =	ssyncset.done $0x0  }
0x31: {  	s15 =	simm.s32 $0x8700;
	s16 =	simm.s32 $0x12;
	[sflag:s9] =	ssyncadd.s32 $0xFFFFE000  }
0x32: {  	[spmem:s2] =	stream.indirect.scatter.add.f32 [tilespmem:s15], [sflag:$0xB], $0x80, s11, s6, $0xb8;
	[tilespmem:$0x1FF80] =	vst v63  }
0x33: {  	_ =	swait.ge [sflag:s16], $0x40  }
0x34: {  	[sflag:s16] =	ssyncset.done $0x0  }
0x35: {  	s18 =	simm.s32 $0x6;
	[sflag:s16] =	ssyncadd.s32 $0xFFFFFFC0  }
0x36: {  	_ =	swait.ge [sflag:s18], $0x2000  }
0x37: {  	s19 =	simm.s32 $0x580;
	[sflag:s18] =	ssyncset.done $0x0  }
0x38: {  	s26 =	simm.s32 $0xA700;
	s9 =	simm.s32 $0x7;
	[sflag:s18] =	ssyncadd.s32 $0xFFFFE000  }
0x39: {  	[spmem:s2] =	stream.indirect.scatter.add.f32 [tilespmem:s26], [sflag:$0xC], $0x80, s19, s6, $0xb8;
	[tilespmem:$0x1FF80] =	vst v63  }
0x3a: {  	_ =	swait.ge [sflag:s9], $0x2000  }
0x3b: {  	[sflag:s9] =	ssyncset.done $0x0  }
0x3c: {  	s11 =	simm.s32 $0x8;
	[sflag:s9] =	ssyncadd.s32 $0xFFFFE000  }
0x3d: {  	_ =	swait.ge [sflag:s11], $0x2000  }
0x3e: {  	[sflag:s11] =	ssyncset.done $0x0  }
0x3f: {  	s15 =	simm.s32 $0x9;
	[sflag:s11] =	ssyncadd.s32 $0xFFFFE000  }
0x40: {  	_ =	swait.ge [sflag:s15], $0x2000  }
0x41: {  	[sflag:s15] =	ssyncset.done $0x0  }
0x42: {  	s16 =	simm.s32 $0xA;
	[sflag:s15] =	ssyncadd.s32 $0xFFFFE000  }
0x43: {  	_ =	swait.ge [sflag:s16], $0x2000  }
0x44: {  	[sflag:s16] =	ssyncset.done $0x0  }
0x45: {  	s18 =	simm.s32 $0xB;
	[sflag:s16] =	ssyncadd.s32 $0xFFFFE000  }
0x46: {  	_ =	swait.ge [sflag:s18], $0x2000  }
0x47: {  	[sflag:s18] =	ssyncset.done $0x0  }
0x48: {  	s19 =	simm.s32 $0xC;
	[sflag:s18] =	ssyncadd.s32 $0xFFFFE000  }
0x49: {  	_ =	swait.ge [sflag:s19], $0x2000  }
0x4a: {  	s9 =	simm.s32 $0x600;
	[sflag:s19] =	ssyncset.done $0x0  }
0x4b: {  	s15 =	simm.s32 $0x1A;
	s26 =	rddreg [dreg:$0x12];
	[sflag:s19] =	ssyncadd.s32 $0xFFFFE000  }
0x4c: {  	[tilespmem:s9], [sflag:$0x1A] =	stream.linear.gather [hbm4b:s26+s3], $0x10, $0x38;
	[tilespmem:$0x1FF80] =	vst v63  }
0x4d: {  	_ =	swait.ge [sflag:s15], $0x10  }
0x4e: {  	[sflag:s15] =	ssyncset.done $0x0  }
0x4f: {  	s11 =	simm.s32 $0x680;
	s8 =	rddreg [dreg:$0x13];
	[sflag:s15] =	ssyncadd.s32 $0xFFFFFFF0  }
0x50: {  	[tilespmem:s11], [sflag:$0x1A] =	stream.linear.gather [hbm4b:s8+s3], $0x10, $0x38;
	[tilespmem:$0x1FF80] =	vst v63  }
0x51: {  	_ =	swait.ge [sflag:s15], $0x10  }
0x52: {  	[sflag:s15] =	ssyncset.done $0x0  }
0x53: {  	s8 =	simm.s32 $0x700;
	[sflag:s15] =	ssyncadd.s32 $0xFFFFFFF0  }
0x54: {  	[tilespmem:s8], [sflag:$0x19] =	stream.indirect.gather [hbm4b:s4+s1], $0x80, s9, s1, $0xb8;
	[tilespmem:$0x1FF80] =	vst v63  }
0x55: {  	s9 =	simm.s32 $0x19  }
0x56: {  	_ =	swait.ge [sflag:s9], $0x800  }
0x57: {  	[sflag:s9] =	ssyncset.done $0x0  }
0x58: {  	[sflag:s9] =	ssyncadd.s32 $0xFFFFF800  }
0x59: {  	[spmem:s2] =	stream.indirect.scatter.add.f32 [tilespmem:s8], [sflag:$0x1A], $0x80, s11, s1, $0xb8;
	[tilespmem:$0x1FF80] =	vst v63  }
0x5a: {  	_ =	swait.ge [sflag:s15], $0x800  }
0x5b: {  	[sflag:s15] =	ssyncset.done $0x0  }
0x5c: {  	[sflag:s15] =	ssyncadd.s32 $0xFFFFF800  }
0x5d: {  	[bflag:$0x0] =	sbarrier.arrive $0xFFFF  }
0x5e: {  	s11 =	rddreg [dreg:$0x15]  }
0x5f: {  	s16 =	rddreg [dreg:$0xe]  }
0x60: {  	s18 =	rddreg [dreg:$0x16];
	s0 =	sor.u32 $0x1C1A, s11  }
0x61: {  	[hbm:s16], [sflag:s0] =	dma.local [spmem:s18], $0x2700  }
0x62: {  	_ =	swait.ge [sflag:s15], $0x2700  }
0x63: {  	[sflag:s15] =	ssyncset.done $0x0;
	s1 =	rddreg [dreg:$0xc]  }
0x64: {  	s9 =	rddreg [dreg:$0xf];
	[sflag:s15] =	ssyncadd.s32 $0xFFFFD900;
	s1 =	sshrl.u32 @!p1 s1, $0x3  }
0x65: {  	[hbm:s9], [sflag:s0] =	dma.local @!p1 [spmem:s1], $0x100  }
0x66: {  	s0 =	simm.s32 @!p1 $0x1A  }
0x67: {  	_ =	swait.ge @!p1 [sflag:s0], $0x100  }
0x68: {  	s19 =	rddreg [dreg:$0x14]  }
0x69: {  	s26 =	rddreg [dreg:$0x10];
	s9 =	sadd.s32 $0x1, s19  }
0x6a: {  	p3 =	sne.s32 s9, s26  }
.Ltmp1:
0x6b: {  	_ = 	snop;
	(pc) =	sbr.rel @!p3 .LBB2_10-.Ltmp1, $3  }
0x6c: {  	_ =	sdelay $0x1  }
0x6d: {  	[sflag:s0] =	ssyncset.done @!p1 $0x0  }
0x6e: {  	[sflag:s0] =	ssyncadd.s32 @!p1 $0xFFFFFF00  }
.LBB2_1:
0x6f: {  	[dreg:$0x14] =	wrdreg s9  }
0x70: {  	s0 =	rddreg [dreg:$0x4]  }
0x71: {  	[tilespmem:s3], [sflag:$0x13] =	stream.linear.gather [hbm4b:s0+s3], $0x40, $0x38;
	[tilespmem:$0x1FF80] =	vst v63  }
0x72: {  	s26 =	rddreg [dreg:$0x5];
	s1 =	simm.s32 $0x300  }
0x73: {  	[tilespmem:s1], [sflag:$0xD] =	stream.linear.gather [hbm4b:s26+s3], $0x40, $0x38;
	[tilespmem:$0x1FF80] =	vst v63  }
0x74: {  	s9 =	rddreg [dreg:$0x6];
	s1 =	simm.s32 $0x80  }
0x75: {  	[tilespmem:s1], [sflag:$0x14] =	stream.linear.gather [hbm4b:s9+s3], $0x40, $0x38;
	[tilespmem:$0x1FF80] =	vst v63  }
0x76: {  	s11 =	rddreg [dreg:$0x7];
	s16 =	simm.s32 $0x380  }
0x77: {  	[tilespmem:s16], [sflag:$0xE] =	stream.linear.gather [hbm4b:s11+s3], $0x40, $0x38;
	[tilespmem:$0x1FF80] =	vst v63  }
0x78: {  	s18 =	rddreg [dreg:$0x8];
	s9 =	simm.s32 $0x100  }
0x79: {  	[tilespmem:s9], [sflag:$0x15] =	stream.linear.gather [hbm4b:s18+s3], $0x40, $0x38;
	[tilespmem:$0x1FF80] =	vst v63  }
0x7a: {  	s19 =	rddreg [dreg:$0x9];
	s26 =	simm.s32 $0x13;
	s11 =	simm.s32 $0x400  }
0x7b: {  	[tilespmem:s11], [sflag:$0xF] =	stream.linear.gather [hbm4b:s19+s3], $0x40, $0x38;
	[tilespmem:$0x1FF80] =	vst v63  }
0x7c: {  	_ =	swait.ge [sflag:s26], $0x40  }
0x7d: {  	[sflag:s26] =	ssyncset.done $0x0  }
0x7e: {  	[sflag:s26] =	ssyncadd.s32 $0xFFFFFFC0  }
0x7f: {  	[tilespmem:s8], [sflag:$0x1] =	stream.indirect.gather [hbm4b:s4+s6], $0x80, s3, s6, $0xb8;
	[tilespmem:$0x1FF80] =	vst v63  }
0x80: {  	s8 =	simm.s32 $0x14  }
0x81: {  	_ =	swait.ge [sflag:s8], $0x40  }
0x82: {  	[sflag:s8] =	ssyncset.done $0x0  }
0x83: {  	s16 =	simm.s32 $0x15;
	s11 =	simm.s32 $0x2700;
	[sflag:s8] =	ssyncadd.s32 $0xFFFFFFC0  }
0x84: {  	[tilespmem:s11], [sflag:$0x2] =	stream.indirect.gather [hbm4b:s4+s6], $0x80, s1, s6, $0xb8;
	[tilespmem:$0x1FF80] =	vst v63  }
.Ltmp2:
0x85: {  	s18 =	simm.s32 $0x4700;
	_ =	swait.ge [sflag:s16], $0x40;
	(pc) =	sbr.rel @!p0 .LBB2_2-.Ltmp2, $4  }
0x86: {  	s19 =	stileid.u32;
	[sflag:s16] =	ssyncset.done $0x0;
	s26 =	rddreg [dreg:$0xa]  }
0x87: {  	s1 =	sshll.u32 s19, $0x6;
	[sflag:s16] =	ssyncadd.s32 $0xFFFFFFC0;
	s11 =	sshrl.u32 s26, $0x3  }
0x88: {  	[tilespmem:s18], [sflag:$0x3] =	stream.indirect.gather [hbm4b:s4+s6], $0x80, s9, s6, $0xb8;
	[tilespmem:$0x1FF80] =	vst v63  }
0x89: {  	s8 =	simm.s32 $0x700;
	s9 =	sor.u32 $0x1C1A, s1;
	[dreg:$0x16] =	wrdreg s11  }
0x8a: {  	s9 =	sor.u32 $0x1C1A, s1;
	s0 =	rddreg [dreg:$0xd]  }
0x8b: {  	[spmem:s11], [sflag:s9] =	dma.local [hbm:s0], $0x2700  }
.Ltmp3:
0x8c: {  	_ = 	snop;
	(pc) =	sbr.rel @p1 .LBB2_5-.Ltmp3, $4  }
.Ltmp4:
0x8d: {  	_ = 	snop;
	(pc) =	sbr.rel @!p1 .LBB2_4-.Ltmp4, $4  }
0x8e: {  	_ =	swait.ge [sflag:s15], $0x2700  }
0x8f: {  	[sflag:s15] =	ssyncset.done $0x0  }
0x90: {  	s11 =	rddreg [dreg:$0x3];
	[sflag:s15] =	ssyncadd.s32 $0xFFFFD900  }
0x91: {  	_ = 	snop  }
.LBB2_2:
.Ltmp5:
0x92: {  	s0 =	rddreg [dreg:$0xb];
	(pc) =	sbr.rel @!p2 .LBB2_5-.Ltmp5, $4  }
0x93: {  	[spmem:s11], [sflag:s9] =	dma.local [hbm:s0], $0x2700  }
0x94: {  	_ =	swait.ge [sflag:s15], $0x2700  }
0x95: {  	[sflag:s15] =	ssyncset.done $0x0  }
0x96: {  	s11 =	smov.u32 s4;
	[sflag:s15] =	ssyncadd.s32 $0xFFFFD900  }
.LBB2_4:
0x97: {  	s0 =	rddreg [dreg:$0xc]  }
0x98: {  	s11 =	sadd.s32 $0x27000, s11;
	s18 =	sshrl.u32 s0, $0x3  }
0x99: {  	[spmem:s18], [sflag:s9] =	dma.local [hbm:s11], $0x100  }
0x9a: {  	_ =	swait.ge [sflag:s15], $0x100  }
0x9b: {  	[sflag:s15] =	ssyncset.done $0x0  }
0x9c: {  	[sflag:s15] =	ssyncadd.s32 $0xFFFFFF00  }
.LBB2_5:
.Ltmp6:
0x9d: {  	(pc) =	sbr.rel .LBB2_6-.Ltmp6, $4  }
0x9e: {  	_ = 	snop  }
0x9f: {  	[dreg:$0x15] =	wrdreg s1  }
0xa0: {  	[bflag:$0x0] =	sbarrier.arrive $0xFFFF  }
0xa1: {  	s9 =	simm.s32 $0x1;
	s11 =	simm.s32 $0x0;
	s18 =	rddreg [dreg:$0x11]  }
.LBB2_8:
0xa2: {  	s11 =	sadd.s32 $0x18, s11  }
0xa3: {  	p3 =	sne.s32 s11, $0x4C8  }
.Ltmp7:
0xa4: {  	_ = 	snop;
	(pc) =	sbr.rel @!p3 .LBB2_9-.Ltmp7, $2  }
0xa5: {  	_ =	sdelay $0x2  }
0xa6: {  	s9 =	sadd.s32 $0x1, s9;
	s18 =	sadd.s32 $0xC0, s18  }
.LBB2_6:
0xa7: {  	s19 =	sand.u32 $0x1, s9  }
0xa8: {  	p3 =	seq.s32 s19, $0x1  }
0xa9: {  	p4 =	slt.u32 @!p3 s9, $0x2  }
0xaa: {  	p4 =	por p4, p3  }
0xab: {  	s0 =	simm.s32 @!p4 $0x7  }
0xac: {  	_ =	swait.ge @!p4 [sflag:s0], $0x2000  }
0xad: {  	[sflag:s0] =	ssyncset.done @!p4 $0x0  }
0xae: {  	[sflag:s0] =	ssyncadd.s32 @!p4 $0xFFFFE000;
	s0 =	simm.s32 @!p4 $0x8  }
0xaf: {  	_ =	swait.ge @!p4 [sflag:s0], $0x2000  }
0xb0: {  	[sflag:s0] =	ssyncset.done @!p4 $0x0  }
0xb1: {  	[sflag:s0] =	ssyncadd.s32 @!p4 $0xFFFFE000;
	s0 =	simm.s32 @!p4 $0x9  }
0xb2: {  	_ =	swait.ge @!p4 [sflag:s0], $0x2000  }
0xb3: {  	s26 =	sshrl.u32 @!p3 s18, $0x3;
	[sflag:s0] =	ssyncset.done @!p4 $0x0  }
0xb4: {  	[sflag:s0] =	ssyncadd.s32 @!p4 $0xFFFFE000;
	s0 =	sadd.s32 @!p3 s5, s26;
	s26 =	simm.s32 @!p3 $0x0  }
0xb5: {  	[tilespmem:s26], [sflag:$0x13] =	stream.linear.gather @!p3 [hbm4b:s0+s26], $0x40, $0x38;
	[tilespmem:$0x1FF80] =	vst v63  }
0xb6: {  	s15 =	simm.s32 @!p3 $0x300;
	s0 =	sadd.s32 @!p3 s11, s25  }
0xb7: {  	[tilespmem:s15], [sflag:$0xD] =	stream.linear.gather @!p3 [hbm4b:s0+s26], $0x40, $0x38;
	[tilespmem:$0x1FF80] =	vst v63  }
0xb8: {  	s0 =	sadd.s32 @!p3 s11, s24;
	s15 =	simm.s32 @!p3 $0x80  }
0xb9: {  	[tilespmem:s15], [sflag:$0x14] =	stream.linear.gather @!p3 [hbm4b:s0+s26], $0x40, $0x38;
	[tilespmem:$0x1FF80] =	vst v63  }
0xba: {  	s16 =	simm.s32 @!p3 $0x380;
	s0 =	sadd.s32 @!p3 s11, s23  }
0xbb: {  	[tilespmem:s16], [sflag:$0xE] =	stream.linear.gather @!p3 [hbm4b:s0+s26], $0x40, $0x38;
	[tilespmem:$0x1FF80] =	vst v63  }
0xbc: {  	s0 =	sadd.s32 @!p3 s11, s22;
	s16 =	simm.s32 @!p3 $0x100  }
0xbd: {  	[tilespmem:s16], [sflag:$0x15] =	stream.linear.gather @!p3 [hbm4b:s0+s26], $0x40, $0x38;
	[tilespmem:$0x1FF80] =	vst v63  }
0xbe: {  	s1 =	simm.s32 @!p3 $0x400;
	s0 =	sadd.s32 @!p3 s11, s21  }
0xbf: {  	[tilespmem:s1], [sflag:$0xF] =	stream.linear.gather @!p3 [hbm4b:s0+s26], $0x40, $0x38;
	[tilespmem:$0x1FF80] =	vst v63  }
0xc0: {  	s0 =	simm.s32 @!p3 $0x13  }
0xc1: {  	_ =	swait.ge @!p3 [sflag:s0], $0x40  }
0xc2: {  	[sflag:s0] =	ssyncset.done @!p3 $0x0  }
0xc3: {  	s1 =	simm.s32 @!p3 $0x700;
	[sflag:s0] =	ssyncadd.s32 @!p3 $0xFFFFFFC0;
	s0 =	simm.s32 @!p3 $0x40  }
0xc4: {  	[tilespmem:s1], [sflag:$0x1] =	stream.indirect.gather @!p3 [hbm4b:s4+s0], $0x80, s26, s0, $0xb8;
	[tilespmem:$0x1FF80] =	vst v63  }
0xc5: {  	s1 =	simm.s32 @!p3 $0x14  }
0xc6: {  	_ =	swait.ge @!p3 [sflag:s1], $0x40  }
0xc7: {  	[sflag:s1] =	ssyncset.done @!p3 $0x0  }
0xc8: {  	[sflag:s1] =	ssyncadd.s32 @!p3 $0xFFFFFFC0;
	s1 =	simm.s32 @!p3 $0x2700  }
0xc9: {  	[tilespmem:s1], [sflag:$0x2] =	stream.indirect.gather @!p3 [hbm4b:s4+s0], $0x80, s15, s0, $0xb8;
	[tilespmem:$0x1FF80] =	vst v63  }
0xca: {  	s1 =	simm.s32 @!p3 $0x15  }
0xcb: {  	_ =	swait.ge @!p3 [sflag:s1], $0x40  }
0xcc: {  	[sflag:s1] =	ssyncset.done @!p3 $0x0  }
0xcd: {  	[sflag:s1] =	ssyncadd.s32 @!p3 $0xFFFFFFC0;
	s1 =	simm.s32 @!p3 $0x4700  }
0xce: {  	[tilespmem:s1], [sflag:$0x3] =	stream.indirect.gather @!p3 [hbm4b:s4+s0], $0x80, s16, s0, $0xb8;
	[tilespmem:$0x1FF80] =	vst v63  }
0xcf: {  	s1 =	simm.s32 @!p3 $0x10  }
0xd0: {  	_ =	swait.ge @!p3 [sflag:s1], $0x40  }
0xd1: {  	[sflag:s1] =	ssyncset.done @!p3 $0x0  }
0xd2: {  	[sflag:s1] =	ssyncadd.s32 @!p3 $0xFFFFFFC0;
	s1 =	simm.s32 @!p3 $0x4  }
0xd3: {  	_ =	swait.ge @!p3 [sflag:s1], $0x2000  }
0xd4: {  	[sflag:s1] =	ssyncset.done @!p3 $0x0  }
0xd5: {  	s15 =	simm.s32 @!p3 $0x6700;
	[sflag:s1] =	ssyncadd.s32 @!p3 $0xFFFFE000;
	s1 =	simm.s32 @!p3 $0x480  }
0xd6: {  	[spmem:s2] =	stream.indirect.scatter.add.f32 @!p3 [tilespmem:s15], [sflag:$0xA], $0x80, s1, s0, $0xb8;
	[tilespmem:$0x1FF80] =	vst v63  }
0xd7: {  	s1 =	simm.s32 @!p3 $0x11  }
0xd8: {  	_ =	swait.ge @!p3 [sflag:s1], $0x40  }
0xd9: {  	[sflag:s1] =	ssyncset.done @!p3 $0x0  }
0xda: {  	[sflag:s1] =	ssyncadd.s32 @!p3 $0xFFFFFFC0;
	s1 =	simm.s32 @!p3 $0x5  }
0xdb: {  	_ =	swait.ge @!p3 [sflag:s1], $0x2000  }
0xdc: {  	[sflag:s1] =	ssyncset.done @!p3 $0x0  }
0xdd: {  	s15 =	simm.s32 @!p3 $0x8700;
	[sflag:s1] =	ssyncadd.s32 @!p3 $0xFFFFE000;
	s1 =	simm.s32 @!p3 $0x500  }
0xde: {  	[spmem:s2] =	stream.indirect.scatter.add.f32 @!p3 [tilespmem:s15], [sflag:$0xB], $0x80, s1, s0, $0xb8;
	[tilespmem:$0x1FF80] =	vst v63  }
0xdf: {  	s1 =	simm.s32 @!p3 $0x12  }
0xe0: {  	_ =	swait.ge @!p3 [sflag:s1], $0x40  }
0xe1: {  	[sflag:s1] =	ssyncset.done @!p3 $0x0  }
0xe2: {  	[sflag:s1] =	ssyncadd.s32 @!p3 $0xFFFFFFC0;
	s1 =	simm.s32 @!p3 $0x6  }
0xe3: {  	_ =	swait.ge @!p3 [sflag:s1], $0x2000  }
0xe4: {  	p4 =	seq.s32 @!p3 s19, $0x0;
	[sflag:s1] =	ssyncset.done @!p3 $0x0  }
0xe5: {  	s15 =	simm.s32 @!p3 $0xA700;
	[sflag:s1] =	ssyncadd.s32 @!p3 $0xFFFFE000;
	s1 =	simm.s32 @!p3 $0x580  }
0xe6: {  	[spmem:s2] =	stream.indirect.scatter.add.f32 @!p3 [tilespmem:s15], [sflag:$0xC], $0x80, s1, s0, $0xb8;
	[tilespmem:$0x1FF80] =	vst v63  }
0xe7: {  	p3 =	por p3, !p4  }
.Ltmp8:
0xe8: {  	_ = 	snop;
	(pc) =	sbr.rel @!p3 .LBB2_8-.Ltmp8, $1  }
0xe9: {  	_ =	sdelay $0x3  }
0xea: {  	p3 =	slt.u32 s9, $0x2  }
0xeb: {  	s0 =	simm.s32 @!p3 $0xA  }
0xec: {  	_ =	swait.ge @!p3 [sflag:s0], $0x2000  }
0xed: {  	[sflag:s0] =	ssyncset.done @!p3 $0x0  }
0xee: {  	[sflag:s0] =	ssyncadd.s32 @!p3 $0xFFFFE000;
	s0 =	simm.s32 @!p3 $0xB  }
0xef: {  	_ =	swait.ge @!p3 [sflag:s0], $0x2000  }
0xf0: {  	[sflag:s0] =	ssyncset.done @!p3 $0x0  }
0xf1: {  	[sflag:s0] =	ssyncadd.s32 @!p3 $0xFFFFE000;
	s0 =	simm.s32 @!p3 $0xC  }
0xf2: {  	_ =	swait.ge @!p3 [sflag:s0], $0x2000  }
0xf3: {  	s1 =	sshrl.u32 s18, $0x3;
	[sflag:s0] =	ssyncset.done @!p3 $0x0  }
0xf4: {  	s15 =	simm.s32 $0x180;
	s16 =	sadd.s32 s5, s1;
	[sflag:s0] =	ssyncadd.s32 @!p3 $0xFFFFE000  }
0xf5: {  	[tilespmem:s15], [sflag:$0x16] =	stream.linear.gather [hbm4b:s16+s3], $0x40, $0x38;
	[tilespmem:$0x1FF80] =	vst v63  }
0xf6: {  	s19 =	sadd.s32 s11, s25;
	s26 =	simm.s32 $0x480  }
0xf7: {  	[tilespmem:s26], [sflag:$0x10] =	stream.linear.gather [hbm4b:s19+s3], $0x40, $0x38;
	[tilespmem:$0x1FF80] =	vst v63  }
0xf8: {  	s16 =	sadd.s32 s11, s24  }
0xf9: {  	[tilespmem:s10], [sflag:$0x17] =	stream.linear.gather [hbm4b:s16+s3], $0x40, $0x38;
	[tilespmem:$0x1FF80] =	vst v63  }
0xfa: {  	s19 =	sadd.s32 s11, s23;
	s26 =	simm.s32 $0x500  }
0xfb: {  	[tilespmem:s26], [sflag:$0x11] =	stream.linear.gather [hbm4b:s19+s3], $0x40, $0x38;
	[tilespmem:$0x1FF80] =	vst v63  }
0xfc: {  	s16 =	sadd.s32 s11, s22  }
0xfd: {  	[tilespmem:s17], [sflag:$0x18] =	stream.linear.gather [hbm4b:s16+s3], $0x40, $0x38;
	[tilespmem:$0x1FF80] =	vst v63  }
0xfe: {  	s19 =	sadd.s32 s11, s21;
	s26 =	simm.s32 $0x580  }
0xff: {  	[tilespmem:s26], [sflag:$0x12] =	stream.linear.gather [hbm4b:s19+s3], $0x40, $0x38;
	[tilespmem:$0x1FF80] =	vst v63  }
0x100: {  	_ =	swait.ge [sflag:s20], $0x40  }
0x101: {  	[sflag:s20] =	ssyncset.done $0x0  }
0x102: {  	s16 =	simm.s32 $0x6700;
	[sflag:s20] =	ssyncadd.s32 $0xFFFFFFC0  }
0x103: {  	[tilespmem:s16], [sflag:$0x4] =	stream.indirect.gather [hbm4b:s4+s6], $0x80, s15, s6, $0xb8;
	[tilespmem:$0x1FF80] =	vst v63  }
0x104: {  	_ =	swait.ge [sflag:s30], $0x40  }
0x105: {  	[sflag:s30] =	ssyncset.done $0x0  }
0x106: {  	s19 =	simm.s32 $0x8700;
	[sflag:s30] =	ssyncadd.s32 $0xFFFFFFC0  }
0x107: {  	[tilespmem:s19], [sflag:$0x5] =	stream.indirect.gather [hbm4b:s4+s6], $0x80, s10, s6, $0xb8;
	[tilespmem:$0x1FF80] =	vst v63  }
0x108: {  	_ =	swait.ge [sflag:s28], $0x40  }
0x109: {  	[sflag:s28] =	ssyncset.done $0x0  }
0x10a: {  	s26 =	simm.s32 $0xA700;
	[sflag:s28] =	ssyncadd.s32 $0xFFFFFFC0  }
0x10b: {  	[tilespmem:s26], [sflag:$0x6] =	stream.indirect.gather [hbm4b:s4+s6], $0x80, s17, s6, $0xb8;
	[tilespmem:$0x1FF80] =	vst v63  }
0x10c: {  	_ =	swait.ge [sflag:s7], $0x40  }
0x10d: {  	[sflag:s7] =	ssyncset.done $0x0  }
0x10e: {  	[sflag:s7] =	ssyncadd.s32 $0xFFFFFFC0  }
0x10f: {  	_ =	swait.ge [sflag:s13], $0x2000  }
0x110: {  	[sflag:s13] =	ssyncset.done $0x0  }
0x111: {  	s1 =	simm.s32 $0x300;
	[sflag:s13] =	ssyncadd.s32 $0xFFFFE000  }
0x112: {  	[spmem:s2] =	stream.indirect.scatter.add.f32 [tilespmem:s8], [sflag:$0x7], $0x80, s1, s6, $0xb8;
	[tilespmem:$0x1FF80] =	vst v63  }
0x113: {  	_ =	swait.ge [sflag:s29], $0x40  }
0x114: {  	[sflag:s29] =	ssyncset.done $0x0  }
0x115: {  	[sflag:s29] =	ssyncadd.s32 $0xFFFFFFC0  }
0x116: {  	_ =	swait.ge [sflag:s12], $0x2000  }
0x117: {  	[sflag:s12] =	ssyncset.done $0x0  }
0x118: {  	s15 =	simm.s32 $0x380;
	s16 =	simm.s32 $0x2700;
	[sflag:s12] =	ssyncadd.s32 $0xFFFFE000  }
0x119: {  	[spmem:s2] =	stream.indirect.scatter.add.f32 [tilespmem:s16], [sflag:$0x8], $0x80, s15, s6, $0xb8;
	[tilespmem:$0x1FF80] =	vst v63  }
0x11a: {  	_ =	swait.ge [sflag:s31], $0x40  }
0x11b: {  	[sflag:s31] =	ssyncset.done $0x0  }
.Ltmp9:
0x11c: {  	[sflag:s31] =	ssyncadd.s32 $0xFFFFFFC0;
	(pc) =	sbr.rel .LBB2_8-.Ltmp9, $4  }
0x11d: {  	_ =	swait.ge [sflag:s14], $0x2000  }
0x11e: {  	[sflag:s14] =	ssyncset.done $0x0  }
0x11f: {  	s19 =	simm.s32 $0x400;
	s26 =	simm.s32 $0x4700;
	[sflag:s14] =	ssyncadd.s32 $0xFFFFE000  }
0x120: {  	[spmem:s2] =	stream.indirect.scatter.add.f32 [tilespmem:s26], [sflag:$0x9], $0x80, s19, s6, $0xb8;
	[tilespmem:$0x1FF80] =	vst v63  }
.LBB2_10:
0x121: {  	_ =	sfence.sel $0x180000  }
0x122: {  	[bflag:$0x0] =	sbarrier.arrive $0xFFFF  }
0x123: {  	_ =	strace $0x90000047  }
0x124: {  	s0 =	stileid.u32;
	[bflag:$0x2] =	sbarrier.arrive $0xFFFF  }
0x125: {  	p0 =	sne.s32 s0, $0x0;
	s0 =	rddreg [dreg:$0x2]  }
0x126: {  	s0 =	sadd.s32 @!p0 $0x100000, s0  }
0x127: {  	[sflag:s0] =	ssyncadd.tile.s32 @!p0 $0x1;
	_ =	shalt  }
.Lfunc_end2:
_tile_overlayer_lowered:
.L_overlay_start_2:
0x128: {  	(tag) =	ssettag $0x2  }
0x129: {  	s0 =	rddreg [dreg:$0x0];
	s2 =	stileid.u32  }
0x12a: {  	s1 =	rddreg [dreg:$0x1];
	p0 =	sne.s32 s2, $0x0  }
0x12b: {  	s3 =	rddreg [dreg:$0x2];
	[bflag:$0x3] =	sbarrier.arrive $0xFFFF;
	s2 =	simm.s32 @!p0 $0x1C1A  }
0x12c: {  	[timem:s3], [sflag:s2] =	dma.local @!p0 [hbm:s0], s1  }
0x12d: {  	s0 =	simm.s32 @!p0 $0x1A  }
0x12e: {  	_ =	swait.ge @!p0 [sflag:s0], s1  }
0x12f: {  	s1 =	ssub.s32 @!p0 $0x0, s1;
	[sflag:s0] =	ssyncset.done @!p0 $0x0  }
0x130: {  	[sflag:s0] =	ssyncadd.s32 @!p0 s1  }
0x131: {  	[bflag:$0x3] =	sbarrier.arrive $0xFFFF  }
0x132: {  	_ =	shalt  }

// kernel: kernel.13.cloned.1.call-start
scs
__scs_entry_jumppad:
0x0: {  	(pc) =	sbr.rel $0x88, $3  }
0x1: {  	(tag) =	ssettag $0x0;
	lr =	simm.s32 $0x1  }
0x2: {  	[smem:$0x3F80] =	sst lr;
	_ =	strace $0xD0000000  }
0x3: {  	_ = 	snop  }
0x4: {  	_ = 	snop  }
0x5: {  	_ = 	snop  }
0x6: {  	_ = 	snop  }
0x7: {  	_ = 	snop  }
__scs_overlays_trampoline_lowered:
0x8: {  	[smem:$0x3F8F] =	sst s0  }
0x9: {  	[smem:$0x3F90] =	sst s1  }
0xa: {  	[smem:$0x3F91] =	sst s2  }
0xb: {  	[smem:$0x3F92] =	sst s3  }
0xc: {  	[smem:$0x3F93] =	sst s4  }
0xd: {  	[smem:$0x3F94] =	sst s5  }
0xe: {  	[smem:$0x3F95] =	sst s6  }
0xf: {  	[smem:$0x3F96] =	sst s7  }
0x10: {  	[smem:$0x3F97] =	sst s8  }
0x11: {  	[smem:$0x3F98] =	sst s9;
	s0 =	simm.s32 @!p0 $0x0  }
0x12: {  	s1 =	sld [smem:$0x3F7E];
	s0 =	simm.s32 @p0 $0x1  }
0x13: {  	[smem:$0x3F99] =	sst s0;
	s0 =	simm.s32 @!p1 $0x0  }
0x14: {  	s2 =	sld [smem:$0x3F7D];
	s0 =	simm.s32 @p1 $0x1  }
0x15: {  	[smem:$0x3F9A] =	sst s0;
	s0 =	simm.s32 @!p2 $0x0  }
0x16: {  	s3 =	sld [smem:$0x3FDB];
	s0 =	simm.s32 @p2 $0x1  }
0x17: {  	s4 =	simm.s32 $0x1BF5;
	[smem:$0x3F9C] =	sst s0  }
0x18: {  	s0 =	sld [smem:$0x3F7F];
	_ =	swait.ge [sflag:s4], $0x0  }
0x19: {  	s7 =	sld [smem:$0x3F80]  }
0x1a: {  	s8 =	sadd.s32 $0xFFFFE003, lr  }
0x1b: {  	s9 =	sadd.s32 $0xFFFFFEF7, lr;
	s5 =	simm.s32 $0xFFFFFFFF;
	p2 =	slt.u32 s8, $0xFFFFF086  }
0x1c: {  	p1 =	slt.u32 s9, $0xF7A;
	s5 =	simm.s32 @!p2 $0x0  }
0x1d: {  	s5 =	simm.s32 @p1 $0x1;
	p0 =	seq.s32 s7, s2  }
0x1e: {  	s7 =	smul.u32 @!p0 $0xF7A, s2;
	p2 =	seq.s32 @!p0 s5, $0x0  }
0x1f: {  	s9 =	smul.u32 $0xF7A, s1;
	s8 =	simm.s32 @!p0 $0x1BF5;
	p2 =	por !p2, p0  }
0x20: {  	[sflag:s8] =	ssyncset.s32 @!p0 $0xFFFFF086;
	s6 =	sadd.s32 @!p0 s3, s7;
	s7 =	simm.s32 @!p0 $0x108  }
0x21: {  	s3 =	sadd.s32 s3, s9;
	s6 =	sadd.s32 @!p0 $0x88, s6;
	s7 =	simm.s32 @p2 $0x1082  }
0x22: {  	[simem:s7], [sflag:s8] =	dma.local @!p0 [hbm:s6], $0xF7A  }
0x23: {  	s9 =	sor.u32 $0xD0000000, s2;
	s6 =	simm.s32 $0x108;
	_ =	swait.ge @!p0 [sflag:s8], $0x0  }
0x24: {  	s3 =	sadd.s32 $0x88, s3;
	s6 =	simm.s32 @!p1 $0x1082;
	[sflag:s4] =	ssyncset.s32 $0xFFFFF086  }
0x25: {  	[simem:s6], [sflag:s4] =	dma.local [hbm:s3], $0xF7A  }
0x26: {  	[smem:$0x3F80] =	sst s1;
	(tag) =	ssettag s2;
	_ =	strace s9  }
0x27: {  	s1 =	sld [smem:$0x3F90]  }
0x28: {  	s2 =	sld [smem:$0x3F91]  }
0x29: {  	s4 =	sld [smem:$0x3F93]  }
0x2a: {  	p0 =	seq.s32 s5, $0x0;
	s5 =	sld [smem:$0x3F94]  }
0x2b: {  	s6 =	sld [smem:$0x3F95]  }
0x2c: {  	s7 =	sld [smem:$0x3F96]  }
0x2d: {  	s3 =	simm.s32 $0x108;
	s8 =	sld [smem:$0x3F97]  }
0x2e: {  	s3 =	simm.s32 @!p0 $0x1082;
	s9 =	sld [smem:$0x3F98]  }
0x2f: {  	lr =	sadd.s32 s0, s3;
	s0 =	sld [smem:$0x3F8F]  }
0x30: {  	s3 =	sld [smem:$0x3F92]  }
0x31: {  	[smem:$0x3F9B] =	sst s10  }
0x32: {  	s10 =	sld [smem:$0x3F99];
	_ =	sdelay $0x3  }
0x33: {  	p0 =	seq.s32 s10, $0x1;
	s10 =	sld [smem:$0x3F9B];
	_ =	sdelay $0x3  }
0x34: {  	[smem:$0x3F9B] =	sst s10  }
0x35: {  	s10 =	sld [smem:$0x3F9A];
	_ =	sdelay $0x3  }
0x36: {  	p1 =	seq.s32 s10, $0x1;
	s10 =	sld [smem:$0x3F9B];
	_ =	sdelay $0x3  }
0x37: {  	[smem:$0x3F9B] =	sst s10  }
0x38: {  	s10 =	sld [smem:$0x3F9C]  }
0x39: {  	_ = 	snop;
	(pc) =	sbr.ind lr, $3  }
0x3a: {  	_ = 	snop  }
0x3b: {  	_ = 	snop  }
0x3c: {  	p2 =	seq.s32 s10, $0x1;
	s10 =	sld [smem:$0x3F9B]  }
0x3d: {  	_ =	shalt  }
0x3e: {  	_ =	shalt  }
0x3f: {  	_ =	shalt  }
0x40: {  	_ =	shalt  }
0x41: {  	_ =	shalt  }
0x42: {  	_ =	shalt  }
0x43: {  	_ =	shalt  }
0x44: {  	_ =	shalt  }
0x45: {  	_ =	shalt  }
0x46: {  	_ =	shalt  }
0x47: {  	_ =	shalt  }
0x48: {  	_ =	shalt  }
0x49: {  	_ =	shalt  }
0x4a: {  	_ =	shalt  }
0x4b: {  	_ =	shalt  }
0x4c: {  	_ =	shalt  }
0x4d: {  	_ =	shalt  }
0x4e: {  	_ =	shalt  }
0x4f: {  	_ =	shalt  }
0x50: {  	_ =	shalt  }
0x51: {  	_ =	shalt  }
0x52: {  	_ =	shalt  }
0x53: {  	_ =	shalt  }
0x54: {  	_ =	shalt  }
0x55: {  	_ =	shalt  }
0x56: {  	_ =	shalt  }
0x57: {  	_ =	shalt  }
0x58: {  	_ =	shalt  }
0x59: {  	_ =	shalt  }
0x5a: {  	_ =	shalt  }
0x5b: {  	_ =	shalt  }
0x5c: {  	_ =	shalt  }
0x5d: {  	_ =	shalt  }
0x5e: {  	_ =	shalt  }
0x5f: {  	_ =	shalt  }
0x60: {  	_ =	shalt  }
0x61: {  	_ =	shalt  }
0x62: {  	_ =	shalt  }
0x63: {  	_ =	shalt  }
0x64: {  	_ =	shalt  }
0x65: {  	_ =	shalt  }
0x66: {  	_ =	shalt  }
0x67: {  	_ =	shalt  }
0x68: {  	_ =	shalt  }
0x69: {  	_ =	shalt  }
0x6a: {  	_ =	shalt  }
0x6b: {  	_ =	shalt  }
0x6c: {  	_ =	shalt  }
0x6d: {  	_ =	shalt  }
0x6e: {  	_ =	shalt  }
0x6f: {  	_ =	shalt  }
0x70: {  	_ =	shalt  }
0x71: {  	_ =	shalt  }
0x72: {  	_ =	shalt  }
0x73: {  	_ =	shalt  }
0x74: {  	_ =	shalt  }
0x75: {  	_ =	shalt  }
0x76: {  	_ =	shalt  }
0x77: {  	_ =	shalt  }
0x78: {  	_ =	shalt  }
0x79: {  	_ =	shalt  }
0x7a: {  	_ =	shalt  }
0x7b: {  	_ =	shalt  }
0x7c: {  	_ =	shalt  }
0x7d: {  	_ =	shalt  }
0x7e: {  	_ =	shalt  }
0x7f: {  	_ =	shalt  }
0x80: {  	_ =	shalt  }
0x81: {  	_ =	shalt  }
0x82: {  	_ =	shalt  }
0x83: {  	_ =	shalt  }
0x84: {  	_ =	shalt  }
0x85: {  	_ =	shalt  }
0x86: {  	_ =	shalt  }
0x87: {  	_ =	shalt  }
.Lfunc_end0:
.L_simem_size_0:
called_computation.1_lowered:
.L_overlay_start_0:
0x88: {  	s2 =	sld [smem:$0x3FD9]  }
0x89: {  	s3 =	sld [smem:$0x3FFE];
	_ =	sdelay $0x1  }
0x8a: {  	s1 =	srdreg.scid  }
0x8b: {  	s0 =	sand.u32 $0x1, s1  }
0x8c: {  	s16 =	sshll.u32 s0, $0xA;
	s2 =	sadd.s32 s3, s2  }
0x8d: {  	s2 =	sadd.s32 s2, s16  }
0x8e: {  	[smem:$0x3FA7] =	sst s2  }
0x8f: {  	_ = 	snop  }
0x90: {  	(tm) =	ssettm $0x1  }
0x91: {  	s17 =	sld [smem:$0x3FFB];
	_ =	sdelay $0x3  }
0x92: {  	_ =	strace s17  }
0x93: {  	s2 =	sld [smem:$0x3FFC];
	_ =	sdelay $0x3  }
0x94: {  	_ =	strace s2  }
0x95: {  	s2 =	sld [smem:$0x3FFD];
	_ =	sdelay $0x3  }
0x96: {  	_ =	strace s2  }
0x97: {  	_ =	strace $0x8FFFFFFF  }
0x98: {  	s18 =	sld [smem:$0x3FDB];
	_ =	sdelay $0x1  }
0x99: {  	s19 =	simm.s32 $_scs_section_size  }
0x9a: {  	s4 =	simm.s32 $_size__tile_overlayer_lowered;
	s5 =	simm.s32 $_tile_overlayer_lowered  }
0x9b: {  	s22 =	simm.s32 $0x1BFF;
	s21 =	sshll.u32 s5, $0x1;
	s2 =	sadd.s32 s19, s18  }
0x9c: {  	s6 =	simm.s32 $0x0;
	s20 =	sshll.u32 s4, $0x1;
	s4 =	sadd.s32 s21, s2  }
0x9d: {  	[timem:s6], [sflag:s22] =	dma.local [hbm:s4], s20  }
0x9e: {  	_ =	swait.ge [sflag:s22], s20  }
0x9f: {  	s3 =	ssub.s32 $0x0, s20;
	[sflag:s22] =	ssyncset.done $0x0  }
0xa0: {  	[sflag:s22] =	ssyncadd.s32 s3;
	_ =	sdelay $0x1  }
0xa1: {  	s23 =	simm.s32 $0x1B8B  }
0xa2: {  	_ =	swait.ge [sflag:s23], $0x1  }
0xa3: {  	[sflag:s23] =	ssyncset.done $0x0  }
0xa4: {  	s25 =	simm.s32 $0x1B8E;
	s24 =	sld [smem:$0x3FFE];
	[sflag:s23] =	ssyncadd.s32 $0xFFFFFFFF  }
0xa5: {  	s26 =	simm.s32 $execute0_lowered;
	[smem:$0x3FD2] =	sst s25  }
0xa6: {  	s4 =	sshll.u32 s26, $0x1;
	_ =	strace $0x80000049;
	[dreg:$0x1] =	wrdreg $0xFFFFFFFF  }
0xa7: {  	s28 =	simm.s32 $_size_execute0_lowered;
	s2 =	sadd.s32 s2, s4;
	[dreg:$0x0] =	wrdreg $0x0  }
0xa8: {  	s4 =	sshll.u32 s28, $0x1;
	[dreg:$0x2] =	wrdreg s2  }
0xa9: {  	[dreg:$0x3] =	wrdreg s4  }
0xaa: {  	[dreg:$0x4] =	wrdreg $0xC0  }
0xab: {  	_ =	task [dreg:s6], $0x5FFFF  }
0xac: {  	[dreg:$0x1] =	wrdreg $0xFFFFFFFF  }
0xad: {  	[dreg:$0x0] =	wrdreg $0x60  }
0xae: {  	[dreg:$0x2] =	wrdreg s24  }
0xaf: {  	[dreg:$0x3] =	wrdreg $0xC7000  }
0xb0: {  	[dreg:$0x4] =	wrdreg $0x9  }
0xb1: {  	_ =	task.clear_ibuf [dreg:s6], $0x5FFFF;
	_ =	strace $0x90000049  }
0xb2: {  	s29 =	simm.s32 $0x9;
	_ =	strace $0x8000004B  }
0xb3: {  	_ =	swait.ge [sflag:s29], $0x1  }
0xb4: {  	[sflag:s29] =	ssyncadd.s32 $0xFFFFFFFF  }
0xb5: {  	_ =	strace $0x9000004B  }
0xb6: {  	_ =	sfence  }
0xb7: {  	s30 =	sld [smem:$0x0];
	_ =	sdelay $0x2  }
0xb8: {  	s31 =	sshll.u32 s1, $0xD;
	s1 =	sshrl.u32 s1, $0x2  }
0xb9: {  	s3 =	sand.u32 $0x4000, s31;
	s1 =	sadd.s32 s1, s30  }
0xba: {  	s0 =	sor.u32 s3, s0;
	s1 =	sshll.u32 s1, $0x11  }
0xbb: {  	s0 =	sor.u32 s1, s0  }
0xbc: {  	s0 =	sadd.s32 $0x8F2B, s0  }
0xbd: {  	[sflag:s0] =	ssyncadd.remote.s32 $0x1  }
0xbe: {  	_ =	sfence.sel $0xFFFF  }
0xbf: {  	[dreg:$0x0] =	wrdreg $0xFFFFFFFF;
	(pc) =	sbr.abs _section_cstart, $3  }
0xc0: {  	[dreg:$0x1] =	wrdreg $0xFFFFFFFF  }
0xc1: {  	_ =	task.clear_ibuf [dreg:s6], $0x2FFFF;
	_ =	strace $0x9FFFFFFF  }
0xc2: {  	(tm) =	ssettm $0x7FFFFFFF  }
0xc3: {  	_ =	shalt  }
tec
execute0_lowered:
.L_overlay_start_1:
0x0: {  	(tag) =	ssettag $0x1  }
0x1: {  	s0 =	rddreg [dreg:$0x0]  }
0x2: {  	s2 =	rddreg [dreg:$0x1]  }
0x3: {  	s1 =	srdreg.scid;
	s11 =	stileid.u32  }
0x4: {  	s3 =	simm.s32 $0x0;
	s30 =	simm.s32 $0x17;
	s28 =	simm.s32 $0x18  }
0x5: {  	s29 =	simm.s32 $0xE;
	s31 =	simm.s32 $0xF;
	s18 =	smul.u32 $0x4E000, s11  }
0x6: {  	s1 =	sand.u32 $0x1, s1;
	s4 =	sshll.u32 s11, $0x1;
	s21 =	smul.u32 $0x2700, s11  }
0x7: {  	[smem:$0x7FF] =	sst s3;
	s12 =	sadd.s32 $0x5E00, s0;
	s25 =	smul.u32 $0x4E20, s11  }
0x8: {  	s26 =	sadd.s32 $0x138000, s2;
	p1 =	sne.s32 s11, $0xF;
	p2 =	seq.s32 s11, $0xF  }
0x9: {  	s5 =	sor.u32 s1, s4;
	_ =	strace $0x8000004A;
	s23 =	smul.u32 $0x27100, s1  }
0xa: {  	s4 =	sadd.s32 $0x67C00, s0;
	s7 =	ssub.s32 $0x2, s1;
	s24 =	smul.u32 $0x138800, s1  }
0xb: {  	p0 =	seq.s32 s1, $0x1;
	[dreg:$0xc] =	wrdreg s26;
	s1 =	smul.u32 $0x2710, s1  }
0xc: {  	[dreg:$0x3] =	wrdreg s12;
	s6 =	smul.u32 $0x2710, s5;
	s5 =	sadd.s32 $0x2D000, s0  }
0xd: {  	s0 =	sadd.s32 $0x8EE00, s0;
	s8 =	sshrl.u32 s7, $0x1;
	s14 =	sadd.s32 s4, s21  }
0xe: {  	s12 =	sadd.s32 s12, s21;
	s7 =	ssub.s32 s7, s8;
	[dreg:$0xb] =	wrdreg s14  }
0xf: {  	[dreg:$0xd] =	wrdreg s12;
	s8 =	sadd.s32 s21, s23;
	s15 =	sshrl.u32 s24, $0x3  }
0x10: {  	s1 =	sadd.s32 s1, s25;
	s12 =	simm.s32 $0x2;
	s8 =	sadd.s32 s0, s8  }
0x11: {  	s14 =	simm.s32 $0x3;
	s7 =	smax.u32 s7, $0x1;
	[dreg:$0xe] =	wrdreg s8  }
0x12: {  	s0 =	sadd.s32 s0, s15;
	s17 =	sadd.s32 $0xC0, s1;
	[dreg:$0x10] =	wrdreg s7  }
0x13: {  	s6 =	sshrl.u32 s6, $0x3;
	s0 =	sadd.s32 $0x27000, s0;
	[dreg:$0x11] =	wrdreg s17  }
0x14: {  	s16 =	sadd.s32 $0x4E340, s1;
	s13 =	sadd.s32 s5, s6;
	[dreg:$0xf] =	wrdreg s0  }
0x15: {  	s15 =	simm.s32 $0x1A;
	s19 =	sadd.s32 $0x9C40, s13;
	[dreg:$0x4] =	wrdreg s13  }
0x16: {  	s6 =	sshrl.u32 s18, $0x2;
	s20 =	sadd.s32 $0x8, s13;
	[dreg:$0x5] =	wrdreg s19  }
0x17: {  	s18 =	sadd.s32 $0x4E300, s1;
	s9 =	sadd.s32 $0x9C48, s13;
	[dreg:$0x6] =	wrdreg s20  }
0x18: {  	s8 =	simm.s32 $0x700;
	s22 =	sadd.s32 $0x10, s13;
	[dreg:$0x7] =	wrdreg s9  }
0x19: {  	s17 =	simm.s32 $0x280;
	s10 =	sadd.s32 $0x9C50, s13;
	[dreg:$0x8] =	wrdreg s22  }
0x1a: {  	s7 =	simm.s32 $0xD;
	s6 =	sadd.s32 s6, s2;
	[dreg:$0x9] =	wrdreg s10  }
0x1b: {  	s0 =	sshrl.u32 s16, $0x3;
	s26 =	sadd.s32 $0xA120, s13;
	[dreg:$0xa] =	wrdreg s6  }
0x1c: {  	s6 =	sadd.s32 $0x140, s1;
	s21 =	sadd.s32 s0, s5;
	s19 =	sadd.s32 $0x100, s1  }
0x1d: {  	s1 =	sadd.s32 $0x4E2C0, s1;
	s0 =	sshrl.u32 s18, $0x3;
	s20 =	sadd.s32 $0x4E0, s13  }
.Ltmp0:
0x1e: {  	[dreg:$0x13] =	wrdreg s26;
	s10 =	simm.s32 $0x200;
	(pc) =	sbr.rel .LBB2_1-.Ltmp0, $4  }
0x1f: {  	s13 =	simm.s32 $0x1;
	s9 =	simm.s32 $0x0;
	s6 =	sshrl.u32 s6, $0x3  }
0x20: {  	s1 =	sshrl.u32 s1, $0x3;
	s23 =	sadd.s32 s0, s5;
	[dreg:$0x12] =	wrdreg s20  }
0x21: {  	s20 =	simm.s32 $0x16;
	s22 =	sadd.s32 s6, s5;
	s6 =	sshrl.u32 s19, $0x3  }
0x22: {  	s25 =	sadd.s32 s1, s5;
	s24 =	sadd.s32 s6, s5;
	s6 =	simm.s32 $0x40  }
.LBB2_9:
0x23: {  	s1 =	simm.s32 $0x10  }
0x24: {  	_ =	swait.ge [sflag:s1], $0x40  }
0x25: {  	[sflag:s1] =	ssyncset.done $0x0  }
0x26: {  	s0 =	simm.s32 $0x4;
	[sflag:s1] =	ssyncadd.s32 $0xFFFFFFC0  }
0x27: {  	_ =	swait.ge [sflag:s0], $0x2000  }
0x28: {  	[sflag:s0] =	ssyncset.done $0x0  }
0x29: {  	s26 =	simm.s32 $0x480;
	s8 =	simm.s32 $0x6700;
	[sflag:s0] =	ssyncadd.s32 $0xFFFFE000  }
0x2a: {  	[spmem:s2] =	stream.indirect.scatter.add.f32 [tilespmem:s8], [sflag:$0xA], $0x80, s26, s6, $0xb8;
	[tilespmem:$0x1FF80] =	vst v63  }
0x2b: {  	s8 =	simm.s32 $0x11  }
0x2c: {  	_ =	swait.ge [sflag:s8], $0x40  }
0x2d: {  	[sflag:s8] =	ssyncset.done $0x0  }
0x2e: {  	s9 =	simm.s32 $0x5;
	[sflag:s8] =	ssyncadd.s32 $0xFFFFFFC0  }
0x2f: {  	_ =	swait.ge [sflag:s9], $0x2000  }
0x30: {  	s11 =	simm.s32 $0x500;
	[sflag:s9] =	ssyncset.done $0x0  }
0x31: {  	s15 =	simm.s32 $0x8700;
	s16 =	simm.s32 $0x12;
	[sflag:s9] =	ssyncadd.s32 $0xFFFFE000  }
0x32: {  	[spmem:s2] =	stream.indirect.scatter.add.f32 [tilespmem:s15], [sflag:$0xB], $0x80, s11, s6, $0xb8;
	[tilespmem:$0x1FF80] =	vst v63  }
0x33: {  	_ =	swait.ge [sflag:s16], $0x40  }
0x34: {  	[sflag:s16] =	ssyncset.done $0x0  }
0x35: {  	s18 =	simm.s32 $0x6;
	[sflag:s16] =	ssyncadd.s32 $0xFFFFFFC0  }
0x36: {  	_ =	swait.ge [sflag:s18], $0x2000  }
0x37: {  	s19 =	simm.s32 $0x580;
	[sflag:s18] =	ssyncset.done $0x0  }
0x38: {  	s26 =	simm.s32 $0xA700;
	s9 =	simm.s32 $0x7;
	[sflag:s18] =	ssyncadd.s32 $0xFFFFE000  }
0x39: {  	[spmem:s2] =	stream.indirect.scatter.add.f32 [tilespmem:s26], [sflag:$0xC], $0x80, s19, s6, $0xb8;
	[tilespmem:$0x1FF80] =	vst v63  }
0x3a: {  	_ =	swait.ge [sflag:s9], $0x2000  }
0x3b: {  	[sflag:s9] =	ssyncset.done $0x0  }
0x3c: {  	s11 =	simm.s32 $0x8;
	[sflag:s9] =	ssyncadd.s32 $0xFFFFE000  }
0x3d: {  	_ =	swait.ge [sflag:s11], $0x2000  }
0x3e: {  	[sflag:s11] =	ssyncset.done $0x0  }
0x3f: {  	s15 =	simm.s32 $0x9;
	[sflag:s11] =	ssyncadd.s32 $0xFFFFE000  }
0x40: {  	_ =	swait.ge [sflag:s15], $0x2000  }
0x41: {  	[sflag:s15] =	ssyncset.done $0x0  }
0x42: {  	s16 =	simm.s32 $0xA;
	[sflag:s15] =	ssyncadd.s32 $0xFFFFE000  }
0x43: {  	_ =	swait.ge [sflag:s16], $0x2000  }
0x44: {  	[sflag:s16] =	ssyncset.done $0x0  }
0x45: {  	s18 =	simm.s32 $0xB;
	[sflag:s16] =	ssyncadd.s32 $0xFFFFE000  }
0x46: {  	_ =	swait.ge [sflag:s18], $0x2000  }
0x47: {  	[sflag:s18] =	ssyncset.done $0x0  }
0x48: {  	s19 =	simm.s32 $0xC;
	[sflag:s18] =	ssyncadd.s32 $0xFFFFE000  }
0x49: {  	_ =	swait.ge [sflag:s19], $0x2000  }
0x4a: {  	s9 =	simm.s32 $0x600;
	[sflag:s19] =	ssyncset.done $0x0  }
0x4b: {  	s15 =	simm.s32 $0x1A;
	s26 =	rddreg [dreg:$0x12];
	[sflag:s19] =	ssyncadd.s32 $0xFFFFE000  }
0x4c: {  	[tilespmem:s9], [sflag:$0x1A] =	stream.linear.gather [hbm4b:s26+s3], $0x10, $0x38;
	[tilespmem:$0x1FF80] =	vst v63  }
0x4d: {  	_ =	swait.ge [sflag:s15], $0x10  }
0x4e: {  	[sflag:s15] =	ssyncset.done $0x0  }
0x4f: {  	s11 =	simm.s32 $0x680;
	s8 =	rddreg [dreg:$0x13];
	[sflag:s15] =	ssyncadd.s32 $0xFFFFFFF0  }
0x50: {  	[tilespmem:s11], [sflag:$0x1A] =	stream.linear.gather [hbm4b:s8+s3], $0x10, $0x38;
	[tilespmem:$0x1FF80] =	vst v63  }
0x51: {  	_ =	swait.ge [sflag:s15], $0x10  }
0x52: {  	[sflag:s15] =	ssyncset.done $0x0  }
0x53: {  	s8 =	simm.s32 $0x700;
	[sflag:s15] =	ssyncadd.s32 $0xFFFFFFF0  }
0x54: {  	[tilespmem:s8], [sflag:$0x19] =	stream.indirect.gather [hbm4b:s4+s1], $0x80, s9, s1, $0xb8;
	[tilespmem:$0x1FF80] =	vst v63  }
0x55: {  	s9 =	simm.s32 $0x19  }
0x56: {  	_ =	swait.ge [sflag:s9], $0x800  }
0x57: {  	[sflag:s9] =	ssyncset.done $0x0  }
0x58: {  	[sflag:s9] =	ssyncadd.s32 $0xFFFFF800  }
0x59: {  	[spmem:s2] =	stream.indirect.scatter.add.f32 [tilespmem:s8], [sflag:$0x1A], $0x80, s11, s1, $0xb8;
	[tilespmem:$0x1FF80] =	vst v63  }
0x5a: {  	_ =	swait.ge [sflag:s15], $0x800  }
0x5b: {  	[sflag:s15] =	ssyncset.done $0x0  }
0x5c: {  	[sflag:s15] =	ssyncadd.s32 $0xFFFFF800  }
0x5d: {  	[bflag:$0x0] =	sbarrier.arrive $0xFFFF  }
0x5e: {  	s11 =	rddreg [dreg:$0x15]  }
0x5f: {  	s16 =	rddreg [dreg:$0xe]  }
0x60: {  	s18 =	rddreg [dreg:$0x16];
	s0 =	sor.u32 $0x1C1A, s11  }
0x61: {  	[hbm:s16], [sflag:s0] =	dma.local [spmem:s18], $0x2700  }
0x62: {  	_ =	swait.ge [sflag:s15], $0x2700  }
0x63: {  	[sflag:s15] =	ssyncset.done $0x0;
	s1 =	rddreg [dreg:$0xc]  }
0x64: {  	s9 =	rddreg [dreg:$0xf];
	[sflag:s15] =	ssyncadd.s32 $0xFFFFD900;
	s1 =	sshrl.u32 @!p1 s1, $0x3  }
0x65: {  	[hbm:s9], [sflag:s0] =	dma.local @!p1 [spmem:s1], $0x100  }
0x66: {  	s0 =	simm.s32 @!p1 $0x1A  }
0x67: {  	_ =	swait.ge @!p1 [sflag:s0], $0x100  }
0x68: {  	s19 =	rddreg [dreg:$0x14]  }
0x69: {  	s26 =	rddreg [dreg:$0x10];
	s9 =	sadd.s32 $0x1, s19  }
0x6a: {  	p3 =	sne.s32 s9, s26  }
.Ltmp1:
0x6b: {  	_ = 	snop;
	(pc) =	sbr.rel @!p3 .LBB2_10-.Ltmp1, $3  }
0x6c: {  	_ =	sdelay $0x1  }
0x6d: {  	[sflag:s0] =	ssyncset.done @!p1 $0x0  }
0x6e: {  	[sflag:s0] =	ssyncadd.s32 @!p1 $0xFFFFFF00  }
.LBB2_1:
0x6f: {  	[dreg:$0x14] =	wrdreg s9  }
0x70: {  	s0 =	rddreg [dreg:$0x4]  }
0x71: {  	[tilespmem:s3], [sflag:$0x13] =	stream.linear.gather [hbm4b:s0+s3], $0x40, $0x38;
	[tilespmem:$0x1FF80] =	vst v63  }
0x72: {  	s26 =	rddreg [dreg:$0x5];
	s1 =	simm.s32 $0x300  }
0x73: {  	[tilespmem:s1], [sflag:$0xD] =	stream.linear.gather [hbm4b:s26+s3], $0x40, $0x38;
	[tilespmem:$0x1FF80] =	vst v63  }
0x74: {  	s9 =	rddreg [dreg:$0x6];
	s1 =	simm.s32 $0x80  }
0x75: {  	[tilespmem:s1], [sflag:$0x14] =	stream.linear.gather [hbm4b:s9+s3], $0x40, $0x38;
	[tilespmem:$0x1FF80] =	vst v63  }
0x76: {  	s11 =	rddreg [dreg:$0x7];
	s16 =	simm.s32 $0x380  }
0x77: {  	[tilespmem:s16], [sflag:$0xE] =	stream.linear.gather [hbm4b:s11+s3], $0x40, $0x38;
	[tilespmem:$0x1FF80] =	vst v63  }
0x78: {  	s18 =	rddreg [dreg:$0x8];
	s9 =	simm.s32 $0x100  }
0x79: {  	[tilespmem:s9], [sflag:$0x15] =	stream.linear.gather [hbm4b:s18+s3], $0x40, $0x38;
	[tilespmem:$0x1FF80] =	vst v63  }
0x7a: {  	s19 =	rddreg [dreg:$0x9];
	s26 =	simm.s32 $0x13;
	s11 =	simm.s32 $0x400  }
0x7b: {  	[tilespmem:s11], [sflag:$0xF] =	stream.linear.gather [hbm4b:s19+s3], $0x40, $0x38;
	[tilespmem:$0x1FF80] =	vst v63  }
0x7c: {  	_ =	swait.ge [sflag:s26], $0x40  }
0x7d: {  	[sflag:s26] =	ssyncset.done $0x0  }
0x7e: {  	[sflag:s26] =	ssyncadd.s32 $0xFFFFFFC0  }
0x7f: {  	[tilespmem:s8], [sflag:$0x1] =	stream.indirect.gather [hbm4b:s4+s6], $0x80, s3, s6, $0xb8;
	[tilespmem:$0x1FF80] =	vst v63  }
0x80: {  	s8 =	simm.s32 $0x14  }
0x81: {  	_ =	swait.ge [sflag:s8], $0x40  }
0x82: {  	[sflag:s8] =	ssyncset.done $0x0  }
0x83: {  	s16 =	simm.s32 $0x15;
	s11 =	simm.s32 $0x2700;
	[sflag:s8] =	ssyncadd.s32 $0xFFFFFFC0  }
0x84: {  	[tilespmem:s11], [sflag:$0x2] =	stream.indirect.gather [hbm4b:s4+s6], $0x80, s1, s6, $0xb8;
	[tilespmem:$0x1FF80] =	vst v63  }
.Ltmp2:
0x85: {  	s18 =	simm.s32 $0x4700;
	_ =	swait.ge [sflag:s16], $0x40;
	(pc) =	sbr.rel @!p0 .LBB2_2-.Ltmp2, $4  }
0x86: {  	s19 =	stileid.u32;
	[sflag:s16] =	ssyncset.done $0x0;
	s26 =	rddreg [dreg:$0xa]  }
0x87: {  	s1 =	sshll.u32 s19, $0x6;
	[sflag:s16] =	ssyncadd.s32 $0xFFFFFFC0;
	s11 =	sshrl.u32 s26, $0x3  }
0x88: {  	[tilespmem:s18], [sflag:$0x3] =	stream.indirect.gather [hbm4b:s4+s6], $0x80, s9, s6, $0xb8;
	[tilespmem:$0x1FF80] =	vst v63  }
0x89: {  	s8 =	simm.s32 $0x700;
	s9 =	sor.u32 $0x1C1A, s1;
	[dreg:$0x16] =	wrdreg s11  }
0x8a: {  	s9 =	sor.u32 $0x1C1A, s1;
	s0 =	rddreg [dreg:$0xd]  }
0x8b: {  	[spmem:s11], [sflag:s9] =	dma.local [hbm:s0], $0x2700  }
.Ltmp3:
0x8c: {  	_ = 	snop;
	(pc) =	sbr.rel @p1 .LBB2_5-.Ltmp3, $4  }
.Ltmp4:
0x8d: {  	_ = 	snop;
	(pc) =	sbr.rel @!p1 .LBB2_4-.Ltmp4, $4  }
0x8e: {  	_ =	swait.ge [sflag:s15], $0x2700  }
0x8f: {  	[sflag:s15] =	ssyncset.done $0x0  }
0x90: {  	s11 =	rddreg [dreg:$0x3];
	[sflag:s15] =	ssyncadd.s32 $0xFFFFD900  }
0x91: {  	_ = 	snop  }
.LBB2_2:
.Ltmp5:
0x92: {  	s0 =	rddreg [dreg:$0xb];
	(pc) =	sbr.rel @!p2 .LBB2_5-.Ltmp5, $4  }
0x93: {  	[spmem:s11], [sflag:s9] =	dma.local [hbm:s0], $0x2700  }
0x94: {  	_ =	swait.ge [sflag:s15], $0x2700  }
0x95: {  	[sflag:s15] =	ssyncset.done $0x0  }
0x96: {  	s11 =	smov.u32 s4;
	[sflag:s15] =	ssyncadd.s32 $0xFFFFD900  }
.LBB2_4:
0x97: {  	s0 =	rddreg [dreg:$0xc]  }
0x98: {  	s11 =	sadd.s32 $0x27000, s11;
	s18 =	sshrl.u32 s0, $0x3  }
0x99: {  	[spmem:s18], [sflag:s9] =	dma.local [hbm:s11], $0x100  }
0x9a: {  	_ =	swait.ge [sflag:s15], $0x100  }
0x9b: {  	[sflag:s15] =	ssyncset.done $0x0  }
0x9c: {  	[sflag:s15] =	ssyncadd.s32 $0xFFFFFF00  }
.LBB2_5:
.Ltmp6:
0x9d: {  	(pc) =	sbr.rel .LBB2_6-.Ltmp6, $4  }
0x9e: {  	_ = 	snop  }
0x9f: {  	[dreg:$0x15] =	wrdreg s1  }
0xa0: {  	[bflag:$0x0] =	sbarrier.arrive $0xFFFF  }
0xa1: {  	s9 =	simm.s32 $0x1;
	s11 =	simm.s32 $0x0;
	s18 =	rddreg [dreg:$0x11]  }
.LBB2_8:
0xa2: {  	s11 =	sadd.s32 $0x18, s11  }
0xa3: {  	p3 =	sne.s32 s11, $0x4C8  }
.Ltmp7:
0xa4: {  	_ = 	snop;
	(pc) =	sbr.rel @!p3 .LBB2_9-.Ltmp7, $2  }
0xa5: {  	_ =	sdelay $0x2  }
0xa6: {  	s9 =	sadd.s32 $0x1, s9;
	s18 =	sadd.s32 $0xC0, s18  }
.LBB2_6:
0xa7: {  	s19 =	sand.u32 $0x1, s9  }
0xa8: {  	p3 =	seq.s32 s19, $0x1  }
0xa9: {  	p4 =	slt.u32 @!p3 s9, $0x2  }
0xaa: {  	p4 =	por p4, p3  }
0xab: {  	s0 =	simm.s32 @!p4 $0x7  }
0xac: {  	_ =	swait.ge @!p4 [sflag:s0], $0x2000  }
0xad: {  	[sflag:s0] =	ssyncset.done @!p4 $0x0  }
0xae: {  	[sflag:s0] =	ssyncadd.s32 @!p4 $0xFFFFE000;
	s0 =	simm.s32 @!p4 $0x8  }
0xaf: {  	_ =	swait.ge @!p4 [sflag:s0], $0x2000  }
0xb0: {  	[sflag:s0] =	ssyncset.done @!p4 $0x0  }
0xb1: {  	[sflag:s0] =	ssyncadd.s32 @!p4 $0xFFFFE000;
	s0 =	simm.s32 @!p4 $0x9  }
0xb2: {  	_ =	swait.ge @!p4 [sflag:s0], $0x2000  }
0xb3: {  	s26 =	sshrl.u32 @!p3 s18, $0x3;
	[sflag:s0] =	ssyncset.done @!p4 $0x0  }
0xb4: {  	[sflag:s0] =	ssyncadd.s32 @!p4 $0xFFFFE000;
	s0 =	sadd.s32 @!p3 s5, s26;
	s26 =	simm.s32 @!p3 $0x0  }
0xb5: {  	[tilespmem:s26], [sflag:$0x13] =	stream.linear.gather @!p3 [hbm4b:s0+s26], $0x40, $0x38;
	[tilespmem:$0x1FF80] =	vst v63  }
0xb6: {  	s15 =	simm.s32 @!p3 $0x300;
	s0 =	sadd.s32 @!p3 s11, s25  }
0xb7: {  	[tilespmem:s15], [sflag:$0xD] =	stream.linear.gather @!p3 [hbm4b:s0+s26], $0x40, $0x38;
	[tilespmem:$0x1FF80] =	vst v63  }
0xb8: {  	s0 =	sadd.s32 @!p3 s11, s24;
	s15 =	simm.s32 @!p3 $0x80  }
0xb9: {  	[tilespmem:s15], [sflag:$0x14] =	stream.linear.gather @!p3 [hbm4b:s0+s26], $0x40, $0x38;
	[tilespmem:$0x1FF80] =	vst v63  }
0xba: {  	s16 =	simm.s32 @!p3 $0x380;
	s0 =	sadd.s32 @!p3 s11, s23  }
0xbb: {  	[tilespmem:s16], [sflag:$0xE] =	stream.linear.gather @!p3 [hbm4b:s0+s26], $0x40, $0x38;
	[tilespmem:$0x1FF80] =	vst v63  }
0xbc: {  	s0 =	sadd.s32 @!p3 s11, s22;
	s16 =	simm.s32 @!p3 $0x100  }
0xbd: {  	[tilespmem:s16], [sflag:$0x15] =	stream.linear.gather @!p3 [hbm4b:s0+s26], $0x40, $0x38;
	[tilespmem:$0x1FF80] =	vst v63  }
0xbe: {  	s1 =	simm.s32 @!p3 $0x400;
	s0 =	sadd.s32 @!p3 s11, s21  }
0xbf: {  	[tilespmem:s1], [sflag:$0xF] =	stream.linear.gather @!p3 [hbm4b:s0+s26], $0x40, $0x38;
	[tilespmem:$0x1FF80] =	vst v63  }
0xc0: {  	s0 =	simm.s32 @!p3 $0x13  }
0xc1: {  	_ =	swait.ge @!p3 [sflag:s0], $0x40  }
0xc2: {  	[sflag:s0] =	ssyncset.done @!p3 $0x0  }
0xc3: {  	s1 =	simm.s32 @!p3 $0x700;
	[sflag:s0] =	ssyncadd.s32 @!p3 $0xFFFFFFC0;
	s0 =	simm.s32 @!p3 $0x40  }
0xc4: {  	[tilespmem:s1], [sflag:$0x1] =	stream.indirect.gather @!p3 [hbm4b:s4+s0], $0x80, s26, s0, $0xb8;
	[tilespmem:$0x1FF80] =	vst v63  }
0xc5: {  	s1 =	simm.s32 @!p3 $0x14  }
0xc6: {  	_ =	swait.ge @!p3 [sflag:s1], $0x40  }
0xc7: {  	[sflag:s1] =	ssyncset.done @!p3 $0x0  }
0xc8: {  	[sflag:s1] =	ssyncadd.s32 @!p3 $0xFFFFFFC0;
	s1 =	simm.s32 @!p3 $0x2700  }
0xc9: {  	[tilespmem:s1], [sflag:$0x2] =	stream.indirect.gather @!p3 [hbm4b:s4+s0], $0x80, s15, s0, $0xb8;
	[tilespmem:$0x1FF80] =	vst v63  }
0xca: {  	s1 =	simm.s32 @!p3 $0x15  }
0xcb: {  	_ =	swait.ge @!p3 [sflag:s1], $0x40  }
0xcc: {  	[sflag:s1] =	ssyncset.done @!p3 $0x0  }
0xcd: {  	[sflag:s1] =	ssyncadd.s32 @!p3 $0xFFFFFFC0;
	s1 =	simm.s32 @!p3 $0x4700  }
0xce: {  	[tilespmem:s1], [sflag:$0x3] =	stream.indirect.gather @!p3 [hbm4b:s4+s0], $0x80, s16, s0, $0xb8;
	[tilespmem:$0x1FF80] =	vst v63  }
0xcf: {  	s1 =	simm.s32 @!p3 $0x10  }
0xd0: {  	_ =	swait.ge @!p3 [sflag:s1], $0x40  }
0xd1: {  	[sflag:s1] =	ssyncset.done @!p3 $0x0  }
0xd2: {  	[sflag:s1] =	ssyncadd.s32 @!p3 $0xFFFFFFC0;
	s1 =	simm.s32 @!p3 $0x4  }
0xd3: {  	_ =	swait.ge @!p3 [sflag:s1], $0x2000  }
0xd4: {  	[sflag:s1] =	ssyncset.done @!p3 $0x0  }
0xd5: {  	s15 =	simm.s32 @!p3 $0x6700;
	[sflag:s1] =	ssyncadd.s32 @!p3 $0xFFFFE000;
	s1 =	simm.s32 @!p3 $0x480  }
0xd6: {  	[spmem:s2] =	stream.indirect.scatter.add.f32 @!p3 [tilespmem:s15], [sflag:$0xA], $0x80, s1, s0, $0xb8;
	[tilespmem:$0x1FF80] =	vst v63  }
0xd7: {  	s1 =	simm.s32 @!p3 $0x11  }
0xd8: {  	_ =	swait.ge @!p3 [sflag:s1], $0x40  }
0xd9: {  	[sflag:s1] =	ssyncset.done @!p3 $0x0  }
0xda: {  	[sflag:s1] =	ssyncadd.s32 @!p3 $0xFFFFFFC0;
	s1 =	simm.s32 @!p3 $0x5  }
0xdb: {  	_ =	swait.ge @!p3 [sflag:s1], $0x2000  }
0xdc: {  	[sflag:s1] =	ssyncset.done @!p3 $0x0  }
0xdd: {  	s15 =	simm.s32 @!p3 $0x8700;
	[sflag:s1] =	ssyncadd.s32 @!p3 $0xFFFFE000;
	s1 =	simm.s32 @!p3 $0x500  }
0xde: {  	[spmem:s2] =	stream.indirect.scatter.add.f32 @!p3 [tilespmem:s15], [sflag:$0xB], $0x80, s1, s0, $0xb8;
	[tilespmem:$0x1FF80] =	vst v63  }
0xdf: {  	s1 =	simm.s32 @!p3 $0x12  }
0xe0: {  	_ =	swait.ge @!p3 [sflag:s1], $0x40  }
0xe1: {  	[sflag:s1] =	ssyncset.done @!p3 $0x0  }
0xe2: {  	[sflag:s1] =	ssyncadd.s32 @!p3 $0xFFFFFFC0;
	s1 =	simm.s32 @!p3 $0x6  }
0xe3: {  	_ =	swait.ge @!p3 [sflag:s1], $0x2000  }
0xe4: {  	p4 =	seq.s32 @!p3 s19, $0x0;
	[sflag:s1] =	ssyncset.done @!p3 $0x0  }
0xe5: {  	s15 =	simm.s32 @!p3 $0xA700;
	[sflag:s1] =	ssyncadd.s32 @!p3 $0xFFFFE000;
	s1 =	simm.s32 @!p3 $0x580  }
0xe6: {  	[spmem:s2] =	stream.indirect.scatter.add.f32 @!p3 [tilespmem:s15], [sflag:$0xC], $0x80, s1, s0, $0xb8;
	[tilespmem:$0x1FF80] =	vst v63  }
0xe7: {  	p3 =	por p3, !p4  }
.Ltmp8:
0xe8: {  	_ = 	snop;
	(pc) =	sbr.rel @!p3 .LBB2_8-.Ltmp8, $1  }
0xe9: {  	_ =	sdelay $0x3  }
0xea: {  	p3 =	slt.u32 s9, $0x2  }
0xeb: {  	s0 =	simm.s32 @!p3 $0xA  }
0xec: {  	_ =	swait.ge @!p3 [sflag:s0], $0x2000  }
0xed: {  	[sflag:s0] =	ssyncset.done @!p3 $0x0  }
0xee: {  	[sflag:s0] =	ssyncadd.s32 @!p3 $0xFFFFE000;
	s0 =	simm.s32 @!p3 $0xB  }
0xef: {  	_ =	swait.ge @!p3 [sflag:s0], $0x2000  }
0xf0: {  	[sflag:s0] =	ssyncset.done @!p3 $0x0  }
0xf1: {  	[sflag:s0] =	ssyncadd.s32 @!p3 $0xFFFFE000;
	s0 =	simm.s32 @!p3 $0xC  }
0xf2: {  	_ =	swait.ge @!p3 [sflag:s0], $0x2000  }
0xf3: {  	s1 =	sshrl.u32 s18, $0x3;
	[sflag:s0] =	ssyncset.done @!p3 $0x0  }
0xf4: {  	s15 =	simm.s32 $0x180;
	s16 =	sadd.s32 s5, s1;
	[sflag:s0] =	ssyncadd.s32 @!p3 $0xFFFFE000  }
0xf5: {  	[tilespmem:s15], [sflag:$0x16] =	stream.linear.gather [hbm4b:s16+s3], $0x40, $0x38;
	[tilespmem:$0x1FF80] =	vst v63  }
0xf6: {  	s19 =	sadd.s32 s11, s25;
	s26 =	simm.s32 $0x480  }
0xf7: {  	[tilespmem:s26], [sflag:$0x10] =	stream.linear.gather [hbm4b:s19+s3], $0x40, $0x38;
	[tilespmem:$0x1FF80] =	vst v63  }
0xf8: {  	s16 =	sadd.s32 s11, s24  }
0xf9: {  	[tilespmem:s10], [sflag:$0x17] =	stream.linear.gather [hbm4b:s16+s3], $0x40, $0x38;
	[tilespmem:$0x1FF80] =	vst v63  }
0xfa: {  	s19 =	sadd.s32 s11, s23;
	s26 =	simm.s32 $0x500  }
0xfb: {  	[tilespmem:s26], [sflag:$0x11] =	stream.linear.gather [hbm4b:s19+s3], $0x40, $0x38;
	[tilespmem:$0x1FF80] =	vst v63  }
0xfc: {  	s16 =	sadd.s32 s11, s22  }
0xfd: {  	[tilespmem:s17], [sflag:$0x18] =	stream.linear.gather [hbm4b:s16+s3], $0x40, $0x38;
	[tilespmem:$0x1FF80] =	vst v63  }
0xfe: {  	s19 =	sadd.s32 s11, s21;
	s26 =	simm.s32 $0x580  }
0xff: {  	[tilespmem:s26], [sflag:$0x12] =	stream.linear.gather [hbm4b:s19+s3], $0x40, $0x38;
	[tilespmem:$0x1FF80] =	vst v63  }
0x100: {  	_ =	swait.ge [sflag:s20], $0x40  }
0x101: {  	[sflag:s20] =	ssyncset.done $0x0  }
0x102: {  	s16 =	simm.s32 $0x6700;
	[sflag:s20] =	ssyncadd.s32 $0xFFFFFFC0  }
0x103: {  	[tilespmem:s16], [sflag:$0x4] =	stream.indirect.gather [hbm4b:s4+s6], $0x80, s15, s6, $0xb8;
	[tilespmem:$0x1FF80] =	vst v63  }
0x104: {  	_ =	swait.ge [sflag:s30], $0x40  }
0x105: {  	[sflag:s30] =	ssyncset.done $0x0  }
0x106: {  	s19 =	simm.s32 $0x8700;
	[sflag:s30] =	ssyncadd.s32 $0xFFFFFFC0  }
0x107: {  	[tilespmem:s19], [sflag:$0x5] =	stream.indirect.gather [hbm4b:s4+s6], $0x80, s10, s6, $0xb8;
	[tilespmem:$0x1FF80] =	vst v63  }
0x108: {  	_ =	swait.ge [sflag:s28], $0x40  }
0x109: {  	[sflag:s28] =	ssyncset.done $0x0  }
0x10a: {  	s26 =	simm.s32 $0xA700;
	[sflag:s28] =	ssyncadd.s32 $0xFFFFFFC0  }
0x10b: {  	[tilespmem:s26], [sflag:$0x6] =	stream.indirect.gather [hbm4b:s4+s6], $0x80, s17, s6, $0xb8;
	[tilespmem:$0x1FF80] =	vst v63  }
0x10c: {  	_ =	swait.ge [sflag:s7], $0x40  }
0x10d: {  	[sflag:s7] =	ssyncset.done $0x0  }
0x10e: {  	[sflag:s7] =	ssyncadd.s32 $0xFFFFFFC0  }
0x10f: {  	_ =	swait.ge [sflag:s13], $0x2000  }
0x110: {  	[sflag:s13] =	ssyncset.done $0x0  }
0x111: {  	s1 =	simm.s32 $0x300;
	[sflag:s13] =	ssyncadd.s32 $0xFFFFE000  }
0x112: {  	[spmem:s2] =	stream.indirect.scatter.add.f32 [tilespmem:s8], [sflag:$0x7], $0x80, s1, s6, $0xb8;
	[tilespmem:$0x1FF80] =	vst v63  }
0x113: {  	_ =	swait.ge [sflag:s29], $0x40  }
0x114: {  	[sflag:s29] =	ssyncset.done $0x0  }
0x115: {  	[sflag:s29] =	ssyncadd.s32 $0xFFFFFFC0  }
0x116: {  	_ =	swait.ge [sflag:s12], $0x2000  }
0x117: {  	[sflag:s12] =	ssyncset.done $0x0  }
0x118: {  	s15 =	simm.s32 $0x380;
	s16 =	simm.s32 $0x2700;
	[sflag:s12] =	ssyncadd.s32 $0xFFFFE000  }
0x119: {  	[spmem:s2] =	stream.indirect.scatter.add.f32 [tilespmem:s16], [sflag:$0x8], $0x80, s15, s6, $0xb8;
	[tilespmem:$0x1FF80] =	vst v63  }
0x11a: {  	_ =	swait.ge [sflag:s31], $0x40  }
0x11b: {  	[sflag:s31] =	ssyncset.done $0x0  }
.Ltmp9:
0x11c: {  	[sflag:s31] =	ssyncadd.s32 $0xFFFFFFC0;
	(pc) =	sbr.rel .LBB2_8-.Ltmp9, $4  }
0x11d: {  	_ =	swait.ge [sflag:s14], $0x2000  }
0x11e: {  	[sflag:s14] =	ssyncset.done $0x0  }
0x11f: {  	s19 =	simm.s32 $0x400;
	s26 =	simm.s32 $0x4700;
	[sflag:s14] =	ssyncadd.s32 $0xFFFFE000  }
0x120: {  	[spmem:s2] =	stream.indirect.scatter.add.f32 [tilespmem:s26], [sflag:$0x9], $0x80, s19, s6, $0xb8;
	[tilespmem:$0x1FF80] =	vst v63  }
.LBB2_10:
0x121: {  	_ =	sfence.sel $0x180000  }
0x122: {  	[bflag:$0x0] =	sbarrier.arrive $0xFFFF  }
0x123: {  	_ =	strace $0x9000004A  }
0x124: {  	s0 =	stileid.u32;
	[bflag:$0x2] =	sbarrier.arrive $0xFFFF  }
0x125: {  	p0 =	sne.s32 s0, $0x0;
	s0 =	rddreg [dreg:$0x2]  }
0x126: {  	s0 =	sadd.s32 @!p0 $0x100000, s0  }
0x127: {  	[sflag:s0] =	ssyncadd.tile.s32 @!p0 $0x1;
	_ =	shalt  }
.Lfunc_end2:
_tile_overlayer_lowered:
.L_overlay_start_2:
0x128: {  	(tag) =	ssettag $0x2  }
0x129: {  	s0 =	rddreg [dreg:$0x0];
	s2 =	stileid.u32  }
0x12a: {  	s1 =	rddreg [dreg:$0x1];
	p0 =	sne.s32 s2, $0x0  }
0x12b: {  	s3 =	rddreg [dreg:$0x2];
	[bflag:$0x3] =	sbarrier.arrive $0xFFFF;
	s2 =	simm.s32 @!p0 $0x1C1A  }
0x12c: {  	[timem:s3], [sflag:s2] =	dma.local @!p0 [hbm:s0], s1  }
0x12d: {  	s0 =	simm.s32 @!p0 $0x1A  }
0x12e: {  	_ =	swait.ge @!p0 [sflag:s0], s1  }
0x12f: {  	s1 =	ssub.s32 @!p0 $0x0, s1;
	[sflag:s0] =	ssyncset.done @!p0 $0x0  }
0x130: {  	[sflag:s0] =	ssyncadd.s32 @!p0 s1  }
0x131: {  	[bflag:$0x3] =	sbarrier.arrive $0xFFFF  }
0x132: {  	_ =	shalt  }

</sc_bundles>
